<compile_context>
chip_gen: v7x
topology: tpu7x:2x2x1
jax: 0.10.2.dev20260603
libtpu: 0.0.44.dev20260713+nightly
codegen_flags: <defaults>
</compile_context>

<pallas_src>
import functools

import jax
import jax.numpy as jnp
from jax import lax
from jax.experimental import pallas as pl
from jax.experimental.pallas import tpu as pltpu
from jax.experimental.pallas import tpu_sc as plsc

N = 10000
E = 320000
DIN = 128
H = 8
D = 16
HD = H * D
C = 16

NP = 10240
EP = 327680
NC = 2
NS = 16
NW = NC * NS
EW = EP // NW
K = 128
NCHUNK = EW // K
U = 10
NSUPER = NCHUNK // U
RPT = NP // NS

f32 = jnp.float32
i32 = jnp.int32

_HIGH = jax.lax.Precision.HIGHEST


def _sc_mesh():
    return plsc.VectorSubcoreMesh(
        core_axis_name="c", subcore_axis_name="s",
        num_cores=NC, num_subcores=NS)



_BR = 1024


def _dense1_body(x_ref, w_ref, al_ref, ar_ref,
                 z_ref, el_ref, er_ref, mxl_ref, mxr_ref):
    i = pl.program_id(0)
    z = jnp.dot(x_ref[...], w_ref[...], preferred_element_type=f32,
                precision=_HIGH)
    z_ref[...] = z
    el = jnp.dot(z, al_ref[...], preferred_element_type=f32, precision=_HIGH)
    er = jnp.dot(z, ar_ref[...], preferred_element_type=f32, precision=_HIGH)
    el_ref[...] = el
    er_ref[...] = er

    @pl.when(i == 0)
    def _():
        mxl_ref[...] = jnp.full((1, 16), -1e30, f32)
        mxr_ref[...] = jnp.full((1, 16), -1e30, f32)

    mxl_ref[...] = jnp.maximum(mxl_ref[...], jnp.max(el, axis=0, keepdims=True))
    mxr_ref[...] = jnp.maximum(mxr_ref[...], jnp.max(er, axis=0, keepdims=True))


def _dense1(xp, W, AL, AR):
    return pl.pallas_call(
        _dense1_body,
        grid=(NP // _BR,),
        in_specs=[pl.BlockSpec((_BR, HD), lambda i: (i, 0)),
                  pl.BlockSpec((HD, HD), lambda i: (0, 0)),
                  pl.BlockSpec((HD, 16), lambda i: (0, 0)),
                  pl.BlockSpec((HD, 16), lambda i: (0, 0))],
        out_specs=[pl.BlockSpec((_BR, HD), lambda i: (i, 0)),
                   pl.BlockSpec((_BR, 16), lambda i: (i, 0)),
                   pl.BlockSpec((_BR, 16), lambda i: (i, 0)),
                   pl.BlockSpec((1, 16), lambda i: (0, 0)),
                   pl.BlockSpec((1, 16), lambda i: (0, 0))],
        out_shape=[jax.ShapeDtypeStruct((NP, HD), f32),
                   jax.ShapeDtypeStruct((NP, 16), f32),
                   jax.ShapeDtypeStruct((NP, 16), f32),
                   jax.ShapeDtypeStruct((1, 16), f32),
                   jax.ShapeDtypeStruct((1, 16), f32)],
    )(xp, W, AL, AR)


def _dense2_body(p0_ref, p1_ref, d0_ref, d1_ref, rx_ref, b_ref, w_ref,
                 al_ref, ar_ref,
                 z_ref, el_ref, er_ref, mxl_ref, mxr_ref):
    i = pl.program_id(0)
    rd = 1.0 / jnp.maximum(d0_ref[...] + d1_ref[...], 1e-9)
    rde = jnp.dot(rd, rx_ref[...], preferred_element_type=f32,
                  precision=_HIGH)
    h = jnp.maximum((p0_ref[...] + p1_ref[...]) * rde + b_ref[...], 0.0)
    z = jnp.dot(h, w_ref[...], preferred_element_type=f32, precision=_HIGH)
    z_ref[...] = z
    el = jnp.dot(z, al_ref[...], preferred_element_type=f32, precision=_HIGH)
    er = jnp.dot(z, ar_ref[...], preferred_element_type=f32, precision=_HIGH)
    el_ref[...] = el
    er_ref[...] = er

    @pl.when(i == 0)
    def _():
        mxl_ref[...] = jnp.full((1, 16), -1e30, f32)
        mxr_ref[...] = jnp.full((1, 16), -1e30, f32)

    mxl_ref[...] = jnp.maximum(mxl_ref[...], jnp.max(el, axis=0, keepdims=True))
    mxr_ref[...] = jnp.maximum(mxr_ref[...], jnp.max(er, axis=0, keepdims=True))


def _dense2(h0, h1p, d0, d1, rexp, brow, W, AL, AR):
    return pl.pallas_call(
        _dense2_body,
        grid=(NP // _BR,),
        in_specs=[pl.BlockSpec((_BR, HD), lambda i: (i, 0)),
                  pl.BlockSpec((_BR, HD), lambda i: (i, 0)),
                  pl.BlockSpec((_BR, 16), lambda i: (i, 0)),
                  pl.BlockSpec((_BR, 16), lambda i: (i, 0)),
                  pl.BlockSpec((16, HD), lambda i: (0, 0)),
                  pl.BlockSpec((1, HD), lambda i: (0, 0)),
                  pl.BlockSpec((HD, HD), lambda i: (0, 0)),
                  pl.BlockSpec((HD, 16), lambda i: (0, 0)),
                  pl.BlockSpec((HD, 16), lambda i: (0, 0))],
        out_specs=[pl.BlockSpec((_BR, HD), lambda i: (i, 0)),
                   pl.BlockSpec((_BR, 16), lambda i: (i, 0)),
                   pl.BlockSpec((_BR, 16), lambda i: (i, 0)),
                   pl.BlockSpec((1, 16), lambda i: (0, 0)),
                   pl.BlockSpec((1, 16), lambda i: (0, 0))],
        out_shape=[jax.ShapeDtypeStruct((NP, HD), f32),
                   jax.ShapeDtypeStruct((NP, 16), f32),
                   jax.ShapeDtypeStruct((NP, 16), f32),
                   jax.ShapeDtypeStruct((1, 16), f32),
                   jax.ShapeDtypeStruct((1, 16), f32)],
    )(h0, h1p, d0, d1, rexp, brow, W, AL, AR)


def _final_body(w0_ref, w1_ref, z2_ref, rexp_ref, b2_ref, wc_ref, bc_ref,
                o_ref):
    w = w0_ref[...] + w1_ref[...]
    rows = lax.broadcasted_iota(i32, (NP, 1), 0)
    w = jnp.where(rows < N, w, 0.0)
    we = jnp.dot(w, rexp_ref[...], preferred_element_type=f32,
                 precision=_HIGH)
    s = jnp.sum(we * z2_ref[...], axis=0, keepdims=True)
    hg = s * (1.0 / N) + b2_ref[...]
    o_ref[...] = jnp.dot(hg, wc_ref[...], preferred_element_type=f32,
                         precision=_HIGH) + bc_ref[...]


def _final(wp, z2, rexp, b2row, Wc, bcrow):
    return pl.pallas_call(
        _final_body,
        out_shape=jax.ShapeDtypeStruct((1, C), f32),
    )(wp[:NP], wp[NP:], z2, rexp, b2row, Wc, bcrow)



@functools.partial(
    pl.kernel,
    out_type=[jax.ShapeDtypeStruct((EP, 16), f32),
              jax.ShapeDtypeStruct((2 * NP, 16), f32)],
    mesh=_sc_mesh(),
    compiler_params=pltpu.CompilerParams(use_tc_tiling_on_sc=False),
    scratch_types=[
        pltpu.VMEM((K,), i32),
        pltpu.VMEM((K,), i32),
        pltpu.VMEM((K, 16), f32),
        pltpu.VMEM((K, 16), f32),
        pltpu.VMEM((K, 16), f32),
        pltpu.VMEM((16,), f32),
        pltpu.VMEM((RPT, 16), f32),
        pltpu.VMEM_SHARED((NP, 16), f32),
        pltpu.VMEM_SHARED((NP, 16), f32),
        pltpu.VMEM_SHARED((NP, 16), f32),
        pltpu.SemaphoreType.DMA,
        pltpu.SemaphoreType.DMA,
    ],
)
def _edge_stats(src_hbm, dst_hbm, el_hbm, er_hbm, b_hbm,
                ee_hbm, dp_hbm,
                srcv, dstv, elv, erv, eev, bv, zbuf, dacc, elsh, ersh,
                sem1, sem2):
    c = lax.axis_index("c")
    s = lax.axis_index("s")
    wid = s * NC + c
    base = wid * EW

    pltpu.sync_copy(b_hbm, bv)
    pltpu.sync_copy(el_hbm.at[pl.ds(s * RPT, RPT)],
                    elsh.at[pl.ds(s * RPT, RPT)])
    pltpu.sync_copy(er_hbm.at[pl.ds(s * RPT, RPT)],
                    ersh.at[pl.ds(s * RPT, RPT)])

    def _zrow(j, carry):
        zbuf[j, :] = jnp.zeros((16,), f32)
        return carry

    lax.fori_loop(0, RPT, _zrow, 0)
    pltpu.sync_copy(zbuf, dacc.at[pl.ds(s * RPT, RPT)])
    plsc.subcore_barrier()

    bvec = bv[...]

    def _chunk(t, carry):
        off = base + t * K
        i1 = pltpu.async_copy(src_hbm.at[pl.ds(off, K)], srcv, sem1)
        i2 = pltpu.async_copy(dst_hbm.at[pl.ds(off, K)], dstv, sem2)
        i1.wait()
        i2.wait()
        g1 = pltpu.async_copy(elsh.at[srcv], elv, sem1)
        g2 = pltpu.async_copy(ersh.at[dstv], erv, sem2)
        g1.wait()
        g2.wait()

        def _row(r, rc):
            x = elv[r, :] + erv[r, :]
            e = jnp.maximum(x, 0.2 * x)
            eev[r, :] = jnp.exp(e - bvec)
            return rc

        lax.fori_loop(0, K, _row, 0)
        w1 = pltpu.async_copy(eev, ee_hbm.at[pl.ds(off, K)], sem1)
        pltpu.sync_copy(eev, dacc.at[dstv], add=True)
        w1.wait()
        return carry

    lax.fori_loop(0, NCHUNK, _chunk, 0)
    plsc.subcore_barrier()
    pltpu.sync_copy(dacc.at[pl.ds(s * RPT, RPT)],
                    dp_hbm.at[pl.ds(c * NP + s * RPT, RPT)])


@functools.partial(
    pl.kernel,
    out_type=jax.ShapeDtypeStruct((2 * NP, HD), f32),
    mesh=_sc_mesh(),
    compiler_params=pltpu.CompilerParams(use_tc_tiling_on_sc=False),
    scratch_types=[
        pltpu.VMEM((K,), i32),
        pltpu.VMEM((K,), i32),
        pltpu.VMEM((K, 16), f32),
        pltpu.VMEM((K, HD), f32),
        pltpu.VMEM_SHARED((NP, HD), f32),
        pltpu.SemaphoreType.DMA,
        pltpu.SemaphoreType.DMA,
    ],
)
def _aggregate(src_hbm, dst_hbm, ee_hbm, z_hbm,
               hp_hbm,
               srcv, dstv, eev, zrows, hacc, sem1, sem2):
    c = lax.axis_index("c")
    s = lax.axis_index("s")
    wid = s * NC + c
    base = wid * EW

    def _zrow(j, carry):
        zrows[j // 8, pl.ds((j % 8) * D, D)] = jnp.zeros((16,), f32)
        return carry

    lax.fori_loop(0, K * 8, _zrow, 0)

    def _zcp(j, carry):
        pltpu.sync_copy(zrows, hacc.at[pl.ds(s * RPT + j * K, K)])
        return carry

    lax.fori_loop(0, RPT // K, _zcp, 0)
    plsc.subcore_barrier()

    def _chunk(t, carry):
        off = base + t * K
        i1 = pltpu.async_copy(src_hbm.at[pl.ds(off, K)], srcv, sem1)
        i2 = pltpu.async_copy(dst_hbm.at[pl.ds(off, K)], dstv, sem2)
        i1.wait()
        i2.wait()
        g1 = pltpu.async_copy(z_hbm.at[srcv], zrows, sem1)
        g2 = pltpu.async_copy(ee_hbm.at[pl.ds(off, K)], eev, sem2)
        g2.wait()
        g1.wait()

        def _row(r, rc):
            av = eev[r, :]
            for h in range(H):
                zrows[r, pl.ds(h * D, D)] = zrows[r, pl.ds(h * D, D)] * av[h]
            return rc

        lax.fori_loop(0, K, _row, 0)
        pltpu.sync_copy(zrows, hacc.at[dstv], add=True)
        return carry

    lax.fori_loop(0, NCHUNK, _chunk, 0)
    plsc.subcore_barrier()

    def _out(j, carry):
        r0 = s * RPT + j * K
        pltpu.sync_copy(hacc.at[pl.ds(r0, K)],
                        hp_hbm.at[pl.ds(c * NP + r0, K)])
        return carry

    lax.fori_loop(0, RPT // K, _out, 0)


@functools.partial(
    pl.kernel,
    out_type=jax.ShapeDtypeStruct((2 * NP, 16), f32),
    mesh=_sc_mesh(),
    compiler_params=pltpu.CompilerParams(use_tc_tiling_on_sc=False),
    scratch_types=[
        pltpu.VMEM((K,), i32),
        pltpu.VMEM((K,), i32),
        pltpu.VMEM((K, 16), f32),
        pltpu.VMEM((K, 16), f32),
        pltpu.VMEM((RPT, 16), f32),
        pltpu.VMEM_SHARED((NP, 16), f32),
        pltpu.VMEM_SHARED((NP, 16), f32),
        pltpu.SemaphoreType.DMA,
        pltpu.SemaphoreType.DMA,
    ],
)
def _edge_weights(src_hbm, dst_hbm, ee_hbm, dp_hbm,
                  wp_hbm,
                  srcv, dstv, eev, rdv, zbuf, wacc, rdsh, sem1, sem2):
    c = lax.axis_index("c")
    s = lax.axis_index("s")
    wid = s * NC + c
    base = wid * EW

    def _rc(j, carry):
        r0 = s * RPT + j * K
        pltpu.sync_copy(dp_hbm.at[pl.ds(r0, K)], eev)
        pltpu.sync_copy(dp_hbm.at[pl.ds(NP + r0, K)], rdv)

        def _row(r, rc2):
            eev[r, :] = 1.0 / jnp.maximum(eev[r, :] + rdv[r, :], 1e-9)
            return rc2

        lax.fori_loop(0, K, _row, 0)
        pltpu.sync_copy(eev, rdsh.at[pl.ds(r0, K)])
        return carry

    lax.fori_loop(0, RPT // K, _rc, 0)

    def _zrow(j, carry):
        zbuf[j, :] = jnp.zeros((16,), f32)
        return carry

    lax.fori_loop(0, RPT, _zrow, 0)
    pltpu.sync_copy(zbuf, wacc.at[pl.ds(s * RPT, RPT)])
    plsc.subcore_barrier()

    def _chunk(t, carry):
        off = base + t * K
        i1 = pltpu.async_copy(src_hbm.at[pl.ds(off, K)], srcv, sem1)
        i2 = pltpu.async_copy(dst_hbm.at[pl.ds(off, K)], dstv, sem2)
        i1.wait()
        i2.wait()
        g1 = pltpu.async_copy(rdsh.at[dstv], rdv, sem1)
        g2 = pltpu.async_copy(ee_hbm.at[pl.ds(off, K)], eev, sem2)
        g2.wait()
        g1.wait()

        def _row(r, rc):
            eev[r, :] = eev[r, :] * rdv[r, :]
            return rc

        lax.fori_loop(0, K, _row, 0)
        pltpu.sync_copy(eev, wacc.at[srcv], add=True)
        return carry

    lax.fori_loop(0, NCHUNK, _chunk, 0)
    plsc.subcore_barrier()
    pltpu.sync_copy(wacc.at[pl.ds(s * RPT, RPT)],
                    wp_hbm.at[pl.ds(c * NP + s * RPT, RPT)])



def _amat(a):
    af = a.reshape(HD)
    cols = jnp.arange(HD) // D
    m = jnp.zeros((HD, 16), f32)
    m = m.at[jnp.arange(HD), cols].set(af)
    m = m.at[jnp.arange(HD), cols + 8].set(af)
    return m


def _lrelu(x):
    return jnp.maximum(x, 0.2 * x)


def kernel(feat, edge_index, W1, al1, ar1, b1, W2, al2, ar2, b2, Wc, bc):
    xp = jnp.zeros((NP, DIN), f32).at[:N].set(feat)
    pad_ids = N + (jnp.arange(EP - E, dtype=i32) % 16)
    srcp = jnp.concatenate([edge_index[0], pad_ids])
    dstp = jnp.concatenate([edge_index[1], pad_ids])
    AL1, AR1 = _amat(al1), _amat(ar1)
    AL2, AR2 = _amat(al2), _amat(ar2)
    cc = jnp.arange(HD)
    rexp = ((cc[None, :] // D) == (jnp.arange(16)[:, None] % 8)).astype(f32) * 0.5

    z1, el1, er1, mxl1, mxr1 = _dense1(xp, W1, AL1, AR1)
    b16_1 = _lrelu(mxl1 + mxr1).reshape(16)
    ee1, dp1 = _edge_stats(srcp, dstp, el1, er1, b16_1)
    h1p = _aggregate(srcp, dstp, ee1, z1)

    z2, el2, er2, mxl2, mxr2 = _dense2(
        h1p[:NP], h1p[NP:], dp1[:NP], dp1[NP:], rexp,
        b1.reshape(1, HD), W2, AL2, AR2)
    b16_2 = _lrelu(mxl2 + mxr2).reshape(16)
    ee2, dp2 = _edge_stats(srcp, dstp, el2, er2, b16_2)
    wp = _edge_weights(srcp, dstp, ee2, dp2)

    return _final(wp, z2, rexp, b2.reshape(1, HD), Wc, bc.reshape(1, C))

# --- scband reference (transcript-rebuilt; emitter-appended) ---
"""Pipeline reference for scband-gatmodel-39986145525985 (READ-ONLY COPY).

The authoritative reference and input builder live on the scoring server;
editing this copy changes nothing except your own understanding.
"""

import jax, jax.numpy as jnp
import numpy as np

N = 10000
E = 320000
DIN = 128
H = 8
D = 16
C = 16


def gat_conv(x, edge_index, W, attn_l, attn_r, bias):
    src = edge_index[0]
    dst = edge_index[1]
    z = (x @ W).reshape(N, H, D)
    el = jnp.sum(z * attn_l[None, :, :], axis=-1)  # [N, H]
    er = jnp.sum(z * attn_r[None, :, :], axis=-1)  # [N, H]
    e = jax.nn.leaky_relu(el[src] + er[dst], negative_slope=0.2)  # [E, H]
    emax = jax.ops.segment_max(e, dst, num_segments=N)
    emax = jnp.where(jnp.isfinite(emax), emax, 0.0)
    emax = jax.lax.stop_gradient(emax)
    ee = jnp.exp(e - emax[dst])
    denom = jax.ops.segment_sum(ee, dst, num_segments=N)
    alpha = ee / jnp.maximum(denom[dst], 1e-9)  # [E, H]
    out = jax.ops.segment_sum(alpha[:, :, None] * z[src], dst, num_segments=N)
    return out + bias.reshape(1, H, D)


def setup_inputs(seed: int = 0) -> dict:
    key = jax.random.key(seed)
    ks = jax.random.split(key, 12)
    feat = jax.random.normal(ks[0], (N, DIN), dtype=jnp.float32)
    edge_index = jax.random.randint(ks[1], (2, E), 0, N, dtype=jnp.int32)
    W1 = jax.random.normal(ks[2], (DIN, H * D), dtype=jnp.float32) * 0.05
    al1 = jax.random.normal(ks[3], (H, D), dtype=jnp.float32) * 0.05
    ar1 = jax.random.normal(ks[4], (H, D), dtype=jnp.float32) * 0.05
    b1 = jnp.zeros((H * D,), dtype=jnp.float32)
    W2 = jax.random.normal(ks[5], (H * D, H * D), dtype=jnp.float32) * 0.05
    al2 = jax.random.normal(ks[6], (H, D), dtype=jnp.float32) * 0.05
    ar2 = jax.random.normal(ks[7], (H, D), dtype=jnp.float32) * 0.05
    b2 = jnp.zeros((H * D,), dtype=jnp.float32)
    Wc = jax.random.normal(ks[8], (H * D, C), dtype=jnp.float32) * 0.05
    bc = jnp.zeros((C,), dtype=jnp.float32)
    return {"feat": feat, "edge_index": edge_index, "W1": W1, "al1": al1,
            "ar1": ar1, "b1": b1, "W2": W2, "al2": al2, "ar2": ar2,
            "b2": b2, "Wc": Wc, "bc": bc}


def reference(feat, edge_index, W1, al1, ar1, b1, W2, al2, ar2, b2, Wc, bc):
    h = gat_conv(feat, edge_index, W1, al1, ar1, b1)  # [N, H, D]
    h = jax.nn.relu(h)
    h = h.reshape(N, H * D)
    h = gat_conv(h, edge_index, W2, al2, ar2, b2)  # [N, H, D]
    hg = jnp.mean(h, axis=0, keepdims=True)  # mean_nodes over single graph -> [1, H, D]
    hg = hg.reshape(1, H * D)
    return hg @ Wc + bc

if __name__ == "__main__":
    import jax
    _d = setup_inputs()
    print(jax.jit(kernel)(*tuple(_d.values())))

</pallas_src>

<mosaic_0001>
#map = affine_map<(d0, d1) -> (0)>
#map1 = affine_map<(d0, d1) -> (0, 0)>
module attributes {stable_mosaic.version = 14 : i64} {
  func.func @_aggregate(%arg0: i32, %arg1: i32, %arg2: memref<327680xi32, #tpu.memory_space<hbm>>, %arg3: memref<327680xi32, #tpu.memory_space<hbm>>, %arg4: memref<327680x16xf32, #tpu.memory_space<hbm>>, %arg5: memref<10240x128xf32, #tpu.memory_space<hbm>>, %arg6: memref<20480x128xf32, #tpu.memory_space<hbm>>, %arg7: memref<128xi32, #tpu.memory_space<vmem>>, %arg8: memref<128xi32, #tpu.memory_space<vmem>>, %arg9: memref<128x16xf32, #tpu.memory_space<vmem>>, %arg10: memref<128x128xf32, #tpu.memory_space<vmem>>, %arg11: memref<10240x128xf32, #tpu.memory_space<vmem_shared>>, %arg12: memref<!tpu.dma_semaphore, #tpu.memory_space<semaphore_mem>>, %arg13: memref<!tpu.dma_semaphore, #tpu.memory_space<semaphore_mem>>) attributes {dimension_semantics = [#tpu.dimension_semantics<core_parallel>, #tpu.dimension_semantics<subcore_parallel>], iteration_bounds = array<i64: 2, 16>, scalar_prefetch = 0 : i64, scratch_operands = 7 : i64, tpu.core_type = #tpu.core_type<sc_vector_subcore>, window_params = [{transform_indices = #map}, {transform_indices = #map}, {transform_indices = #map1}, {transform_indices = #map1}, {transform_indices = #map1}]} {
    %mul3A = arith.constant 2 : i32
    %mul3A_0 = arith.muli %arg1, %mul3A : i32
    %add3A = arith.addi %mul3A_0, %arg0 : i32
    %mul3A_1 = arith.constant 10240 : i32
    %mul3A_2 = arith.muli %add3A, %mul3A_1 : i32
    %scan3A = arith.constant 0 : i32
    %scan3A_3 = arith.constant 0 : i32
    %scan3A_4 = arith.constant 1024 : i32
    %scan3A_5 = arith.addi %scan3A_3, %scan3A_4 : i32
    %scan3A_6 = arith.constant 1 : i32
    scf.for %scan3A_27 = %scan3A_3 to %scan3A_5 step %scan3A_6  : i32 {
      %broadcast_in_dim3A = arith.constant 0.000000e+00 : f32
      %broadcast_in_dim3A_28 = vector.broadcast %broadcast_in_dim3A : f32 to vector<16xf32>
      %jit3A = arith.constant 8 : i32
      %div3A = arith.divsi %scan3A_27, %jit3A : i32
      %sign3A = arith.constant 0 : i32
      %sign3A_29 = arith.cmpi sgt, %scan3A_27, %sign3A : i32
      %sign3A_30 = arith.extui %sign3A_29 : i1 to i32
      %sign3A_31 = arith.constant 0 : i32
      %sign3A_32 = arith.cmpi slt, %scan3A_27, %sign3A_31 : i32
      %sign3A_33 = arith.extui %sign3A_32 : i1 to i32
      %sign3A_34 = arith.subi %sign3A_30, %sign3A_33 : i32
      %sign3A_35 = arith.constant 0 : i32
      %sign3A_36 = arith.cmpi sgt, %jit3A, %sign3A_35 : i32
      %sign3A_37 = arith.extui %sign3A_36 : i1 to i32
      %sign3A_38 = arith.constant 0 : i32
      %sign3A_39 = arith.cmpi slt, %jit3A, %sign3A_38 : i32
      %sign3A_40 = arith.extui %sign3A_39 : i1 to i32
      %sign3A_41 = arith.subi %sign3A_37, %sign3A_40 : i32
      %ne3A = arith.cmpi ne, %sign3A_34, %sign3A_41 : i32
      %rem3A = arith.remsi %scan3A_27, %jit3A : i32
      %ne3A_42 = arith.constant 0 : i32
      %ne3A_43 = arith.cmpi ne, %rem3A, %ne3A_42 : i32
      %and3A = arith.andi %ne3A, %ne3A_43 : i1
      %sub3A = arith.constant 1 : i32
      %sub3A_44 = arith.subi %div3A, %sub3A : i32
      %select_n3A = arith.select %and3A, %sub3A_44, %div3A : i32
      %jit3A_45 = arith.constant 8 : i32
      %eq3A = arith.constant 0 : i32
      %eq3A_46 = arith.cmpi eq, %jit3A_45, %eq3A : i32
      %jit3A_47 = arith.constant 1 : i32
      %select_n3A_48 = arith.select %eq3A_46, %jit3A_47, %jit3A_45 : i32
      %rem3A_49 = arith.remsi %scan3A_27, %select_n3A_48 : i32
      %ne3A_50 = arith.constant 0 : i32
      %ne3A_51 = arith.cmpi ne, %rem3A_49, %ne3A_50 : i32
      %lt3A = arith.constant 0 : i32
      %lt3A_52 = arith.cmpi slt, %rem3A_49, %lt3A : i32
      %lt3A_53 = arith.constant 0 : i32
      %lt3A_54 = arith.cmpi slt, %select_n3A_48, %lt3A_53 : i32
      %ne3A_55 = arith.xori %lt3A_52, %lt3A_54 : i1
      %and3A_56 = arith.andi %ne3A_55, %ne3A_51 : i1
      %add3A_57 = arith.addi %rem3A_49, %select_n3A_48 : i32
      %select_n3A_58 = arith.select %and3A_56, %add3A_57, %rem3A_49 : i32
      %mul3A_59 = arith.constant 16 : i32
      %mul3A_60 = arith.muli %select_n3A_58, %mul3A_59 : i32
      %swap3A = arith.index_cast %select_n3A : i32 to index
      %swap3A_61 = arith.index_cast %mul3A_60 : i32 to index
      %swap3A_62 = tpu.vector_load %arg10[%swap3A, %swap3A_61] {strides = array<i32>} : memref<128x128xf32, #tpu.memory_space<vmem>>, vector<1x16xf32>,
      %swap3A_63 = vector.shape_cast %swap3A_62 : vector<1x16xf32> to vector<16xf32>
      %swap3A_64 = vector.shape_cast %broadcast_in_dim3A_28 : vector<16xf32> to vector<1x16xf32>
      tpu.vector_store %arg10[%swap3A, %swap3A_61], %swap3A_64 {strides = array<i32>} : memref<128x128xf32, #tpu.memory_space<vmem>>, vector<1x16xf32>,
    }
    %scan3A_7 = arith.constant 1024 : i32
    %scan3A_8 = arith.constant 0 : i32
    %scan3A_9 = arith.constant 0 : i32
    %scan3A_10 = arith.constant 5 : i32
    %scan3A_11 = arith.addi %scan3A_9, %scan3A_10 : i32
    %scan3A_12 = arith.constant 1 : i32
    scf.for %scan3A_27 = %scan3A_9 to %scan3A_11 step %scan3A_12  : i32 {
      %mul3A_28 = arith.constant 640 : i32
      %mul3A_29 = arith.muli %arg1, %mul3A_28 : i32
      %mul3A_30 = arith.constant 128 : i32
      %mul3A_31 = arith.muli %scan3A_27, %mul3A_30 : i32
      %add3A_32 = arith.addi %mul3A_29, %mul3A_31 : i32
      "tpu.region"() ({
        %run_scoped3A = tpu.sem_alloc : memref<!tpu.dma_semaphore, #tpu.memory_space<semaphore_mem>>
        %dma_start3A = arith.constant 0 : i32
        %dma_start3A_33 = tpu.memref_slice %arg11[%add3A_32, %dma_start3A] : memref<10240x128xf32, #tpu.memory_space<vmem_shared>> -> memref<128x128xf32, #tpu.memory_space<vmem_shared>>
        %dma_start3A_34 = arith.constant 0 : i32
        %dma_start3A_35 = tpu.memref_slice %arg11[%add3A_32, %dma_start3A_34] : memref<10240x128xf32, #tpu.memory_space<vmem_shared>> -> memref<128x128xf32, #tpu.memory_space<vmem_shared>>
        tpu.enqueue_dma source(%arg10 : memref<128x128xf32, #tpu.memory_space<vmem>>) target(%dma_start3A_35 : memref<128x128xf32, #tpu.memory_space<vmem_shared>>) target_semaphore(%run_scoped3A : memref<!tpu.dma_semaphore, #tpu.memory_space<semaphore_mem>>)
        %dma_wait3A = arith.constant 0 : i32
        %dma_wait3A_36 = tpu.memref_slice %arg11[%add3A_32, %dma_wait3A] : memref<10240x128xf32, #tpu.memory_space<vmem_shared>> -> memref<128x128xf32, #tpu.memory_space<vmem_shared>>
        %dma_wait3A_37 = arith.constant 0 : i32
        %dma_wait3A_38 = tpu.memref_slice %arg11[%add3A_32, %dma_wait3A_37] : memref<10240x128xf32, #tpu.memory_space<vmem_shared>> -> memref<128x128xf32, #tpu.memory_space<vmem_shared>>
        tpu.wait_dma2 semaphore(%run_scoped3A : memref<!tpu.dma_semaphore, #tpu.memory_space<semaphore_mem>>) src(%arg10 : memref<128x128xf32, #tpu.memory_space<vmem>>) dst(%dma_wait3A_38 : memref<128x128xf32, #tpu.memory_space<vmem_shared>>)
        tpu.yield
      }) : () -> ()
    }
    %scan3A_13 = arith.constant 5 : i32
    %barrier3A = arith.constant 0 : index
    tpu.barrier barrier_id(%barrier3A)
    %scan3A_14 = arith.constant 0 : i32
    %scan3A_15 = arith.constant 0 : i32
    %scan3A_16 = arith.constant 80 : i32
    %scan3A_17 = arith.addi %scan3A_15, %scan3A_16 : i32
    %scan3A_18 = arith.constant 1 : i32
    scf.for %scan3A_27 = %scan3A_15 to %scan3A_17 step %scan3A_18  : i32 {
      %mul3A_28 = arith.constant 128 : i32
      %mul3A_29 = arith.muli %scan3A_27, %mul3A_28 : i32
      %add3A_30 = arith.addi %mul3A_2, %mul3A_29 : i32
      %dma_start3A = tpu.memref_slice %arg2[%add3A_30] : memref<327680xi32, #tpu.memory_space<hbm>> -> memref<128xi32, #tpu.memory_space<hbm>>
      %dma_start3A_31 = tpu.memref_slice %arg2[%add3A_30] : memref<327680xi32, #tpu.memory_space<hbm>> -> memref<128xi32, #tpu.memory_space<hbm>>
      tpu.enqueue_dma source(%dma_start3A_31 : memref<128xi32, #tpu.memory_space<hbm>>) target(%arg7 : memref<128xi32, #tpu.memory_space<vmem>>) target_semaphore(%arg12 : memref<!tpu.dma_semaphore, #tpu.memory_space<semaphore_mem>>)
      %dma_start3A_32 = tpu.memref_slice %arg3[%add3A_30] : memref<327680xi32, #tpu.memory_space<hbm>> -> memref<128xi32, #tpu.memory_space<hbm>>
      %dma_start3A_33 = tpu.memref_slice %arg3[%add3A_30] : memref<327680xi32, #tpu.memory_space<hbm>> -> memref<128xi32, #tpu.memory_space<hbm>>
      tpu.enqueue_dma source(%dma_start3A_33 : memref<128xi32, #tpu.memory_space<hbm>>) target(%arg8 : memref<128xi32, #tpu.memory_space<vmem>>) target_semaphore(%arg13 : memref<!tpu.dma_semaphore, #tpu.memory_space<semaphore_mem>>)
      %dma_wait3A = tpu.memref_slice %arg2[%add3A_30] : memref<327680xi32, #tpu.memory_space<hbm>> -> memref<128xi32, #tpu.memory_space<hbm>>
      %dma_wait3A_34 = tpu.memref_slice %arg2[%add3A_30] : memref<327680xi32, #tpu.memory_space<hbm>> -> memref<128xi32, #tpu.memory_space<hbm>>
      tpu.wait_dma2 semaphore(%arg12 : memref<!tpu.dma_semaphore, #tpu.memory_space<semaphore_mem>>) src(%dma_wait3A_34 : memref<128xi32, #tpu.memory_space<hbm>>) dst(%arg7 : memref<128xi32, #tpu.memory_space<vmem>>)
      %dma_wait3A_35 = tpu.memref_slice %arg3[%add3A_30] : memref<327680xi32, #tpu.memory_space<hbm>> -> memref<128xi32, #tpu.memory_space<hbm>>
      %dma_wait3A_36 = tpu.memref_slice %arg3[%add3A_30] : memref<327680xi32, #tpu.memory_space<hbm>> -> memref<128xi32, #tpu.memory_space<hbm>>
      tpu.wait_dma2 semaphore(%arg13 : memref<!tpu.dma_semaphore, #tpu.memory_space<semaphore_mem>>) src(%dma_wait3A_36 : memref<128xi32, #tpu.memory_space<hbm>>) dst(%arg8 : memref<128xi32, #tpu.memory_space<vmem>>)
      %dma_start3A_37 = arith.constant 0 : i32
      %dma_start3A_38 = arith.constant 0 : i32
      %dma_start3A_39 = tpu.memref_slice %arg5[%dma_start3A_37, %dma_start3A_38] : memref<10240x128xf32, #tpu.memory_space<hbm>> -> memref<10240x128xf32, #tpu.memory_space<hbm>>
      tpu.enqueue_indirect_dma source(%dma_start3A_39 : memref<10240x128xf32, #tpu.memory_space<hbm>>) target(%arg10 : memref<128x128xf32, #tpu.memory_space<vmem>>) offsets(%arg7 : memref<128xi32, #tpu.memory_space<vmem>>) semaphore(%arg12 : memref<!tpu.dma_semaphore, #tpu.memory_space<semaphore_mem>>)
      %dma_start3A_40 = arith.constant 0 : i32
      %dma_start3A_41 = tpu.memref_slice %arg4[%add3A_30, %dma_start3A_40] : memref<327680x16xf32, #tpu.memory_space<hbm>> -> memref<128x16xf32, #tpu.memory_space<hbm>>
      %dma_start3A_42 = arith.constant 0 : i32
      %dma_start3A_43 = tpu.memref_slice %arg4[%add3A_30, %dma_start3A_42] : memref<327680x16xf32, #tpu.memory_space<hbm>> -> memref<128x16xf32, #tpu.memory_space<hbm>>
      tpu.enqueue_dma source(%dma_start3A_43 : memref<128x16xf32, #tpu.memory_space<hbm>>) target(%arg9 : memref<128x16xf32, #tpu.memory_space<vmem>>) target_semaphore(%arg13 : memref<!tpu.dma_semaphore, #tpu.memory_space<semaphore_mem>>)
      %dma_wait3A_44 = arith.constant 0 : i32
      %dma_wait3A_45 = tpu.memref_slice %arg4[%add3A_30, %dma_wait3A_44] : memref<327680x16xf32, #tpu.memory_space<hbm>> -> memref<128x16xf32, #tpu.memory_space<hbm>>
      %dma_wait3A_46 = arith.constant 0 : i32
      %dma_wait3A_47 = tpu.memref_slice %arg4[%add3A_30, %dma_wait3A_46] : memref<327680x16xf32, #tpu.memory_space<hbm>> -> memref<128x16xf32, #tpu.memory_space<hbm>>
      tpu.wait_dma2 semaphore(%arg13 : memref<!tpu.dma_semaphore, #tpu.memory_space<semaphore_mem>>) src(%dma_wait3A_47 : memref<128x16xf32, #tpu.memory_space<hbm>>) dst(%arg9 : memref<128x16xf32, #tpu.memory_space<vmem>>)
      %dma_wait3A_48 = arith.constant 0 : i32
      %dma_wait3A_49 = arith.constant 0 : i32
      %dma_wait3A_50 = tpu.memref_slice %arg5[%dma_wait3A_48, %dma_wait3A_49] : memref<10240x128xf32, #tpu.memory_space<hbm>> -> memref<10240x128xf32, #tpu.memory_space<hbm>>
      tpu.wait_indirect_dma semaphore(%arg12 : memref<!tpu.dma_semaphore, #tpu.memory_space<semaphore_mem>>) src(%dma_wait3A_50 : memref<10240x128xf32, #tpu.memory_space<hbm>>) dst(%arg10 : memref<128x128xf32, #tpu.memory_space<vmem>>)
      %scan3A_51 = arith.constant 0 : i32
      %scan3A_52 = arith.constant 0 : i32
      %scan3A_53 = arith.constant 128 : i32
      %scan3A_54 = arith.addi %scan3A_52, %scan3A_53 : i32
      %scan3A_55 = arith.constant 1 : i32
      scf.for %scan3A_57 = %scan3A_52 to %scan3A_54 step %scan3A_55  : i32 {
        %get3A = arith.index_cast %scan3A_57 : i32 to index
        %get3A_58 = arith.constant 0 : index
        %get3A_59 = tpu.vector_load %arg9[%get3A, %get3A_58] {strides = array<i32>} : memref<128x16xf32, #tpu.memory_space<vmem>>, vector<1x16xf32>,
        %get3A_60 = vector.shape_cast %get3A_59 : vector<1x16xf32> to vector<16xf32>
        %get3A_61 = arith.index_cast %scan3A_57 : i32 to index
        %get3A_62 = arith.constant 0 : index
        %get3A_63 = tpu.vector_load %arg10[%get3A_61, %get3A_62] {strides = array<i32>} : memref<128x128xf32, #tpu.memory_space<vmem>>, vector<1x16xf32>,
        %get3A_64 = vector.shape_cast %get3A_63 : vector<1x16xf32> to vector<16xf32>
        %slice3A = vector.extract_strided_slice %get3A_60 {offsets = [0], sizes = [1], strides = [1]} : vector<16xf32> to vector<1xf32>
        %squeeze3A = vector.extract %slice3A[0] : f32 from vector<1xf32>
        %mul3A_65 = vector.broadcast %squeeze3A : f32 to vector<16xf32>
        %mul3A_66 = arith.mulf %get3A_64, %mul3A_65 : vector<16xf32>
        %swap3A = arith.index_cast %scan3A_57 : i32 to index
        %swap3A_67 = arith.constant 0 : index
        %swap3A_68 = tpu.vector_load %arg10[%swap3A, %swap3A_67] {strides = array<i32>} : memref<128x128xf32, #tpu.memory_space<vmem>>, vector<1x16xf32>,
        %swap3A_69 = vector.shape_cast %swap3A_68 : vector<1x16xf32> to vector<16xf32>
        %swap3A_70 = vector.shape_cast %mul3A_66 : vector<16xf32> to vector<1x16xf32>
        tpu.vector_store %arg10[%swap3A, %swap3A_67], %swap3A_70 {strides = array<i32>} : memref<128x128xf32, #tpu.memory_space<vmem>>, vector<1x16xf32>,
        %get3A_71 = arith.index_cast %scan3A_57 : i32 to index
        %get3A_72 = arith.constant 16 : index
        %get3A_73 = tpu.vector_load %arg10[%get3A_71, %get3A_72] {strides = array<i32>} : memref<128x128xf32, #tpu.memory_space<vmem>>, vector<1x16xf32>,
        %get3A_74 = vector.shape_cast %get3A_73 : vector<1x16xf32> to vector<16xf32>
        %slice3A_75 = vector.extract_strided_slice %get3A_60 {offsets = [1], sizes = [1], strides = [1]} : vector<16xf32> to vector<1xf32>
        %squeeze3A_76 = vector.extract %slice3A_75[0] : f32 from vector<1xf32>
        %mul3A_77 = vector.broadcast %squeeze3A_76 : f32 to vector<16xf32>
        %mul3A_78 = arith.mulf %get3A_74, %mul3A_77 : vector<16xf32>
        %swap3A_79 = arith.index_cast %scan3A_57 : i32 to index
        %swap3A_80 = arith.constant 16 : index
        %swap3A_81 = tpu.vector_load %arg10[%swap3A_79, %swap3A_80] {strides = array<i32>} : memref<128x128xf32, #tpu.memory_space<vmem>>, vector<1x16xf32>,
        %swap3A_82 = vector.shape_cast %swap3A_81 : vector<1x16xf32> to vector<16xf32>
        %swap3A_83 = vector.shape_cast %mul3A_78 : vector<16xf32> to vector<1x16xf32>
        tpu.vector_store %arg10[%swap3A_79, %swap3A_80], %swap3A_83 {strides = array<i32>} : memref<128x128xf32, #tpu.memory_space<vmem>>, vector<1x16xf32>,
        %get3A_84 = arith.index_cast %scan3A_57 : i32 to index
        %get3A_85 = arith.constant 32 : index
        %get3A_86 = tpu.vector_load %arg10[%get3A_84, %get3A_85] {strides = array<i32>} : memref<128x128xf32, #tpu.memory_space<vmem>>, vector<1x16xf32>,
        %get3A_87 = vector.shape_cast %get3A_86 : vector<1x16xf32> to vector<16xf32>
        %slice3A_88 = vector.extract_strided_slice %get3A_60 {offsets = [2], sizes = [1], strides = [1]} : vector<16xf32> to vector<1xf32>
        %squeeze3A_89 = vector.extract %slice3A_88[0] : f32 from vector<1xf32>
        %mul3A_90 = vector.broadcast %squeeze3A_89 : f32 to vector<16xf32>
        %mul3A_91 = arith.mulf %get3A_87, %mul3A_90 : vector<16xf32>
        %swap3A_92 = arith.index_cast %scan3A_57 : i32 to index
        %swap3A_93 = arith.constant 32 : index
        %swap3A_94 = tpu.vector_load %arg10[%swap3A_92, %swap3A_93] {strides = array<i32>} : memref<128x128xf32, #tpu.memory_space<vmem>>, vector<1x16xf32>,
        %swap3A_95 = vector.shape_cast %swap3A_94 : vector<1x16xf32> to vector<16xf32>
        %swap3A_96 = vector.shape_cast %mul3A_91 : vector<16xf32> to vector<1x16xf32>
        tpu.vector_store %arg10[%swap3A_92, %swap3A_93], %swap3A_96 {strides = array<i32>} : memref<128x128xf32, #tpu.memory_space<vmem>>, vector<1x16xf32>,
        %get3A_97 = arith.index_cast %scan3A_57 : i32 to index
        %get3A_98 = arith.constant 48 : index
        %get3A_99 = tpu.vector_load %arg10[%get3A_97, %get3A_98] {strides = array<i32>} : memref<128x128xf32, #tpu.memory_space<vmem>>, vector<1x16xf32>,
        %get3A_100 = vector.shape_cast %get3A_99 : vector<1x16xf32> to vector<16xf32>
        %slice3A_101 = vector.extract_strided_slice %get3A_60 {offsets = [3], sizes = [1], strides = [1]} : vector<16xf32> to vector<1xf32>
        %squeeze3A_102 = vector.extract %slice3A_101[0] : f32 from vector<1xf32>
        %mul3A_103 = vector.broadcast %squeeze3A_102 : f32 to vector<16xf32>
        %mul3A_104 = arith.mulf %get3A_100, %mul3A_103 : vector<16xf32>
        %swap3A_105 = arith.index_cast %scan3A_57 : i32 to index
        %swap3A_106 = arith.constant 48 : index
        %swap3A_107 = tpu.vector_load %arg10[%swap3A_105, %swap3A_106] {strides = array<i32>} : memref<128x128xf32, #tpu.memory_space<vmem>>, vector<1x16xf32>,
        %swap3A_108 = vector.shape_cast %swap3A_107 : vector<1x16xf32> to vector<16xf32>
        %swap3A_109 = vector.shape_cast %mul3A_104 : vector<16xf32> to vector<1x16xf32>
        tpu.vector_store %arg10[%swap3A_105, %swap3A_106], %swap3A_109 {strides = array<i32>} : memref<128x128xf32, #tpu.memory_space<vmem>>, vector<1x16xf32>,
        %get3A_110 = arith.index_cast %scan3A_57 : i32 to index
        %get3A_111 = arith.constant 64 : index
        %get3A_112 = tpu.vector_load %arg10[%get3A_110, %get3A_111] {strides = array<i32>} : memref<128x128xf32, #tpu.memory_space<vmem>>, vector<1x16xf32>,
        %get3A_113 = vector.shape_cast %get3A_112 : vector<1x16xf32> to vector<16xf32>
        %slice3A_114 = vector.extract_strided_slice %get3A_60 {offsets = [4], sizes = [1], strides = [1]} : vector<16xf32> to vector<1xf32>
        %squeeze3A_115 = vector.extract %slice3A_114[0] : f32 from vector<1xf32>
        %mul3A_116 = vector.broadcast %squeeze3A_115 : f32 to vector<16xf32>
        %mul3A_117 = arith.mulf %get3A_113, %mul3A_116 : vector<16xf32>
        %swap3A_118 = arith.index_cast %scan3A_57 : i32 to index
        %swap3A_119 = arith.constant 64 : index
        %swap3A_120 = tpu.vector_load %arg10[%swap3A_118, %swap3A_119] {strides = array<i32>} : memref<128x128xf32, #tpu.memory_space<vmem>>, vector<1x16xf32>,
        %swap3A_121 = vector.shape_cast %swap3A_120 : vector<1x16xf32> to vector<16xf32>
        %swap3A_122 = vector.shape_cast %mul3A_117 : vector<16xf32> to vector<1x16xf32>
        tpu.vector_store %arg10[%swap3A_118, %swap3A_119], %swap3A_122 {strides = array<i32>} : memref<128x128xf32, #tpu.memory_space<vmem>>, vector<1x16xf32>,
        %get3A_123 = arith.index_cast %scan3A_57 : i32 to index
        %get3A_124 = arith.constant 80 : index
        %get3A_125 = tpu.vector_load %arg10[%get3A_123, %get3A_124] {strides = array<i32>} : memref<128x128xf32, #tpu.memory_space<vmem>>, vector<1x16xf32>,
        %get3A_126 = vector.shape_cast %get3A_125 : vector<1x16xf32> to vector<16xf32>
        %slice3A_127 = vector.extract_strided_slice %get3A_60 {offsets = [5], sizes = [1], strides = [1]} : vector<16xf32> to vector<1xf32>
        %squeeze3A_128 = vector.extract %slice3A_127[0] : f32 from vector<1xf32>
        %mul3A_129 = vector.broadcast %squeeze3A_128 : f32 to vector<16xf32>
        %mul3A_130 = arith.mulf %get3A_126, %mul3A_129 : vector<16xf32>
        %swap3A_131 = arith.index_cast %scan3A_57 : i32 to index
        %swap3A_132 = arith.constant 80 : index
        %swap3A_133 = tpu.vector_load %arg10[%swap3A_131, %swap3A_132] {strides = array<i32>} : memref<128x128xf32, #tpu.memory_space<vmem>>, vector<1x16xf32>,
        %swap3A_134 = vector.shape_cast %swap3A_133 : vector<1x16xf32> to vector<16xf32>
        %swap3A_135 = vector.shape_cast %mul3A_130 : vector<16xf32> to vector<1x16xf32>
        tpu.vector_store %arg10[%swap3A_131, %swap3A_132], %swap3A_135 {strides = array<i32>} : memref<128x128xf32, #tpu.memory_space<vmem>>, vector<1x16xf32>,
        %get3A_136 = arith.index_cast %scan3A_57 : i32 to index
        %get3A_137 = arith.constant 96 : index
        %get3A_138 = tpu.vector_load %arg10[%get3A_136, %get3A_137] {strides = array<i32>} : memref<128x128xf32, #tpu.memory_space<vmem>>, vector<1x16xf32>,
        %get3A_139 = vector.shape_cast %get3A_138 : vector<1x16xf32> to vector<16xf32>
        %slice3A_140 = vector.extract_strided_slice %get3A_60 {offsets = [6], sizes = [1], strides = [1]} : vector<16xf32> to vector<1xf32>
        %squeeze3A_141 = vector.extract %slice3A_140[0] : f32 from vector<1xf32>
        %mul3A_142 = vector.broadcast %squeeze3A_141 : f32 to vector<16xf32>
        %mul3A_143 = arith.mulf %get3A_139, %mul3A_142 : vector<16xf32>
        %swap3A_144 = arith.index_cast %scan3A_57 : i32 to index
        %swap3A_145 = arith.constant 96 : index
        %swap3A_146 = tpu.vector_load %arg10[%swap3A_144, %swap3A_145] {strides = array<i32>} : memref<128x128xf32, #tpu.memory_space<vmem>>, vector<1x16xf32>,
        %swap3A_147 = vector.shape_cast %swap3A_146 : vector<1x16xf32> to vector<16xf32>
        %swap3A_148 = vector.shape_cast %mul3A_143 : vector<16xf32> to vector<1x16xf32>
        tpu.vector_store %arg10[%swap3A_144, %swap3A_145], %swap3A_148 {strides = array<i32>} : memref<128x128xf32, #tpu.memory_space<vmem>>, vector<1x16xf32>,
        %get3A_149 = arith.index_cast %scan3A_57 : i32 to index
        %get3A_150 = arith.constant 112 : index
        %get3A_151 = tpu.vector_load %arg10[%get3A_149, %get3A_150] {strides = array<i32>} : memref<128x128xf32, #tpu.memory_space<vmem>>, vector<1x16xf32>,
        %get3A_152 = vector.shape_cast %get3A_151 : vector<1x16xf32> to vector<16xf32>
        %slice3A_153 = vector.extract_strided_slice %get3A_60 {offsets = [7], sizes = [1], strides = [1]} : vector<16xf32> to vector<1xf32>
        %squeeze3A_154 = vector.extract %slice3A_153[0] : f32 from vector<1xf32>
        %mul3A_155 = vector.broadcast %squeeze3A_154 : f32 to vector<16xf32>
        %mul3A_156 = arith.mulf %get3A_152, %mul3A_155 : vector<16xf32>
        %swap3A_157 = arith.index_cast %scan3A_57 : i32 to index
        %swap3A_158 = arith.constant 112 : index
        %swap3A_159 = tpu.vector_load %arg10[%swap3A_157, %swap3A_158] {strides = array<i32>} : memref<128x128xf32, #tpu.memory_space<vmem>>, vector<1x16xf32>,
        %swap3A_160 = vector.shape_cast %swap3A_159 : vector<1x16xf32> to vector<16xf32>
        %swap3A_161 = vector.shape_cast %mul3A_156 : vector<16xf32> to vector<1x16xf32>
        tpu.vector_store %arg10[%swap3A_157, %swap3A_158], %swap3A_161 {strides = array<i32>} : memref<128x128xf32, #tpu.memory_space<vmem>>, vector<1x16xf32>,
      }
      %scan3A_56 = arith.constant 128 : i32
      "tpu.region"() ({
        %run_scoped3A = tpu.sem_alloc : memref<!tpu.dma_semaphore, #tpu.memory_space<semaphore_mem>>
        %dma_start3A_57 = arith.constant 0 : i32
        %dma_start3A_58 = arith.constant 0 : i32
        %dma_start3A_59 = tpu.memref_slice %arg11[%dma_start3A_57, %dma_start3A_58] : memref<10240x128xf32, #tpu.memory_space<vmem_shared>> -> memref<10240x128xf32, #tpu.memory_space<vmem_shared>>
        tpu.enqueue_indirect_dma source(%arg10 : memref<128x128xf32, #tpu.memory_space<vmem>>) target(%dma_start3A_59 : memref<10240x128xf32, #tpu.memory_space<vmem_shared>>) offsets(%arg8 : memref<128xi32, #tpu.memory_space<vmem>>) semaphore(%run_scoped3A : memref<!tpu.dma_semaphore, #tpu.memory_space<semaphore_mem>>) {add = true}
        %dma_wait3A_60 = arith.constant 0 : i32
        %dma_wait3A_61 = arith.constant 0 : i32
        %dma_wait3A_62 = tpu.memref_slice %arg11[%dma_wait3A_60, %dma_wait3A_61] : memref<10240x128xf32, #tpu.memory_space<vmem_shared>> -> memref<10240x128xf32, #tpu.memory_space<vmem_shared>>
        tpu.wait_indirect_dma semaphore(%run_scoped3A : memref<!tpu.dma_semaphore, #tpu.memory_space<semaphore_mem>>) src(%arg10 : memref<128x128xf32, #tpu.memory_space<vmem>>) dst(%dma_wait3A_62 : memref<10240x128xf32, #tpu.memory_space<vmem_shared>>)
        tpu.yield
      }) : () -> ()
    }
    %scan3A_19 = arith.constant 80 : i32
    %barrier3A_20 = arith.constant 0 : index
    tpu.barrier barrier_id(%barrier3A_20)
    %scan3A_21 = arith.constant 0 : i32
    %scan3A_22 = arith.constant 0 : i32
    %scan3A_23 = arith.constant 5 : i32
    %scan3A_24 = arith.addi %scan3A_22, %scan3A_23 : i32
    %scan3A_25 = arith.constant 1 : i32
    scf.for %scan3A_27 = %scan3A_22 to %scan3A_24 step %scan3A_25  : i32 {
      %mul3A_28 = arith.constant 640 : i32
      %mul3A_29 = arith.muli %arg1, %mul3A_28 : i32
      %mul3A_30 = arith.constant 128 : i32
      %mul3A_31 = arith.muli %scan3A_27, %mul3A_30 : i32
      %add3A_32 = arith.addi %mul3A_29, %mul3A_31 : i32
      %mul3A_33 = arith.constant 10240 : i32
      %mul3A_34 = arith.muli %arg0, %mul3A_33 : i32
      %add3A_35 = arith.addi %mul3A_34, %add3A_32 : i32
      "tpu.region"() ({
        %run_scoped3A = tpu.sem_alloc : memref<!tpu.dma_semaphore, #tpu.memory_space<semaphore_mem>>
        %dma_start3A = arith.constant 0 : i32
        %dma_start3A_36 = tpu.memref_slice %arg6[%add3A_35, %dma_start3A] : memref<20480x128xf32, #tpu.memory_space<hbm>> -> memref<128x128xf32, #tpu.memory_space<hbm>>
        %dma_start3A_37 = arith.constant 0 : i32
        %dma_start3A_38 = tpu.memref_slice %arg11[%add3A_32, %dma_start3A_37] : memref<10240x128xf32, #tpu.memory_space<vmem_shared>> -> memref<128x128xf32, #tpu.memory_space<vmem_shared>>
        tpu.enqueue_dma source(%dma_start3A_38 : memref<128x128xf32, #tpu.memory_space<vmem_shared>>) target(%dma_start3A_36 : memref<128x128xf32, #tpu.memory_space<hbm>>) target_semaphore(%run_scoped3A : memref<!tpu.dma_semaphore, #tpu.memory_space<semaphore_mem>>)
        %dma_wait3A = arith.constant 0 : i32
        %dma_wait3A_39 = tpu.memref_slice %arg6[%add3A_35, %dma_wait3A] : memref<20480x128xf32, #tpu.memory_space<hbm>> -> memref<128x128xf32, #tpu.memory_space<hbm>>
        %dma_wait3A_40 = arith.constant 0 : i32
        %dma_wait3A_41 = tpu.memref_slice %arg11[%add3A_32, %dma_wait3A_40] : memref<10240x128xf32, #tpu.memory_space<vmem_shared>> -> memref<128x128xf32, #tpu.memory_space<vmem_shared>>
        tpu.wait_dma2 semaphore(%run_scoped3A : memref<!tpu.dma_semaphore, #tpu.memory_space<semaphore_mem>>) src(%dma_wait3A_41 : memref<128x128xf32, #tpu.memory_space<vmem_shared>>) dst(%dma_wait3A_39 : memref<128x128xf32, #tpu.memory_space<hbm>>)
        tpu.yield
      }) : () -> ()
    }
    %scan3A_26 = arith.constant 5 : i32
    return
  }
}

#map = affine_map<(d0, d1) -> (0)>
#map1 = affine_map<(d0, d1) -> (0, 0)>
module attributes {stable_mosaic.version = 14 : i64} {
  func.func @_edge_stats(%arg0: i32, %arg1: i32, %arg2: memref<327680xi32, #tpu.memory_space<hbm>>, %arg3: memref<327680xi32, #tpu.memory_space<hbm>>, %arg4: memref<10240x16xf32, #tpu.memory_space<hbm>>, %arg5: memref<10240x16xf32, #tpu.memory_space<hbm>>, %arg6: memref<16xf32, #tpu.memory_space<hbm>>, %arg7: memref<327680x16xf32, #tpu.memory_space<hbm>>, %arg8: memref<20480x16xf32, #tpu.memory_space<hbm>>, %arg9: memref<128xi32, #tpu.memory_space<vmem>>, %arg10: memref<128xi32, #tpu.memory_space<vmem>>, %arg11: memref<128x16xf32, #tpu.memory_space<vmem>>, %arg12: memref<128x16xf32, #tpu.memory_space<vmem>>, %arg13: memref<128x16xf32, #tpu.memory_space<vmem>>, %arg14: memref<16xf32, #tpu.memory_space<vmem>>, %arg15: memref<640x16xf32, #tpu.memory_space<vmem>>, %arg16: memref<10240x16xf32, #tpu.memory_space<vmem_shared>>, %arg17: memref<10240x16xf32, #tpu.memory_space<vmem_shared>>, %arg18: memref<10240x16xf32, #tpu.memory_space<vmem_shared>>, %arg19: memref<!tpu.dma_semaphore, #tpu.memory_space<semaphore_mem>>, %arg20: memref<!tpu.dma_semaphore, #tpu.memory_space<semaphore_mem>>) attributes {dimension_semantics = [#tpu.dimension_semantics<core_parallel>, #tpu.dimension_semantics<subcore_parallel>], iteration_bounds = array<i64: 2, 16>, scalar_prefetch = 0 : i64, scratch_operands = 12 : i64, tpu.core_type = #tpu.core_type<sc_vector_subcore>, window_params = [{transform_indices = #map}, {transform_indices = #map}, {transform_indices = #map1}, {transform_indices = #map1}, {transform_indices = #map}, {transform_indices = #map1}, {transform_indices = #map1}]} {
    %mul3A = arith.constant 2 : i32
    %mul3A_0 = arith.muli %arg1, %mul3A : i32
    %add3A = arith.addi %mul3A_0, %arg0 : i32
    %mul3A_1 = arith.constant 10240 : i32
    %mul3A_2 = arith.muli %add3A, %mul3A_1 : i32
    "tpu.region"() ({
      %run_scoped3A = tpu.sem_alloc : memref<!tpu.dma_semaphore, #tpu.memory_space<semaphore_mem>>
      tpu.enqueue_dma source(%arg6 : memref<16xf32, #tpu.memory_space<hbm>>) target(%arg14 : memref<16xf32, #tpu.memory_space<vmem>>) target_semaphore(%run_scoped3A : memref<!tpu.dma_semaphore, #tpu.memory_space<semaphore_mem>>)
      tpu.wait_dma2 semaphore(%run_scoped3A : memref<!tpu.dma_semaphore, #tpu.memory_space<semaphore_mem>>) src(%arg6 : memref<16xf32, #tpu.memory_space<hbm>>) dst(%arg14 : memref<16xf32, #tpu.memory_space<vmem>>)
      tpu.yield
    }) : () -> ()
    %mul3A_3 = arith.constant 640 : i32
    %mul3A_4 = arith.muli %arg1, %mul3A_3 : i32
    %mul3A_5 = arith.constant 640 : i32
    %mul3A_6 = arith.muli %arg1, %mul3A_5 : i32
    "tpu.region"() ({
      %run_scoped3A = tpu.sem_alloc : memref<!tpu.dma_semaphore, #tpu.memory_space<semaphore_mem>>
      %dma_start3A = arith.constant 0 : i32
      %dma_start3A_34 = tpu.memref_slice %arg17[%mul3A_6, %dma_start3A] : memref<10240x16xf32, #tpu.memory_space<vmem_shared>> -> memref<640x16xf32, #tpu.memory_space<vmem_shared>>
      %dma_start3A_35 = arith.constant 0 : i32
      %dma_start3A_36 = tpu.memref_slice %arg4[%mul3A_4, %dma_start3A_35] : memref<10240x16xf32, #tpu.memory_space<hbm>> -> memref<640x16xf32, #tpu.memory_space<hbm>>
      tpu.enqueue_dma source(%dma_start3A_36 : memref<640x16xf32, #tpu.memory_space<hbm>>) target(%dma_start3A_34 : memref<640x16xf32, #tpu.memory_space<vmem_shared>>) target_semaphore(%run_scoped3A : memref<!tpu.dma_semaphore, #tpu.memory_space<semaphore_mem>>)
      %dma_wait3A = arith.constant 0 : i32
      %dma_wait3A_37 = tpu.memref_slice %arg17[%mul3A_6, %dma_wait3A] : memref<10240x16xf32, #tpu.memory_space<vmem_shared>> -> memref<640x16xf32, #tpu.memory_space<vmem_shared>>
      %dma_wait3A_38 = arith.constant 0 : i32
      %dma_wait3A_39 = tpu.memref_slice %arg4[%mul3A_4, %dma_wait3A_38] : memref<10240x16xf32, #tpu.memory_space<hbm>> -> memref<640x16xf32, #tpu.memory_space<hbm>>
      tpu.wait_dma2 semaphore(%run_scoped3A : memref<!tpu.dma_semaphore, #tpu.memory_space<semaphore_mem>>) src(%dma_wait3A_39 : memref<640x16xf32, #tpu.memory_space<hbm>>) dst(%dma_wait3A_37 : memref<640x16xf32, #tpu.memory_space<vmem_shared>>)
      tpu.yield
    }) : () -> ()
    %mul3A_7 = arith.constant 640 : i32
    %mul3A_8 = arith.muli %arg1, %mul3A_7 : i32
    %mul3A_9 = arith.constant 640 : i32
    %mul3A_10 = arith.muli %arg1, %mul3A_9 : i32
    "tpu.region"() ({
      %run_scoped3A = tpu.sem_alloc : memref<!tpu.dma_semaphore, #tpu.memory_space<semaphore_mem>>
      %dma_start3A = arith.constant 0 : i32
      %dma_start3A_34 = tpu.memref_slice %arg18[%mul3A_10, %dma_start3A] : memref<10240x16xf32, #tpu.memory_space<vmem_shared>> -> memref<640x16xf32, #tpu.memory_space<vmem_shared>>
      %dma_start3A_35 = arith.constant 0 : i32
      %dma_start3A_36 = tpu.memref_slice %arg5[%mul3A_8, %dma_start3A_35] : memref<10240x16xf32, #tpu.memory_space<hbm>> -> memref<640x16xf32, #tpu.memory_space<hbm>>
      tpu.enqueue_dma source(%dma_start3A_36 : memref<640x16xf32, #tpu.memory_space<hbm>>) target(%dma_start3A_34 : memref<640x16xf32, #tpu.memory_space<vmem_shared>>) target_semaphore(%run_scoped3A : memref<!tpu.dma_semaphore, #tpu.memory_space<semaphore_mem>>)
      %dma_wait3A = arith.constant 0 : i32
      %dma_wait3A_37 = tpu.memref_slice %arg18[%mul3A_10, %dma_wait3A] : memref<10240x16xf32, #tpu.memory_space<vmem_shared>> -> memref<640x16xf32, #tpu.memory_space<vmem_shared>>
      %dma_wait3A_38 = arith.constant 0 : i32
      %dma_wait3A_39 = tpu.memref_slice %arg5[%mul3A_8, %dma_wait3A_38] : memref<10240x16xf32, #tpu.memory_space<hbm>> -> memref<640x16xf32, #tpu.memory_space<hbm>>
      tpu.wait_dma2 semaphore(%run_scoped3A : memref<!tpu.dma_semaphore, #tpu.memory_space<semaphore_mem>>) src(%dma_wait3A_39 : memref<640x16xf32, #tpu.memory_space<hbm>>) dst(%dma_wait3A_37 : memref<640x16xf32, #tpu.memory_space<vmem_shared>>)
      tpu.yield
    }) : () -> ()
    %scan3A = arith.constant 0 : i32
    %scan3A_11 = arith.constant 0 : i32
    %scan3A_12 = arith.constant 640 : i32
    %scan3A_13 = arith.addi %scan3A_11, %scan3A_12 : i32
    %scan3A_14 = arith.constant 1 : i32
    scf.for %scan3A_34 = %scan3A_11 to %scan3A_13 step %scan3A_14  : i32 {
      %broadcast_in_dim3A = arith.constant 0.000000e+00 : f32
      %broadcast_in_dim3A_35 = vector.broadcast %broadcast_in_dim3A : f32 to vector<16xf32>
      %swap3A = arith.index_cast %scan3A_34 : i32 to index
      %swap3A_36 = arith.constant 0 : index
      %swap3A_37 = tpu.vector_load %arg15[%swap3A, %swap3A_36] {strides = array<i32>} : memref<640x16xf32, #tpu.memory_space<vmem>>, vector<1x16xf32>,
      %swap3A_38 = vector.shape_cast %swap3A_37 : vector<1x16xf32> to vector<16xf32>
      %swap3A_39 = vector.shape_cast %broadcast_in_dim3A_35 : vector<16xf32> to vector<1x16xf32>
      tpu.vector_store %arg15[%swap3A, %swap3A_36], %swap3A_39 {strides = array<i32>} : memref<640x16xf32, #tpu.memory_space<vmem>>, vector<1x16xf32>,
    }
    %scan3A_15 = arith.constant 640 : i32
    %mul3A_16 = arith.constant 640 : i32
    %mul3A_17 = arith.muli %arg1, %mul3A_16 : i32
    "tpu.region"() ({
      %run_scoped3A = tpu.sem_alloc : memref<!tpu.dma_semaphore, #tpu.memory_space<semaphore_mem>>
      %dma_start3A = arith.constant 0 : i32
      %dma_start3A_34 = tpu.memref_slice %arg16[%mul3A_17, %dma_start3A] : memref<10240x16xf32, #tpu.memory_space<vmem_shared>> -> memref<640x16xf32, #tpu.memory_space<vmem_shared>>
      %dma_start3A_35 = arith.constant 0 : i32
      %dma_start3A_36 = tpu.memref_slice %arg16[%mul3A_17, %dma_start3A_35] : memref<10240x16xf32, #tpu.memory_space<vmem_shared>> -> memref<640x16xf32, #tpu.memory_space<vmem_shared>>
      tpu.enqueue_dma source(%arg15 : memref<640x16xf32, #tpu.memory_space<vmem>>) target(%dma_start3A_36 : memref<640x16xf32, #tpu.memory_space<vmem_shared>>) target_semaphore(%run_scoped3A : memref<!tpu.dma_semaphore, #tpu.memory_space<semaphore_mem>>)
      %dma_wait3A = arith.constant 0 : i32
      %dma_wait3A_37 = tpu.memref_slice %arg16[%mul3A_17, %dma_wait3A] : memref<10240x16xf32, #tpu.memory_space<vmem_shared>> -> memref<640x16xf32, #tpu.memory_space<vmem_shared>>
      %dma_wait3A_38 = arith.constant 0 : i32
      %dma_wait3A_39 = tpu.memref_slice %arg16[%mul3A_17, %dma_wait3A_38] : memref<10240x16xf32, #tpu.memory_space<vmem_shared>> -> memref<640x16xf32, #tpu.memory_space<vmem_shared>>
      tpu.wait_dma2 semaphore(%run_scoped3A : memref<!tpu.dma_semaphore, #tpu.memory_space<semaphore_mem>>) src(%arg15 : memref<640x16xf32, #tpu.memory_space<vmem>>) dst(%dma_wait3A_39 : memref<640x16xf32, #tpu.memory_space<vmem_shared>>)
      tpu.yield
    }) : () -> ()
    %barrier3A = arith.constant 0 : index
    tpu.barrier barrier_id(%barrier3A)
    %get3A = arith.constant 0 : index
    %get3A_18 = tpu.vector_load %arg14[%get3A] {strides = array<i32>} : memref<16xf32, #tpu.memory_space<vmem>>, vector<16xf32>,
    %get3A_19 = vector.shape_cast %get3A_18 : vector<16xf32> to vector<16xf32>
    %scan3A_20 = arith.constant 0 : i32
    %scan3A_21 = arith.constant 0 : i32
    %scan3A_22 = arith.constant 80 : i32
    %scan3A_23 = arith.addi %scan3A_21, %scan3A_22 : i32
    %scan3A_24 = arith.constant 1 : i32
    scf.for %scan3A_34 = %scan3A_21 to %scan3A_23 step %scan3A_24  : i32 {
      %mul3A_35 = arith.constant 128 : i32
      %mul3A_36 = arith.muli %scan3A_34, %mul3A_35 : i32
      %add3A_37 = arith.addi %mul3A_2, %mul3A_36 : i32
      %dma_start3A = tpu.memref_slice %arg2[%add3A_37] : memref<327680xi32, #tpu.memory_space<hbm>> -> memref<128xi32, #tpu.memory_space<hbm>>
      %dma_start3A_38 = tpu.memref_slice %arg2[%add3A_37] : memref<327680xi32, #tpu.memory_space<hbm>> -> memref<128xi32, #tpu.memory_space<hbm>>
      tpu.enqueue_dma source(%dma_start3A_38 : memref<128xi32, #tpu.memory_space<hbm>>) target(%arg9 : memref<128xi32, #tpu.memory_space<vmem>>) target_semaphore(%arg19 : memref<!tpu.dma_semaphore, #tpu.memory_space<semaphore_mem>>)
      %dma_start3A_39 = tpu.memref_slice %arg3[%add3A_37] : memref<327680xi32, #tpu.memory_space<hbm>> -> memref<128xi32, #tpu.memory_space<hbm>>
      %dma_start3A_40 = tpu.memref_slice %arg3[%add3A_37] : memref<327680xi32, #tpu.memory_space<hbm>> -> memref<128xi32, #tpu.memory_space<hbm>>
      tpu.enqueue_dma source(%dma_start3A_40 : memref<128xi32, #tpu.memory_space<hbm>>) target(%arg10 : memref<128xi32, #tpu.memory_space<vmem>>) target_semaphore(%arg20 : memref<!tpu.dma_semaphore, #tpu.memory_space<semaphore_mem>>)
      %dma_wait3A = tpu.memref_slice %arg2[%add3A_37] : memref<327680xi32, #tpu.memory_space<hbm>> -> memref<128xi32, #tpu.memory_space<hbm>>
      %dma_wait3A_41 = tpu.memref_slice %arg2[%add3A_37] : memref<327680xi32, #tpu.memory_space<hbm>> -> memref<128xi32, #tpu.memory_space<hbm>>
      tpu.wait_dma2 semaphore(%arg19 : memref<!tpu.dma_semaphore, #tpu.memory_space<semaphore_mem>>) src(%dma_wait3A_41 : memref<128xi32, #tpu.memory_space<hbm>>) dst(%arg9 : memref<128xi32, #tpu.memory_space<vmem>>)
      %dma_wait3A_42 = tpu.memref_slice %arg3[%add3A_37] : memref<327680xi32, #tpu.memory_space<hbm>> -> memref<128xi32, #tpu.memory_space<hbm>>
      %dma_wait3A_43 = tpu.memref_slice %arg3[%add3A_37] : memref<327680xi32, #tpu.memory_space<hbm>> -> memref<128xi32, #tpu.memory_space<hbm>>
      tpu.wait_dma2 semaphore(%arg20 : memref<!tpu.dma_semaphore, #tpu.memory_space<semaphore_mem>>) src(%dma_wait3A_43 : memref<128xi32, #tpu.memory_space<hbm>>) dst(%arg10 : memref<128xi32, #tpu.memory_space<vmem>>)
      %dma_start3A_44 = arith.constant 0 : i32
      %dma_start3A_45 = arith.constant 0 : i32
      %dma_start3A_46 = tpu.memref_slice %arg17[%dma_start3A_44, %dma_start3A_45] : memref<10240x16xf32, #tpu.memory_space<vmem_shared>> -> memref<10240x16xf32, #tpu.memory_space<vmem_shared>>
      tpu.enqueue_indirect_dma source(%dma_start3A_46 : memref<10240x16xf32, #tpu.memory_space<vmem_shared>>) target(%arg11 : memref<128x16xf32, #tpu.memory_space<vmem>>) offsets(%arg9 : memref<128xi32, #tpu.memory_space<vmem>>) semaphore(%arg19 : memref<!tpu.dma_semaphore, #tpu.memory_space<semaphore_mem>>)
      %dma_start3A_47 = arith.constant 0 : i32
      %dma_start3A_48 = arith.constant 0 : i32
      %dma_start3A_49 = tpu.memref_slice %arg18[%dma_start3A_47, %dma_start3A_48] : memref<10240x16xf32, #tpu.memory_space<vmem_shared>> -> memref<10240x16xf32, #tpu.memory_space<vmem_shared>>
      tpu.enqueue_indirect_dma source(%dma_start3A_49 : memref<10240x16xf32, #tpu.memory_space<vmem_shared>>) target(%arg12 : memref<128x16xf32, #tpu.memory_space<vmem>>) offsets(%arg10 : memref<128xi32, #tpu.memory_space<vmem>>) semaphore(%arg20 : memref<!tpu.dma_semaphore, #tpu.memory_space<semaphore_mem>>)
      %dma_wait3A_50 = arith.constant 0 : i32
      %dma_wait3A_51 = arith.constant 0 : i32
      %dma_wait3A_52 = tpu.memref_slice %arg17[%dma_wait3A_50, %dma_wait3A_51] : memref<10240x16xf32, #tpu.memory_space<vmem_shared>> -> memref<10240x16xf32, #tpu.memory_space<vmem_shared>>
      tpu.wait_indirect_dma semaphore(%arg19 : memref<!tpu.dma_semaphore, #tpu.memory_space<semaphore_mem>>) src(%dma_wait3A_52 : memref<10240x16xf32, #tpu.memory_space<vmem_shared>>) dst(%arg11 : memref<128x16xf32, #tpu.memory_space<vmem>>)
      %dma_wait3A_53 = arith.constant 0 : i32
      %dma_wait3A_54 = arith.constant 0 : i32
      %dma_wait3A_55 = tpu.memref_slice %arg18[%dma_wait3A_53, %dma_wait3A_54] : memref<10240x16xf32, #tpu.memory_space<vmem_shared>> -> memref<10240x16xf32, #tpu.memory_space<vmem_shared>>
      tpu.wait_indirect_dma semaphore(%arg20 : memref<!tpu.dma_semaphore, #tpu.memory_space<semaphore_mem>>) src(%dma_wait3A_55 : memref<10240x16xf32, #tpu.memory_space<vmem_shared>>) dst(%arg12 : memref<128x16xf32, #tpu.memory_space<vmem>>)
      %scan3A_56 = arith.constant 0 : i32
      %scan3A_57 = arith.constant 0 : i32
      %scan3A_58 = arith.constant 128 : i32
      %scan3A_59 = arith.addi %scan3A_57, %scan3A_58 : i32
      %scan3A_60 = arith.constant 1 : i32
      scf.for %scan3A_70 = %scan3A_57 to %scan3A_59 step %scan3A_60  : i32 {
        %get3A_71 = arith.index_cast %scan3A_70 : i32 to index
        %get3A_72 = arith.constant 0 : index
        %get3A_73 = tpu.vector_load %arg11[%get3A_71, %get3A_72] {strides = array<i32>} : memref<128x16xf32, #tpu.memory_space<vmem>>, vector<1x16xf32>,
        %get3A_74 = vector.shape_cast %get3A_73 : vector<1x16xf32> to vector<16xf32>
        %get3A_75 = arith.index_cast %scan3A_70 : i32 to index
        %get3A_76 = arith.constant 0 : index
        %get3A_77 = tpu.vector_load %arg12[%get3A_75, %get3A_76] {strides = array<i32>} : memref<128x16xf32, #tpu.memory_space<vmem>>, vector<1x16xf32>,
        %get3A_78 = vector.shape_cast %get3A_77 : vector<1x16xf32> to vector<16xf32>
        %add3A_79 = arith.addf %get3A_74, %get3A_78 : vector<16xf32>
        %mul3A_80 = arith.constant 2.000000e-01 : f32
        %mul3A_81 = vector.broadcast %mul3A_80 : f32 to vector<16xf32>
        %mul3A_82 = arith.mulf %mul3A_81, %add3A_79 : vector<16xf32>
        %max3A = arith.maximumf %add3A_79, %mul3A_82 : vector<16xf32>
        %sub3A = arith.subf %max3A, %get3A_19 : vector<16xf32>
        %exp3A = math.exp %sub3A : vector<16xf32>
        %swap3A = arith.index_cast %scan3A_70 : i32 to index
        %swap3A_83 = arith.constant 0 : index
        %swap3A_84 = tpu.vector_load %arg13[%swap3A, %swap3A_83] {strides = array<i32>} : memref<128x16xf32, #tpu.memory_space<vmem>>, vector<1x16xf32>,
        %swap3A_85 = vector.shape_cast %swap3A_84 : vector<1x16xf32> to vector<16xf32>
        %swap3A_86 = vector.shape_cast %exp3A : vector<16xf32> to vector<1x16xf32>
        tpu.vector_store %arg13[%swap3A, %swap3A_83], %swap3A_86 {strides = array<i32>} : memref<128x16xf32, #tpu.memory_space<vmem>>, vector<1x16xf32>,
      }
      %scan3A_61 = arith.constant 128 : i32
      %dma_start3A_62 = arith.constant 0 : i32
      %dma_start3A_63 = tpu.memref_slice %arg7[%add3A_37, %dma_start3A_62] : memref<327680x16xf32, #tpu.memory_space<hbm>> -> memref<128x16xf32, #tpu.memory_space<hbm>>
      %dma_start3A_64 = arith.constant 0 : i32
      %dma_start3A_65 = tpu.memref_slice %arg7[%add3A_37, %dma_start3A_64] : memref<327680x16xf32, #tpu.memory_space<hbm>> -> memref<128x16xf32, #tpu.memory_space<hbm>>
      tpu.enqueue_dma source(%arg13 : memref<128x16xf32, #tpu.memory_space<vmem>>) target(%dma_start3A_65 : memref<128x16xf32, #tpu.memory_space<hbm>>) target_semaphore(%arg19 : memref<!tpu.dma_semaphore, #tpu.memory_space<semaphore_mem>>)
      "tpu.region"() ({
        %run_scoped3A = tpu.sem_alloc : memref<!tpu.dma_semaphore, #tpu.memory_space<semaphore_mem>>
        %dma_start3A_70 = arith.constant 0 : i32
        %dma_start3A_71 = arith.constant 0 : i32
        %dma_start3A_72 = tpu.memref_slice %arg16[%dma_start3A_70, %dma_start3A_71] : memref<10240x16xf32, #tpu.memory_space<vmem_shared>> -> memref<10240x16xf32, #tpu.memory_space<vmem_shared>>
        tpu.enqueue_indirect_dma source(%arg13 : memref<128x16xf32, #tpu.memory_space<vmem>>) target(%dma_start3A_72 : memref<10240x16xf32, #tpu.memory_space<vmem_shared>>) offsets(%arg10 : memref<128xi32, #tpu.memory_space<vmem>>) semaphore(%run_scoped3A : memref<!tpu.dma_semaphore, #tpu.memory_space<semaphore_mem>>) {add = true}
        %dma_wait3A_73 = arith.constant 0 : i32
        %dma_wait3A_74 = arith.constant 0 : i32
        %dma_wait3A_75 = tpu.memref_slice %arg16[%dma_wait3A_73, %dma_wait3A_74] : memref<10240x16xf32, #tpu.memory_space<vmem_shared>> -> memref<10240x16xf32, #tpu.memory_space<vmem_shared>>
        tpu.wait_indirect_dma semaphore(%run_scoped3A : memref<!tpu.dma_semaphore, #tpu.memory_space<semaphore_mem>>) src(%arg13 : memref<128x16xf32, #tpu.memory_space<vmem>>) dst(%dma_wait3A_75 : memref<10240x16xf32, #tpu.memory_space<vmem_shared>>)
        tpu.yield
      }) : () -> ()
      %dma_wait3A_66 = arith.constant 0 : i32
      %dma_wait3A_67 = tpu.memref_slice %arg7[%add3A_37, %dma_wait3A_66] : memref<327680x16xf32, #tpu.memory_space<hbm>> -> memref<128x16xf32, #tpu.memory_space<hbm>>
      %dma_wait3A_68 = arith.constant 0 : i32
      %dma_wait3A_69 = tpu.memref_slice %arg7[%add3A_37, %dma_wait3A_68] : memref<327680x16xf32, #tpu.memory_space<hbm>> -> memref<128x16xf32, #tpu.memory_space<hbm>>
      tpu.wait_dma2 semaphore(%arg19 : memref<!tpu.dma_semaphore, #tpu.memory_space<semaphore_mem>>) src(%arg13 : memref<128x16xf32, #tpu.memory_space<vmem>>) dst(%dma_wait3A_69 : memref<128x16xf32, #tpu.memory_space<hbm>>)
    }
    %scan3A_25 = arith.constant 80 : i32
    %barrier3A_26 = arith.constant 0 : index
    tpu.barrier barrier_id(%barrier3A_26)
    %mul3A_27 = arith.constant 640 : i32
    %mul3A_28 = arith.muli %arg1, %mul3A_27 : i32
    %mul3A_29 = arith.constant 10240 : i32
    %mul3A_30 = arith.muli %arg0, %mul3A_29 : i32
    %mul3A_31 = arith.constant 640 : i32
    %mul3A_32 = arith.muli %arg1, %mul3A_31 : i32
    %add3A_33 = arith.addi %mul3A_30, %mul3A_32 : i32
    "tpu.region"() ({
      %run_scoped3A = tpu.sem_alloc : memref<!tpu.dma_semaphore, #tpu.memory_space<semaphore_mem>>
      %dma_start3A = arith.constant 0 : i32
      %dma_start3A_34 = tpu.memref_slice %arg8[%add3A_33, %dma_start3A] : memref<20480x16xf32, #tpu.memory_space<hbm>> -> memref<640x16xf32, #tpu.memory_space<hbm>>
      %dma_start3A_35 = arith.constant 0 : i32
      %dma_start3A_36 = tpu.memref_slice %arg16[%mul3A_28, %dma_start3A_35] : memref<10240x16xf32, #tpu.memory_space<vmem_shared>> -> memref<640x16xf32, #tpu.memory_space<vmem_shared>>
      tpu.enqueue_dma source(%dma_start3A_36 : memref<640x16xf32, #tpu.memory_space<vmem_shared>>) target(%dma_start3A_34 : memref<640x16xf32, #tpu.memory_space<hbm>>) target_semaphore(%run_scoped3A : memref<!tpu.dma_semaphore, #tpu.memory_space<semaphore_mem>>)
      %dma_wait3A = arith.constant 0 : i32
      %dma_wait3A_37 = tpu.memref_slice %arg8[%add3A_33, %dma_wait3A] : memref<20480x16xf32, #tpu.memory_space<hbm>> -> memref<640x16xf32, #tpu.memory_space<hbm>>
      %dma_wait3A_38 = arith.constant 0 : i32
      %dma_wait3A_39 = tpu.memref_slice %arg16[%mul3A_28, %dma_wait3A_38] : memref<10240x16xf32, #tpu.memory_space<vmem_shared>> -> memref<640x16xf32, #tpu.memory_space<vmem_shared>>
      tpu.wait_dma2 semaphore(%run_scoped3A : memref<!tpu.dma_semaphore, #tpu.memory_space<semaphore_mem>>) src(%dma_wait3A_39 : memref<640x16xf32, #tpu.memory_space<vmem_shared>>) dst(%dma_wait3A_37 : memref<640x16xf32, #tpu.memory_space<hbm>>)
      tpu.yield
    }) : () -> ()
    return
  }
}

#map = affine_map<(d0, d1) -> (0)>
#map1 = affine_map<(d0, d1) -> (0, 0)>
module attributes {stable_mosaic.version = 14 : i64} {
  func.func @_edge_weights(%arg0: i32, %arg1: i32, %arg2: memref<327680xi32, #tpu.memory_space<hbm>>, %arg3: memref<327680xi32, #tpu.memory_space<hbm>>, %arg4: memref<327680x16xf32, #tpu.memory_space<hbm>>, %arg5: memref<20480x16xf32, #tpu.memory_space<hbm>>, %arg6: memref<20480x16xf32, #tpu.memory_space<hbm>>, %arg7: memref<128xi32, #tpu.memory_space<vmem>>, %arg8: memref<128xi32, #tpu.memory_space<vmem>>, %arg9: memref<128x16xf32, #tpu.memory_space<vmem>>, %arg10: memref<128x16xf32, #tpu.memory_space<vmem>>, %arg11: memref<640x16xf32, #tpu.memory_space<vmem>>, %arg12: memref<10240x16xf32, #tpu.memory_space<vmem_shared>>, %arg13: memref<10240x16xf32, #tpu.memory_space<vmem_shared>>, %arg14: memref<!tpu.dma_semaphore, #tpu.memory_space<semaphore_mem>>, %arg15: memref<!tpu.dma_semaphore, #tpu.memory_space<semaphore_mem>>) attributes {dimension_semantics = [#tpu.dimension_semantics<core_parallel>, #tpu.dimension_semantics<subcore_parallel>], iteration_bounds = array<i64: 2, 16>, scalar_prefetch = 0 : i64, scratch_operands = 9 : i64, tpu.core_type = #tpu.core_type<sc_vector_subcore>, window_params = [{transform_indices = #map}, {transform_indices = #map}, {transform_indices = #map1}, {transform_indices = #map1}, {transform_indices = #map1}]} {
    %mul3A = arith.constant 2 : i32
    %mul3A_0 = arith.muli %arg1, %mul3A : i32
    %add3A = arith.addi %mul3A_0, %arg0 : i32
    %mul3A_1 = arith.constant 10240 : i32
    %mul3A_2 = arith.muli %add3A, %mul3A_1 : i32
    %scan3A = arith.constant 0 : i32
    %scan3A_3 = arith.constant 0 : i32
    %scan3A_4 = arith.constant 5 : i32
    %scan3A_5 = arith.addi %scan3A_3, %scan3A_4 : i32
    %scan3A_6 = arith.constant 1 : i32
    scf.for %scan3A_30 = %scan3A_3 to %scan3A_5 step %scan3A_6  : i32 {
      %mul3A_31 = arith.constant 640 : i32
      %mul3A_32 = arith.muli %arg1, %mul3A_31 : i32
      %mul3A_33 = arith.constant 128 : i32
      %mul3A_34 = arith.muli %scan3A_30, %mul3A_33 : i32
      %add3A_35 = arith.addi %mul3A_32, %mul3A_34 : i32
      "tpu.region"() ({
        %run_scoped3A = tpu.sem_alloc : memref<!tpu.dma_semaphore, #tpu.memory_space<semaphore_mem>>
        %dma_start3A = arith.constant 0 : i32
        %dma_start3A_44 = tpu.memref_slice %arg5[%add3A_35, %dma_start3A] : memref<20480x16xf32, #tpu.memory_space<hbm>> -> memref<128x16xf32, #tpu.memory_space<hbm>>
        %dma_start3A_45 = arith.constant 0 : i32
        %dma_start3A_46 = tpu.memref_slice %arg5[%add3A_35, %dma_start3A_45] : memref<20480x16xf32, #tpu.memory_space<hbm>> -> memref<128x16xf32, #tpu.memory_space<hbm>>
        tpu.enqueue_dma source(%dma_start3A_46 : memref<128x16xf32, #tpu.memory_space<hbm>>) target(%arg9 : memref<128x16xf32, #tpu.memory_space<vmem>>) target_semaphore(%run_scoped3A : memref<!tpu.dma_semaphore, #tpu.memory_space<semaphore_mem>>)
        %dma_wait3A = arith.constant 0 : i32
        %dma_wait3A_47 = tpu.memref_slice %arg5[%add3A_35, %dma_wait3A] : memref<20480x16xf32, #tpu.memory_space<hbm>> -> memref<128x16xf32, #tpu.memory_space<hbm>>
        %dma_wait3A_48 = arith.constant 0 : i32
        %dma_wait3A_49 = tpu.memref_slice %arg5[%add3A_35, %dma_wait3A_48] : memref<20480x16xf32, #tpu.memory_space<hbm>> -> memref<128x16xf32, #tpu.memory_space<hbm>>
        tpu.wait_dma2 semaphore(%run_scoped3A : memref<!tpu.dma_semaphore, #tpu.memory_space<semaphore_mem>>) src(%dma_wait3A_49 : memref<128x16xf32, #tpu.memory_space<hbm>>) dst(%arg9 : memref<128x16xf32, #tpu.memory_space<vmem>>)
        tpu.yield
      }) : () -> ()
      %add3A_36 = arith.constant 10240 : i32
      %add3A_37 = arith.addi %add3A_36, %add3A_35 : i32
      "tpu.region"() ({
        %run_scoped3A = tpu.sem_alloc : memref<!tpu.dma_semaphore, #tpu.memory_space<semaphore_mem>>
        %dma_start3A = arith.constant 0 : i32
        %dma_start3A_44 = tpu.memref_slice %arg5[%add3A_37, %dma_start3A] : memref<20480x16xf32, #tpu.memory_space<hbm>> -> memref<128x16xf32, #tpu.memory_space<hbm>>
        %dma_start3A_45 = arith.constant 0 : i32
        %dma_start3A_46 = tpu.memref_slice %arg5[%add3A_37, %dma_start3A_45] : memref<20480x16xf32, #tpu.memory_space<hbm>> -> memref<128x16xf32, #tpu.memory_space<hbm>>
        tpu.enqueue_dma source(%dma_start3A_46 : memref<128x16xf32, #tpu.memory_space<hbm>>) target(%arg10 : memref<128x16xf32, #tpu.memory_space<vmem>>) target_semaphore(%run_scoped3A : memref<!tpu.dma_semaphore, #tpu.memory_space<semaphore_mem>>)
        %dma_wait3A = arith.constant 0 : i32
        %dma_wait3A_47 = tpu.memref_slice %arg5[%add3A_37, %dma_wait3A] : memref<20480x16xf32, #tpu.memory_space<hbm>> -> memref<128x16xf32, #tpu.memory_space<hbm>>
        %dma_wait3A_48 = arith.constant 0 : i32
        %dma_wait3A_49 = tpu.memref_slice %arg5[%add3A_37, %dma_wait3A_48] : memref<20480x16xf32, #tpu.memory_space<hbm>> -> memref<128x16xf32, #tpu.memory_space<hbm>>
        tpu.wait_dma2 semaphore(%run_scoped3A : memref<!tpu.dma_semaphore, #tpu.memory_space<semaphore_mem>>) src(%dma_wait3A_49 : memref<128x16xf32, #tpu.memory_space<hbm>>) dst(%arg10 : memref<128x16xf32, #tpu.memory_space<vmem>>)
        tpu.yield
      }) : () -> ()
      %scan3A_38 = arith.constant 0 : i32
      %scan3A_39 = arith.constant 0 : i32
      %scan3A_40 = arith.constant 128 : i32
      %scan3A_41 = arith.addi %scan3A_39, %scan3A_40 : i32
      %scan3A_42 = arith.constant 1 : i32
      scf.for %scan3A_44 = %scan3A_39 to %scan3A_41 step %scan3A_42  : i32 {
        %get3A = arith.index_cast %scan3A_44 : i32 to index
        %get3A_45 = arith.constant 0 : index
        %get3A_46 = tpu.vector_load %arg9[%get3A, %get3A_45] {strides = array<i32>} : memref<128x16xf32, #tpu.memory_space<vmem>>, vector<1x16xf32>,
        %get3A_47 = vector.shape_cast %get3A_46 : vector<1x16xf32> to vector<16xf32>
        %get3A_48 = arith.index_cast %scan3A_44 : i32 to index
        %get3A_49 = arith.constant 0 : index
        %get3A_50 = tpu.vector_load %arg10[%get3A_48, %get3A_49] {strides = array<i32>} : memref<128x16xf32, #tpu.memory_space<vmem>>, vector<1x16xf32>,
        %get3A_51 = vector.shape_cast %get3A_50 : vector<1x16xf32> to vector<16xf32>
        %add3A_52 = arith.addf %get3A_47, %get3A_51 : vector<16xf32>
        %max3A = arith.constant 9.99999971E-10 : f32
        %max3A_53 = vector.broadcast %max3A : f32 to vector<16xf32>
        %max3A_54 = arith.maximumf %add3A_52, %max3A_53 : vector<16xf32>
        %div3A = arith.constant 1.000000e+00 : f32
        %div3A_55 = vector.broadcast %div3A : f32 to vector<16xf32>
        %div3A_56 = arith.divf %div3A_55, %max3A_54 : vector<16xf32>
        %swap3A = arith.index_cast %scan3A_44 : i32 to index
        %swap3A_57 = arith.constant 0 : index
        %swap3A_58 = tpu.vector_load %arg9[%swap3A, %swap3A_57] {strides = array<i32>} : memref<128x16xf32, #tpu.memory_space<vmem>>, vector<1x16xf32>,
        %swap3A_59 = vector.shape_cast %swap3A_58 : vector<1x16xf32> to vector<16xf32>
        %swap3A_60 = vector.shape_cast %div3A_56 : vector<16xf32> to vector<1x16xf32>
        tpu.vector_store %arg9[%swap3A, %swap3A_57], %swap3A_60 {strides = array<i32>} : memref<128x16xf32, #tpu.memory_space<vmem>>, vector<1x16xf32>,
      }
      %scan3A_43 = arith.constant 128 : i32
      "tpu.region"() ({
        %run_scoped3A = tpu.sem_alloc : memref<!tpu.dma_semaphore, #tpu.memory_space<semaphore_mem>>
        %dma_start3A = arith.constant 0 : i32
        %dma_start3A_44 = tpu.memref_slice %arg13[%add3A_35, %dma_start3A] : memref<10240x16xf32, #tpu.memory_space<vmem_shared>> -> memref<128x16xf32, #tpu.memory_space<vmem_shared>>
        %dma_start3A_45 = arith.constant 0 : i32
        %dma_start3A_46 = tpu.memref_slice %arg13[%add3A_35, %dma_start3A_45] : memref<10240x16xf32, #tpu.memory_space<vmem_shared>> -> memref<128x16xf32, #tpu.memory_space<vmem_shared>>
        tpu.enqueue_dma source(%arg9 : memref<128x16xf32, #tpu.memory_space<vmem>>) target(%dma_start3A_46 : memref<128x16xf32, #tpu.memory_space<vmem_shared>>) target_semaphore(%run_scoped3A : memref<!tpu.dma_semaphore, #tpu.memory_space<semaphore_mem>>)
        %dma_wait3A = arith.constant 0 : i32
        %dma_wait3A_47 = tpu.memref_slice %arg13[%add3A_35, %dma_wait3A] : memref<10240x16xf32, #tpu.memory_space<vmem_shared>> -> memref<128x16xf32, #tpu.memory_space<vmem_shared>>
        %dma_wait3A_48 = arith.constant 0 : i32
        %dma_wait3A_49 = tpu.memref_slice %arg13[%add3A_35, %dma_wait3A_48] : memref<10240x16xf32, #tpu.memory_space<vmem_shared>> -> memref<128x16xf32, #tpu.memory_space<vmem_shared>>
        tpu.wait_dma2 semaphore(%run_scoped3A : memref<!tpu.dma_semaphore, #tpu.memory_space<semaphore_mem>>) src(%arg9 : memref<128x16xf32, #tpu.memory_space<vmem>>) dst(%dma_wait3A_49 : memref<128x16xf32, #tpu.memory_space<vmem_shared>>)
        tpu.yield
      }) : () -> ()
    }
    %scan3A_7 = arith.constant 5 : i32
    %scan3A_8 = arith.constant 0 : i32
    %scan3A_9 = arith.constant 0 : i32
    %scan3A_10 = arith.constant 640 : i32
    %scan3A_11 = arith.addi %scan3A_9, %scan3A_10 : i32
    %scan3A_12 = arith.constant 1 : i32
    scf.for %scan3A_30 = %scan3A_9 to %scan3A_11 step %scan3A_12  : i32 {
      %broadcast_in_dim3A = arith.constant 0.000000e+00 : f32
      %broadcast_in_dim3A_31 = vector.broadcast %broadcast_in_dim3A : f32 to vector<16xf32>
      %swap3A = arith.index_cast %scan3A_30 : i32 to index
      %swap3A_32 = arith.constant 0 : index
      %swap3A_33 = tpu.vector_load %arg11[%swap3A, %swap3A_32] {strides = array<i32>} : memref<640x16xf32, #tpu.memory_space<vmem>>, vector<1x16xf32>,
      %swap3A_34 = vector.shape_cast %swap3A_33 : vector<1x16xf32> to vector<16xf32>
      %swap3A_35 = vector.shape_cast %broadcast_in_dim3A_31 : vector<16xf32> to vector<1x16xf32>
      tpu.vector_store %arg11[%swap3A, %swap3A_32], %swap3A_35 {strides = array<i32>} : memref<640x16xf32, #tpu.memory_space<vmem>>, vector<1x16xf32>,
    }
    %scan3A_13 = arith.constant 640 : i32
    %mul3A_14 = arith.constant 640 : i32
    %mul3A_15 = arith.muli %arg1, %mul3A_14 : i32
    "tpu.region"() ({
      %run_scoped3A = tpu.sem_alloc : memref<!tpu.dma_semaphore, #tpu.memory_space<semaphore_mem>>
      %dma_start3A = arith.constant 0 : i32
      %dma_start3A_30 = tpu.memref_slice %arg12[%mul3A_15, %dma_start3A] : memref<10240x16xf32, #tpu.memory_space<vmem_shared>> -> memref<640x16xf32, #tpu.memory_space<vmem_shared>>
      %dma_start3A_31 = arith.constant 0 : i32
      %dma_start3A_32 = tpu.memref_slice %arg12[%mul3A_15, %dma_start3A_31] : memref<10240x16xf32, #tpu.memory_space<vmem_shared>> -> memref<640x16xf32, #tpu.memory_space<vmem_shared>>
      tpu.enqueue_dma source(%arg11 : memref<640x16xf32, #tpu.memory_space<vmem>>) target(%dma_start3A_32 : memref<640x16xf32, #tpu.memory_space<vmem_shared>>) target_semaphore(%run_scoped3A : memref<!tpu.dma_semaphore, #tpu.memory_space<semaphore_mem>>)
      %dma_wait3A = arith.constant 0 : i32
      %dma_wait3A_33 = tpu.memref_slice %arg12[%mul3A_15, %dma_wait3A] : memref<10240x16xf32, #tpu.memory_space<vmem_shared>> -> memref<640x16xf32, #tpu.memory_space<vmem_shared>>
      %dma_wait3A_34 = arith.constant 0 : i32
      %dma_wait3A_35 = tpu.memref_slice %arg12[%mul3A_15, %dma_wait3A_34] : memref<10240x16xf32, #tpu.memory_space<vmem_shared>> -> memref<640x16xf32, #tpu.memory_space<vmem_shared>>
      tpu.wait_dma2 semaphore(%run_scoped3A : memref<!tpu.dma_semaphore, #tpu.memory_space<semaphore_mem>>) src(%arg11 : memref<640x16xf32, #tpu.memory_space<vmem>>) dst(%dma_wait3A_35 : memref<640x16xf32, #tpu.memory_space<vmem_shared>>)
      tpu.yield
    }) : () -> ()
    %barrier3A = arith.constant 0 : index
    tpu.barrier barrier_id(%barrier3A)
    %scan3A_16 = arith.constant 0 : i32
    %scan3A_17 = arith.constant 0 : i32
    %scan3A_18 = arith.constant 80 : i32
    %scan3A_19 = arith.addi %scan3A_17, %scan3A_18 : i32
    %scan3A_20 = arith.constant 1 : i32
    scf.for %scan3A_30 = %scan3A_17 to %scan3A_19 step %scan3A_20  : i32 {
      %mul3A_31 = arith.constant 128 : i32
      %mul3A_32 = arith.muli %scan3A_30, %mul3A_31 : i32
      %add3A_33 = arith.addi %mul3A_2, %mul3A_32 : i32
      %dma_start3A = tpu.memref_slice %arg2[%add3A_33] : memref<327680xi32, #tpu.memory_space<hbm>> -> memref<128xi32, #tpu.memory_space<hbm>>
      %dma_start3A_34 = tpu.memref_slice %arg2[%add3A_33] : memref<327680xi32, #tpu.memory_space<hbm>> -> memref<128xi32, #tpu.memory_space<hbm>>
      tpu.enqueue_dma source(%dma_start3A_34 : memref<128xi32, #tpu.memory_space<hbm>>) target(%arg7 : memref<128xi32, #tpu.memory_space<vmem>>) target_semaphore(%arg14 : memref<!tpu.dma_semaphore, #tpu.memory_space<semaphore_mem>>)
      %dma_start3A_35 = tpu.memref_slice %arg3[%add3A_33] : memref<327680xi32, #tpu.memory_space<hbm>> -> memref<128xi32, #tpu.memory_space<hbm>>
      %dma_start3A_36 = tpu.memref_slice %arg3[%add3A_33] : memref<327680xi32, #tpu.memory_space<hbm>> -> memref<128xi32, #tpu.memory_space<hbm>>
      tpu.enqueue_dma source(%dma_start3A_36 : memref<128xi32, #tpu.memory_space<hbm>>) target(%arg8 : memref<128xi32, #tpu.memory_space<vmem>>) target_semaphore(%arg15 : memref<!tpu.dma_semaphore, #tpu.memory_space<semaphore_mem>>)
      %dma_wait3A = tpu.memref_slice %arg2[%add3A_33] : memref<327680xi32, #tpu.memory_space<hbm>> -> memref<128xi32, #tpu.memory_space<hbm>>
      %dma_wait3A_37 = tpu.memref_slice %arg2[%add3A_33] : memref<327680xi32, #tpu.memory_space<hbm>> -> memref<128xi32, #tpu.memory_space<hbm>>
      tpu.wait_dma2 semaphore(%arg14 : memref<!tpu.dma_semaphore, #tpu.memory_space<semaphore_mem>>) src(%dma_wait3A_37 : memref<128xi32, #tpu.memory_space<hbm>>) dst(%arg7 : memref<128xi32, #tpu.memory_space<vmem>>)
      %dma_wait3A_38 = tpu.memref_slice %arg3[%add3A_33] : memref<327680xi32, #tpu.memory_space<hbm>> -> memref<128xi32, #tpu.memory_space<hbm>>
      %dma_wait3A_39 = tpu.memref_slice %arg3[%add3A_33] : memref<327680xi32, #tpu.memory_space<hbm>> -> memref<128xi32, #tpu.memory_space<hbm>>
      tpu.wait_dma2 semaphore(%arg15 : memref<!tpu.dma_semaphore, #tpu.memory_space<semaphore_mem>>) src(%dma_wait3A_39 : memref<128xi32, #tpu.memory_space<hbm>>) dst(%arg8 : memref<128xi32, #tpu.memory_space<vmem>>)
      %dma_start3A_40 = arith.constant 0 : i32
      %dma_start3A_41 = arith.constant 0 : i32
      %dma_start3A_42 = tpu.memref_slice %arg13[%dma_start3A_40, %dma_start3A_41] : memref<10240x16xf32, #tpu.memory_space<vmem_shared>> -> memref<10240x16xf32, #tpu.memory_space<vmem_shared>>
      tpu.enqueue_indirect_dma source(%dma_start3A_42 : memref<10240x16xf32, #tpu.memory_space<vmem_shared>>) target(%arg10 : memref<128x16xf32, #tpu.memory_space<vmem>>) offsets(%arg8 : memref<128xi32, #tpu.memory_space<vmem>>) semaphore(%arg14 : memref<!tpu.dma_semaphore, #tpu.memory_space<semaphore_mem>>)
      %dma_start3A_43 = arith.constant 0 : i32
      %dma_start3A_44 = tpu.memref_slice %arg4[%add3A_33, %dma_start3A_43] : memref<327680x16xf32, #tpu.memory_space<hbm>> -> memref<128x16xf32, #tpu.memory_space<hbm>>
      %dma_start3A_45 = arith.constant 0 : i32
      %dma_start3A_46 = tpu.memref_slice %arg4[%add3A_33, %dma_start3A_45] : memref<327680x16xf32, #tpu.memory_space<hbm>> -> memref<128x16xf32, #tpu.memory_space<hbm>>
      tpu.enqueue_dma source(%dma_start3A_46 : memref<128x16xf32, #tpu.memory_space<hbm>>) target(%arg9 : memref<128x16xf32, #tpu.memory_space<vmem>>) target_semaphore(%arg15 : memref<!tpu.dma_semaphore, #tpu.memory_space<semaphore_mem>>)
      %dma_wait3A_47 = arith.constant 0 : i32
      %dma_wait3A_48 = tpu.memref_slice %arg4[%add3A_33, %dma_wait3A_47] : memref<327680x16xf32, #tpu.memory_space<hbm>> -> memref<128x16xf32, #tpu.memory_space<hbm>>
      %dma_wait3A_49 = arith.constant 0 : i32
      %dma_wait3A_50 = tpu.memref_slice %arg4[%add3A_33, %dma_wait3A_49] : memref<327680x16xf32, #tpu.memory_space<hbm>> -> memref<128x16xf32, #tpu.memory_space<hbm>>
      tpu.wait_dma2 semaphore(%arg15 : memref<!tpu.dma_semaphore, #tpu.memory_space<semaphore_mem>>) src(%dma_wait3A_50 : memref<128x16xf32, #tpu.memory_space<hbm>>) dst(%arg9 : memref<128x16xf32, #tpu.memory_space<vmem>>)
      %dma_wait3A_51 = arith.constant 0 : i32
      %dma_wait3A_52 = arith.constant 0 : i32
      %dma_wait3A_53 = tpu.memref_slice %arg13[%dma_wait3A_51, %dma_wait3A_52] : memref<10240x16xf32, #tpu.memory_space<vmem_shared>> -> memref<10240x16xf32, #tpu.memory_space<vmem_shared>>
      tpu.wait_indirect_dma semaphore(%arg14 : memref<!tpu.dma_semaphore, #tpu.memory_space<semaphore_mem>>) src(%dma_wait3A_53 : memref<10240x16xf32, #tpu.memory_space<vmem_shared>>) dst(%arg10 : memref<128x16xf32, #tpu.memory_space<vmem>>)
      %scan3A_54 = arith.constant 0 : i32
      %scan3A_55 = arith.constant 0 : i32
      %scan3A_56 = arith.constant 128 : i32
      %scan3A_57 = arith.addi %scan3A_55, %scan3A_56 : i32
      %scan3A_58 = arith.constant 1 : i32
      scf.for %scan3A_60 = %scan3A_55 to %scan3A_57 step %scan3A_58  : i32 {
        %get3A = arith.index_cast %scan3A_60 : i32 to index
        %get3A_61 = arith.constant 0 : index
        %get3A_62 = tpu.vector_load %arg9[%get3A, %get3A_61] {strides = array<i32>} : memref<128x16xf32, #tpu.memory_space<vmem>>, vector<1x16xf32>,
        %get3A_63 = vector.shape_cast %get3A_62 : vector<1x16xf32> to vector<16xf32>
        %get3A_64 = arith.index_cast %scan3A_60 : i32 to index
        %get3A_65 = arith.constant 0 : index
        %get3A_66 = tpu.vector_load %arg10[%get3A_64, %get3A_65] {strides = array<i32>} : memref<128x16xf32, #tpu.memory_space<vmem>>, vector<1x16xf32>,
        %get3A_67 = vector.shape_cast %get3A_66 : vector<1x16xf32> to vector<16xf32>
        %mul3A_68 = arith.mulf %get3A_63, %get3A_67 : vector<16xf32>
        %swap3A = arith.index_cast %scan3A_60 : i32 to index
        %swap3A_69 = arith.constant 0 : index
        %swap3A_70 = tpu.vector_load %arg9[%swap3A, %swap3A_69] {strides = array<i32>} : memref<128x16xf32, #tpu.memory_space<vmem>>, vector<1x16xf32>,
        %swap3A_71 = vector.shape_cast %swap3A_70 : vector<1x16xf32> to vector<16xf32>
        %swap3A_72 = vector.shape_cast %mul3A_68 : vector<16xf32> to vector<1x16xf32>
        tpu.vector_store %arg9[%swap3A, %swap3A_69], %swap3A_72 {strides = array<i32>} : memref<128x16xf32, #tpu.memory_space<vmem>>, vector<1x16xf32>,
      }
      %scan3A_59 = arith.constant 128 : i32
      "tpu.region"() ({
        %run_scoped3A = tpu.sem_alloc : memref<!tpu.dma_semaphore, #tpu.memory_space<semaphore_mem>>
        %dma_start3A_60 = arith.constant 0 : i32
        %dma_start3A_61 = arith.constant 0 : i32
        %dma_start3A_62 = tpu.memref_slice %arg12[%dma_start3A_60, %dma_start3A_61] : memref<10240x16xf32, #tpu.memory_space<vmem_shared>> -> memref<10240x16xf32, #tpu.memory_space<vmem_shared>>
        tpu.enqueue_indirect_dma source(%arg9 : memref<128x16xf32, #tpu.memory_space<vmem>>) target(%dma_start3A_62 : memref<10240x16xf32, #tpu.memory_space<vmem_shared>>) offsets(%arg7 : memref<128xi32, #tpu.memory_space<vmem>>) semaphore(%run_scoped3A : memref<!tpu.dma_semaphore, #tpu.memory_space<semaphore_mem>>) {add = true}
        %dma_wait3A_63 = arith.constant 0 : i32
        %dma_wait3A_64 = arith.constant 0 : i32
        %dma_wait3A_65 = tpu.memref_slice %arg12[%dma_wait3A_63, %dma_wait3A_64] : memref<10240x16xf32, #tpu.memory_space<vmem_shared>> -> memref<10240x16xf32, #tpu.memory_space<vmem_shared>>
        tpu.wait_indirect_dma semaphore(%run_scoped3A : memref<!tpu.dma_semaphore, #tpu.memory_space<semaphore_mem>>) src(%arg9 : memref<128x16xf32, #tpu.memory_space<vmem>>) dst(%dma_wait3A_65 : memref<10240x16xf32, #tpu.memory_space<vmem_shared>>)
        tpu.yield
      }) : () -> ()
    }
    %scan3A_21 = arith.constant 80 : i32
    %barrier3A_22 = arith.constant 0 : index
    tpu.barrier barrier_id(%barrier3A_22)
    %mul3A_23 = arith.constant 640 : i32
    %mul3A_24 = arith.muli %arg1, %mul3A_23 : i32
    %mul3A_25 = arith.constant 10240 : i32
    %mul3A_26 = arith.muli %arg0, %mul3A_25 : i32
    %mul3A_27 = arith.constant 640 : i32
    %mul3A_28 = arith.muli %arg1, %mul3A_27 : i32
    %add3A_29 = arith.addi %mul3A_26, %mul3A_28 : i32
    "tpu.region"() ({
      %run_scoped3A = tpu.sem_alloc : memref<!tpu.dma_semaphore, #tpu.memory_space<semaphore_mem>>
      %dma_start3A = arith.constant 0 : i32
      %dma_start3A_30 = tpu.memref_slice %arg6[%add3A_29, %dma_start3A] : memref<20480x16xf32, #tpu.memory_space<hbm>> -> memref<640x16xf32, #tpu.memory_space<hbm>>
      %dma_start3A_31 = arith.constant 0 : i32
      %dma_start3A_32 = tpu.memref_slice %arg12[%mul3A_24, %dma_start3A_31] : memref<10240x16xf32, #tpu.memory_space<vmem_shared>> -> memref<640x16xf32, #tpu.memory_space<vmem_shared>>
      tpu.enqueue_dma source(%dma_start3A_32 : memref<640x16xf32, #tpu.memory_space<vmem_shared>>) target(%dma_start3A_30 : memref<640x16xf32, #tpu.memory_space<hbm>>) target_semaphore(%run_scoped3A : memref<!tpu.dma_semaphore, #tpu.memory_space<semaphore_mem>>)
      %dma_wait3A = arith.constant 0 : i32
      %dma_wait3A_33 = tpu.memref_slice %arg6[%add3A_29, %dma_wait3A] : memref<20480x16xf32, #tpu.memory_space<hbm>> -> memref<640x16xf32, #tpu.memory_space<hbm>>
      %dma_wait3A_34 = arith.constant 0 : i32
      %dma_wait3A_35 = tpu.memref_slice %arg12[%mul3A_24, %dma_wait3A_34] : memref<10240x16xf32, #tpu.memory_space<vmem_shared>> -> memref<640x16xf32, #tpu.memory_space<vmem_shared>>
      tpu.wait_dma2 semaphore(%run_scoped3A : memref<!tpu.dma_semaphore, #tpu.memory_space<semaphore_mem>>) src(%dma_wait3A_35 : memref<640x16xf32, #tpu.memory_space<vmem_shared>>) dst(%dma_wait3A_33 : memref<640x16xf32, #tpu.memory_space<hbm>>)
      tpu.yield
    }) : () -> ()
    return
  }
}

#map = affine_map<(d0, d1) -> (0)>
#map1 = affine_map<(d0, d1) -> (0, 0)>
module attributes {stable_mosaic.version = 14 : i64} {
  func.func @_edge_stats(%arg0: i32, %arg1: i32, %arg2: memref<327680xi32, #tpu.memory_space<hbm>>, %arg3: memref<327680xi32, #tpu.memory_space<hbm>>, %arg4: memref<10240x16xf32, #tpu.memory_space<hbm>>, %arg5: memref<10240x16xf32, #tpu.memory_space<hbm>>, %arg6: memref<16xf32, #tpu.memory_space<hbm>>, %arg7: memref<327680x16xf32, #tpu.memory_space<hbm>>, %arg8: memref<20480x16xf32, #tpu.memory_space<hbm>>, %arg9: memref<128xi32, #tpu.memory_space<vmem>>, %arg10: memref<128xi32, #tpu.memory_space<vmem>>, %arg11: memref<128x16xf32, #tpu.memory_space<vmem>>, %arg12: memref<128x16xf32, #tpu.memory_space<vmem>>, %arg13: memref<128x16xf32, #tpu.memory_space<vmem>>, %arg14: memref<16xf32, #tpu.memory_space<vmem>>, %arg15: memref<640x16xf32, #tpu.memory_space<vmem>>, %arg16: memref<10240x16xf32, #tpu.memory_space<vmem_shared>>, %arg17: memref<10240x16xf32, #tpu.memory_space<vmem_shared>>, %arg18: memref<10240x16xf32, #tpu.memory_space<vmem_shared>>, %arg19: memref<!tpu.dma_semaphore, #tpu.memory_space<semaphore_mem>>, %arg20: memref<!tpu.dma_semaphore, #tpu.memory_space<semaphore_mem>>) attributes {dimension_semantics = [#tpu.dimension_semantics<core_parallel>, #tpu.dimension_semantics<subcore_parallel>], iteration_bounds = array<i64: 2, 16>, scalar_prefetch = 0 : i64, scratch_operands = 12 : i64, tpu.core_type = #tpu.core_type<sc_vector_subcore>, window_params = [{transform_indices = #map}, {transform_indices = #map}, {transform_indices = #map1}, {transform_indices = #map1}, {transform_indices = #map}, {transform_indices = #map1}, {transform_indices = #map1}]} {
    %mul3A = arith.constant 2 : i32
    %mul3A_0 = arith.muli %arg1, %mul3A : i32
    %add3A = arith.addi %mul3A_0, %arg0 : i32
    %mul3A_1 = arith.constant 10240 : i32
    %mul3A_2 = arith.muli %add3A, %mul3A_1 : i32
    "tpu.region"() ({
      %run_scoped3A = tpu.sem_alloc : memref<!tpu.dma_semaphore, #tpu.memory_space<semaphore_mem>>
      tpu.enqueue_dma source(%arg6 : memref<16xf32, #tpu.memory_space<hbm>>) target(%arg14 : memref<16xf32, #tpu.memory_space<vmem>>) target_semaphore(%run_scoped3A : memref<!tpu.dma_semaphore, #tpu.memory_space<semaphore_mem>>)
      tpu.wait_dma2 semaphore(%run_scoped3A : memref<!tpu.dma_semaphore, #tpu.memory_space<semaphore_mem>>) src(%arg6 : memref<16xf32, #tpu.memory_space<hbm>>) dst(%arg14 : memref<16xf32, #tpu.memory_space<vmem>>)
      tpu.yield
    }) : () -> ()
    %mul3A_3 = arith.constant 640 : i32
    %mul3A_4 = arith.muli %arg1, %mul3A_3 : i32
    %mul3A_5 = arith.constant 640 : i32
    %mul3A_6 = arith.muli %arg1, %mul3A_5 : i32
    "tpu.region"() ({
      %run_scoped3A = tpu.sem_alloc : memref<!tpu.dma_semaphore, #tpu.memory_space<semaphore_mem>>
      %dma_start3A = arith.constant 0 : i32
      %dma_start3A_34 = tpu.memref_slice %arg17[%mul3A_6, %dma_start3A] : memref<10240x16xf32, #tpu.memory_space<vmem_shared>> -> memref<640x16xf32, #tpu.memory_space<vmem_shared>>
      %dma_start3A_35 = arith.constant 0 : i32
      %dma_start3A_36 = tpu.memref_slice %arg4[%mul3A_4, %dma_start3A_35] : memref<10240x16xf32, #tpu.memory_space<hbm>> -> memref<640x16xf32, #tpu.memory_space<hbm>>
      tpu.enqueue_dma source(%dma_start3A_36 : memref<640x16xf32, #tpu.memory_space<hbm>>) target(%dma_start3A_34 : memref<640x16xf32, #tpu.memory_space<vmem_shared>>) target_semaphore(%run_scoped3A : memref<!tpu.dma_semaphore, #tpu.memory_space<semaphore_mem>>)
      %dma_wait3A = arith.constant 0 : i32
      %dma_wait3A_37 = tpu.memref_slice %arg17[%mul3A_6, %dma_wait3A] : memref<10240x16xf32, #tpu.memory_space<vmem_shared>> -> memref<640x16xf32, #tpu.memory_space<vmem_shared>>
      %dma_wait3A_38 = arith.constant 0 : i32
      %dma_wait3A_39 = tpu.memref_slice %arg4[%mul3A_4, %dma_wait3A_38] : memref<10240x16xf32, #tpu.memory_space<hbm>> -> memref<640x16xf32, #tpu.memory_space<hbm>>
      tpu.wait_dma2 semaphore(%run_scoped3A : memref<!tpu.dma_semaphore, #tpu.memory_space<semaphore_mem>>) src(%dma_wait3A_39 : memref<640x16xf32, #tpu.memory_space<hbm>>) dst(%dma_wait3A_37 : memref<640x16xf32, #tpu.memory_space<vmem_shared>>)
      tpu.yield
    }) : () -> ()
    %mul3A_7 = arith.constant 640 : i32
    %mul3A_8 = arith.muli %arg1, %mul3A_7 : i32
    %mul3A_9 = arith.constant 640 : i32
    %mul3A_10 = arith.muli %arg1, %mul3A_9 : i32
    "tpu.region"() ({
      %run_scoped3A = tpu.sem_alloc : memref<!tpu.dma_semaphore, #tpu.memory_space<semaphore_mem>>
      %dma_start3A = arith.constant 0 : i32
      %dma_start3A_34 = tpu.memref_slice %arg18[%mul3A_10, %dma_start3A] : memref<10240x16xf32, #tpu.memory_space<vmem_shared>> -> memref<640x16xf32, #tpu.memory_space<vmem_shared>>
      %dma_start3A_35 = arith.constant 0 : i32
      %dma_start3A_36 = tpu.memref_slice %arg5[%mul3A_8, %dma_start3A_35] : memref<10240x16xf32, #tpu.memory_space<hbm>> -> memref<640x16xf32, #tpu.memory_space<hbm>>
      tpu.enqueue_dma source(%dma_start3A_36 : memref<640x16xf32, #tpu.memory_space<hbm>>) target(%dma_start3A_34 : memref<640x16xf32, #tpu.memory_space<vmem_shared>>) target_semaphore(%run_scoped3A : memref<!tpu.dma_semaphore, #tpu.memory_space<semaphore_mem>>)
      %dma_wait3A = arith.constant 0 : i32
      %dma_wait3A_37 = tpu.memref_slice %arg18[%mul3A_10, %dma_wait3A] : memref<10240x16xf32, #tpu.memory_space<vmem_shared>> -> memref<640x16xf32, #tpu.memory_space<vmem_shared>>
      %dma_wait3A_38 = arith.constant 0 : i32
      %dma_wait3A_39 = tpu.memref_slice %arg5[%mul3A_8, %dma_wait3A_38] : memref<10240x16xf32, #tpu.memory_space<hbm>> -> memref<640x16xf32, #tpu.memory_space<hbm>>
      tpu.wait_dma2 semaphore(%run_scoped3A : memref<!tpu.dma_semaphore, #tpu.memory_space<semaphore_mem>>) src(%dma_wait3A_39 : memref<640x16xf32, #tpu.memory_space<hbm>>) dst(%dma_wait3A_37 : memref<640x16xf32, #tpu.memory_space<vmem_shared>>)
      tpu.yield
    }) : () -> ()
    %scan3A = arith.constant 0 : i32
    %scan3A_11 = arith.constant 0 : i32
    %scan3A_12 = arith.constant 640 : i32
    %scan3A_13 = arith.addi %scan3A_11, %scan3A_12 : i32
    %scan3A_14 = arith.constant 1 : i32
    scf.for %scan3A_34 = %scan3A_11 to %scan3A_13 step %scan3A_14  : i32 {
      %broadcast_in_dim3A = arith.constant 0.000000e+00 : f32
      %broadcast_in_dim3A_35 = vector.broadcast %broadcast_in_dim3A : f32 to vector<16xf32>
      %swap3A = arith.index_cast %scan3A_34 : i32 to index
      %swap3A_36 = arith.constant 0 : index
      %swap3A_37 = tpu.vector_load %arg15[%swap3A, %swap3A_36] {strides = array<i32>} : memref<640x16xf32, #tpu.memory_space<vmem>>, vector<1x16xf32>,
      %swap3A_38 = vector.shape_cast %swap3A_37 : vector<1x16xf32> to vector<16xf32>
      %swap3A_39 = vector.shape_cast %broadcast_in_dim3A_35 : vector<16xf32> to vector<1x16xf32>
      tpu.vector_store %arg15[%swap3A, %swap3A_36], %swap3A_39 {strides = array<i32>} : memref<640x16xf32, #tpu.memory_space<vmem>>, vector<1x16xf32>,
    }
    %scan3A_15 = arith.constant 640 : i32
    %mul3A_16 = arith.constant 640 : i32
    %mul3A_17 = arith.muli %arg1, %mul3A_16 : i32
    "tpu.region"() ({
      %run_scoped3A = tpu.sem_alloc : memref<!tpu.dma_semaphore, #tpu.memory_space<semaphore_mem>>
      %dma_start3A = arith.constant 0 : i32
      %dma_start3A_34 = tpu.memref_slice %arg16[%mul3A_17, %dma_start3A] : memref<10240x16xf32, #tpu.memory_space<vmem_shared>> -> memref<640x16xf32, #tpu.memory_space<vmem_shared>>
      %dma_start3A_35 = arith.constant 0 : i32
      %dma_start3A_36 = tpu.memref_slice %arg16[%mul3A_17, %dma_start3A_35] : memref<10240x16xf32, #tpu.memory_space<vmem_shared>> -> memref<640x16xf32, #tpu.memory_space<vmem_shared>>
      tpu.enqueue_dma source(%arg15 : memref<640x16xf32, #tpu.memory_space<vmem>>) target(%dma_start3A_36 : memref<640x16xf32, #tpu.memory_space<vmem_shared>>) target_semaphore(%run_scoped3A : memref<!tpu.dma_semaphore, #tpu.memory_space<semaphore_mem>>)
      %dma_wait3A = arith.constant 0 : i32
      %dma_wait3A_37 = tpu.memref_slice %arg16[%mul3A_17, %dma_wait3A] : memref<10240x16xf32, #tpu.memory_space<vmem_shared>> -> memref<640x16xf32, #tpu.memory_space<vmem_shared>>
      %dma_wait3A_38 = arith.constant 0 : i32
      %dma_wait3A_39 = tpu.memref_slice %arg16[%mul3A_17, %dma_wait3A_38] : memref<10240x16xf32, #tpu.memory_space<vmem_shared>> -> memref<640x16xf32, #tpu.memory_space<vmem_shared>>
      tpu.wait_dma2 semaphore(%run_scoped3A : memref<!tpu.dma_semaphore, #tpu.memory_space<semaphore_mem>>) src(%arg15 : memref<640x16xf32, #tpu.memory_space<vmem>>) dst(%dma_wait3A_39 : memref<640x16xf32, #tpu.memory_space<vmem_shared>>)
      tpu.yield
    }) : () -> ()
    %barrier3A = arith.constant 0 : index
    tpu.barrier barrier_id(%barrier3A)
    %get3A = arith.constant 0 : index
    %get3A_18 = tpu.vector_load %arg14[%get3A] {strides = array<i32>} : memref<16xf32, #tpu.memory_space<vmem>>, vector<16xf32>,
    %get3A_19 = vector.shape_cast %get3A_18 : vector<16xf32> to vector<16xf32>
    %scan3A_20 = arith.constant 0 : i32
    %scan3A_21 = arith.constant 0 : i32
    %scan3A_22 = arith.constant 80 : i32
    %scan3A_23 = arith.addi %scan3A_21, %scan3A_22 : i32
    %scan3A_24 = arith.constant 1 : i32
    scf.for %scan3A_34 = %scan3A_21 to %scan3A_23 step %scan3A_24  : i32 {
      %mul3A_35 = arith.constant 128 : i32
      %mul3A_36 = arith.muli %scan3A_34, %mul3A_35 : i32
      %add3A_37 = arith.addi %mul3A_2, %mul3A_36 : i32
      %dma_start3A = tpu.memref_slice %arg2[%add3A_37] : memref<327680xi32, #tpu.memory_space<hbm>> -> memref<128xi32, #tpu.memory_space<hbm>>
      %dma_start3A_38 = tpu.memref_slice %arg2[%add3A_37] : memref<327680xi32, #tpu.memory_space<hbm>> -> memref<128xi32, #tpu.memory_space<hbm>>
      tpu.enqueue_dma source(%dma_start3A_38 : memref<128xi32, #tpu.memory_space<hbm>>) target(%arg9 : memref<128xi32, #tpu.memory_space<vmem>>) target_semaphore(%arg19 : memref<!tpu.dma_semaphore, #tpu.memory_space<semaphore_mem>>)
      %dma_start3A_39 = tpu.memref_slice %arg3[%add3A_37] : memref<327680xi32, #tpu.memory_space<hbm>> -> memref<128xi32, #tpu.memory_space<hbm>>
      %dma_start3A_40 = tpu.memref_slice %arg3[%add3A_37] : memref<327680xi32, #tpu.memory_space<hbm>> -> memref<128xi32, #tpu.memory_space<hbm>>
      tpu.enqueue_dma source(%dma_start3A_40 : memref<128xi32, #tpu.memory_space<hbm>>) target(%arg10 : memref<128xi32, #tpu.memory_space<vmem>>) target_semaphore(%arg20 : memref<!tpu.dma_semaphore, #tpu.memory_space<semaphore_mem>>)
      %dma_wait3A = tpu.memref_slice %arg2[%add3A_37] : memref<327680xi32, #tpu.memory_space<hbm>> -> memref<128xi32, #tpu.memory_space<hbm>>
      %dma_wait3A_41 = tpu.memref_slice %arg2[%add3A_37] : memref<327680xi32, #tpu.memory_space<hbm>> -> memref<128xi32, #tpu.memory_space<hbm>>
      tpu.wait_dma2 semaphore(%arg19 : memref<!tpu.dma_semaphore, #tpu.memory_space<semaphore_mem>>) src(%dma_wait3A_41 : memref<128xi32, #tpu.memory_space<hbm>>) dst(%arg9 : memref<128xi32, #tpu.memory_space<vmem>>)
      %dma_wait3A_42 = tpu.memref_slice %arg3[%add3A_37] : memref<327680xi32, #tpu.memory_space<hbm>> -> memref<128xi32, #tpu.memory_space<hbm>>
      %dma_wait3A_43 = tpu.memref_slice %arg3[%add3A_37] : memref<327680xi32, #tpu.memory_space<hbm>> -> memref<128xi32, #tpu.memory_space<hbm>>
      tpu.wait_dma2 semaphore(%arg20 : memref<!tpu.dma_semaphore, #tpu.memory_space<semaphore_mem>>) src(%dma_wait3A_43 : memref<128xi32, #tpu.memory_space<hbm>>) dst(%arg10 : memref<128xi32, #tpu.memory_space<vmem>>)
      %dma_start3A_44 = arith.constant 0 : i32
      %dma_start3A_45 = arith.constant 0 : i32
      %dma_start3A_46 = tpu.memref_slice %arg17[%dma_start3A_44, %dma_start3A_45] : memref<10240x16xf32, #tpu.memory_space<vmem_shared>> -> memref<10240x16xf32, #tpu.memory_space<vmem_shared>>
      tpu.enqueue_indirect_dma source(%dma_start3A_46 : memref<10240x16xf32, #tpu.memory_space<vmem_shared>>) target(%arg11 : memref<128x16xf32, #tpu.memory_space<vmem>>) offsets(%arg9 : memref<128xi32, #tpu.memory_space<vmem>>) semaphore(%arg19 : memref<!tpu.dma_semaphore, #tpu.memory_space<semaphore_mem>>)
      %dma_start3A_47 = arith.constant 0 : i32
      %dma_start3A_48 = arith.constant 0 : i32
      %dma_start3A_49 = tpu.memref_slice %arg18[%dma_start3A_47, %dma_start3A_48] : memref<10240x16xf32, #tpu.memory_space<vmem_shared>> -> memref<10240x16xf32, #tpu.memory_space<vmem_shared>>
      tpu.enqueue_indirect_dma source(%dma_start3A_49 : memref<10240x16xf32, #tpu.memory_space<vmem_shared>>) target(%arg12 : memref<128x16xf32, #tpu.memory_space<vmem>>) offsets(%arg10 : memref<128xi32, #tpu.memory_space<vmem>>) semaphore(%arg20 : memref<!tpu.dma_semaphore, #tpu.memory_space<semaphore_mem>>)
      %dma_wait3A_50 = arith.constant 0 : i32
      %dma_wait3A_51 = arith.constant 0 : i32
      %dma_wait3A_52 = tpu.memref_slice %arg17[%dma_wait3A_50, %dma_wait3A_51] : memref<10240x16xf32, #tpu.memory_space<vmem_shared>> -> memref<10240x16xf32, #tpu.memory_space<vmem_shared>>
      tpu.wait_indirect_dma semaphore(%arg19 : memref<!tpu.dma_semaphore, #tpu.memory_space<semaphore_mem>>) src(%dma_wait3A_52 : memref<10240x16xf32, #tpu.memory_space<vmem_shared>>) dst(%arg11 : memref<128x16xf32, #tpu.memory_space<vmem>>)
      %dma_wait3A_53 = arith.constant 0 : i32
      %dma_wait3A_54 = arith.constant 0 : i32
      %dma_wait3A_55 = tpu.memref_slice %arg18[%dma_wait3A_53, %dma_wait3A_54] : memref<10240x16xf32, #tpu.memory_space<vmem_shared>> -> memref<10240x16xf32, #tpu.memory_space<vmem_shared>>
      tpu.wait_indirect_dma semaphore(%arg20 : memref<!tpu.dma_semaphore, #tpu.memory_space<semaphore_mem>>) src(%dma_wait3A_55 : memref<10240x16xf32, #tpu.memory_space<vmem_shared>>) dst(%arg12 : memref<128x16xf32, #tpu.memory_space<vmem>>)
      %scan3A_56 = arith.constant 0 : i32
      %scan3A_57 = arith.constant 0 : i32
      %scan3A_58 = arith.constant 128 : i32
      %scan3A_59 = arith.addi %scan3A_57, %scan3A_58 : i32
      %scan3A_60 = arith.constant 1 : i32
      scf.for %scan3A_70 = %scan3A_57 to %scan3A_59 step %scan3A_60  : i32 {
        %get3A_71 = arith.index_cast %scan3A_70 : i32 to index
        %get3A_72 = arith.constant 0 : index
        %get3A_73 = tpu.vector_load %arg11[%get3A_71, %get3A_72] {strides = array<i32>} : memref<128x16xf32, #tpu.memory_space<vmem>>, vector<1x16xf32>,
        %get3A_74 = vector.shape_cast %get3A_73 : vector<1x16xf32> to vector<16xf32>
        %get3A_75 = arith.index_cast %scan3A_70 : i32 to index
        %get3A_76 = arith.constant 0 : index
        %get3A_77 = tpu.vector_load %arg12[%get3A_75, %get3A_76] {strides = array<i32>} : memref<128x16xf32, #tpu.memory_space<vmem>>, vector<1x16xf32>,
        %get3A_78 = vector.shape_cast %get3A_77 : vector<1x16xf32> to vector<16xf32>
        %add3A_79 = arith.addf %get3A_74, %get3A_78 : vector<16xf32>
        %mul3A_80 = arith.constant 2.000000e-01 : f32
        %mul3A_81 = vector.broadcast %mul3A_80 : f32 to vector<16xf32>
        %mul3A_82 = arith.mulf %mul3A_81, %add3A_79 : vector<16xf32>
        %max3A = arith.maximumf %add3A_79, %mul3A_82 : vector<16xf32>
        %sub3A = arith.subf %max3A, %get3A_19 : vector<16xf32>
        %exp3A = math.exp %sub3A : vector<16xf32>
        %swap3A = arith.index_cast %scan3A_70 : i32 to index
        %swap3A_83 = arith.constant 0 : index
        %swap3A_84 = tpu.vector_load %arg13[%swap3A, %swap3A_83] {strides = array<i32>} : memref<128x16xf32, #tpu.memory_space<vmem>>, vector<1x16xf32>,
        %swap3A_85 = vector.shape_cast %swap3A_84 : vector<1x16xf32> to vector<16xf32>
        %swap3A_86 = vector.shape_cast %exp3A : vector<16xf32> to vector<1x16xf32>
        tpu.vector_store %arg13[%swap3A, %swap3A_83], %swap3A_86 {strides = array<i32>} : memref<128x16xf32, #tpu.memory_space<vmem>>, vector<1x16xf32>,
      }
      %scan3A_61 = arith.constant 128 : i32
      %dma_start3A_62 = arith.constant 0 : i32
      %dma_start3A_63 = tpu.memref_slice %arg7[%add3A_37, %dma_start3A_62] : memref<327680x16xf32, #tpu.memory_space<hbm>> -> memref<128x16xf32, #tpu.memory_space<hbm>>
      %dma_start3A_64 = arith.constant 0 : i32
      %dma_start3A_65 = tpu.memref_slice %arg7[%add3A_37, %dma_start3A_64] : memref<327680x16xf32, #tpu.memory_space<hbm>> -> memref<128x16xf32, #tpu.memory_space<hbm>>
      tpu.enqueue_dma source(%arg13 : memref<128x16xf32, #tpu.memory_space<vmem>>) target(%dma_start3A_65 : memref<128x16xf32, #tpu.memory_space<hbm>>) target_semaphore(%arg19 : memref<!tpu.dma_semaphore, #tpu.memory_space<semaphore_mem>>)
      "tpu.region"() ({
        %run_scoped3A = tpu.sem_alloc : memref<!tpu.dma_semaphore, #tpu.memory_space<semaphore_mem>>
        %dma_start3A_70 = arith.constant 0 : i32
        %dma_start3A_71 = arith.constant 0 : i32
        %dma_start3A_72 = tpu.memref_slice %arg16[%dma_start3A_70, %dma_start3A_71] : memref<10240x16xf32, #tpu.memory_space<vmem_shared>> -> memref<10240x16xf32, #tpu.memory_space<vmem_shared>>
        tpu.enqueue_indirect_dma source(%arg13 : memref<128x16xf32, #tpu.memory_space<vmem>>) target(%dma_start3A_72 : memref<10240x16xf32, #tpu.memory_space<vmem_shared>>) offsets(%arg10 : memref<128xi32, #tpu.memory_space<vmem>>) semaphore(%run_scoped3A : memref<!tpu.dma_semaphore, #tpu.memory_space<semaphore_mem>>) {add = true}
        %dma_wait3A_73 = arith.constant 0 : i32
        %dma_wait3A_74 = arith.constant 0 : i32
        %dma_wait3A_75 = tpu.memref_slice %arg16[%dma_wait3A_73, %dma_wait3A_74] : memref<10240x16xf32, #tpu.memory_space<vmem_shared>> -> memref<10240x16xf32, #tpu.memory_space<vmem_shared>>
        tpu.wait_indirect_dma semaphore(%run_scoped3A : memref<!tpu.dma_semaphore, #tpu.memory_space<semaphore_mem>>) src(%arg13 : memref<128x16xf32, #tpu.memory_space<vmem>>) dst(%dma_wait3A_75 : memref<10240x16xf32, #tpu.memory_space<vmem_shared>>)
        tpu.yield
      }) : () -> ()
      %dma_wait3A_66 = arith.constant 0 : i32
      %dma_wait3A_67 = tpu.memref_slice %arg7[%add3A_37, %dma_wait3A_66] : memref<327680x16xf32, #tpu.memory_space<hbm>> -> memref<128x16xf32, #tpu.memory_space<hbm>>
      %dma_wait3A_68 = arith.constant 0 : i32
      %dma_wait3A_69 = tpu.memref_slice %arg7[%add3A_37, %dma_wait3A_68] : memref<327680x16xf32, #tpu.memory_space<hbm>> -> memref<128x16xf32, #tpu.memory_space<hbm>>
      tpu.wait_dma2 semaphore(%arg19 : memref<!tpu.dma_semaphore, #tpu.memory_space<semaphore_mem>>) src(%arg13 : memref<128x16xf32, #tpu.memory_space<vmem>>) dst(%dma_wait3A_69 : memref<128x16xf32, #tpu.memory_space<hbm>>)
    }
    %scan3A_25 = arith.constant 80 : i32
    %barrier3A_26 = arith.constant 0 : index
    tpu.barrier barrier_id(%barrier3A_26)
    %mul3A_27 = arith.constant 640 : i32
    %mul3A_28 = arith.muli %arg1, %mul3A_27 : i32
    %mul3A_29 = arith.constant 10240 : i32
    %mul3A_30 = arith.muli %arg0, %mul3A_29 : i32
    %mul3A_31 = arith.constant 640 : i32
    %mul3A_32 = arith.muli %arg1, %mul3A_31 : i32
    %add3A_33 = arith.addi %mul3A_30, %mul3A_32 : i32
    "tpu.region"() ({
      %run_scoped3A = tpu.sem_alloc : memref<!tpu.dma_semaphore, #tpu.memory_space<semaphore_mem>>
      %dma_start3A = arith.constant 0 : i32
      %dma_start3A_34 = tpu.memref_slice %arg8[%add3A_33, %dma_start3A] : memref<20480x16xf32, #tpu.memory_space<hbm>> -> memref<640x16xf32, #tpu.memory_space<hbm>>
      %dma_start3A_35 = arith.constant 0 : i32
      %dma_start3A_36 = tpu.memref_slice %arg16[%mul3A_28, %dma_start3A_35] : memref<10240x16xf32, #tpu.memory_space<vmem_shared>> -> memref<640x16xf32, #tpu.memory_space<vmem_shared>>
      tpu.enqueue_dma source(%dma_start3A_36 : memref<640x16xf32, #tpu.memory_space<vmem_shared>>) target(%dma_start3A_34 : memref<640x16xf32, #tpu.memory_space<hbm>>) target_semaphore(%run_scoped3A : memref<!tpu.dma_semaphore, #tpu.memory_space<semaphore_mem>>)
      %dma_wait3A = arith.constant 0 : i32
      %dma_wait3A_37 = tpu.memref_slice %arg8[%add3A_33, %dma_wait3A] : memref<20480x16xf32, #tpu.memory_space<hbm>> -> memref<640x16xf32, #tpu.memory_space<hbm>>
      %dma_wait3A_38 = arith.constant 0 : i32
      %dma_wait3A_39 = tpu.memref_slice %arg16[%mul3A_28, %dma_wait3A_38] : memref<10240x16xf32, #tpu.memory_space<vmem_shared>> -> memref<640x16xf32, #tpu.memory_space<vmem_shared>>
      tpu.wait_dma2 semaphore(%run_scoped3A : memref<!tpu.dma_semaphore, #tpu.memory_space<semaphore_mem>>) src(%dma_wait3A_39 : memref<640x16xf32, #tpu.memory_space<vmem_shared>>) dst(%dma_wait3A_37 : memref<640x16xf32, #tpu.memory_space<hbm>>)
      tpu.yield
    }) : () -> ()
    return
  }
}

module attributes {stable_mosaic.version = 14 : i64} {
  func.func @_dense1_body(%arg0: i32, %arg1: memref<1024x128xf32, #tpu.memory_space<vmem>>, %arg2: memref<128x128xf32, #tpu.memory_space<vmem>>, %arg3: memref<128x16xf32, #tpu.memory_space<vmem>>, %arg4: memref<128x16xf32, #tpu.memory_space<vmem>>, %arg5: memref<1024x128xf32, #tpu.memory_space<vmem>>, %arg6: memref<1024x16xf32, #tpu.memory_space<vmem>>, %arg7: memref<1024x16xf32, #tpu.memory_space<vmem>>, %arg8: memref<1x16xf32, #tpu.memory_space<vmem>>, %arg9: memref<1x16xf32, #tpu.memory_space<vmem>>) attributes {dimension_semantics = [#tpu.dimension_semantics<arbitrary>], iteration_bounds = array<i64: 10>, scalar_prefetch = 0 : i64, scratch_operands = 0 : i64, tpu.core_type = #tpu.core_type<tc>, window_params = [{transform_indices = @transform_0, window_bounds = array<i64: 1024, 128>}, {pipeline_mode = #tpu.pipeline_mode<synchronous>, transform_indices = @transform_1, window_bounds = array<i64: 128, 128>}, {pipeline_mode = #tpu.pipeline_mode<synchronous>, transform_indices = @transform_2, window_bounds = array<i64: 128, 16>}, {pipeline_mode = #tpu.pipeline_mode<synchronous>, transform_indices = @transform_3, window_bounds = array<i64: 128, 16>}, {transform_indices = @transform_4, window_bounds = array<i64: 1024, 128>}, {transform_indices = @transform_5, window_bounds = array<i64: 1024, 16>}, {transform_indices = @transform_6, window_bounds = array<i64: 1024, 16>}, {pipeline_mode = #tpu.pipeline_mode<synchronous>, transform_indices = @transform_7, window_bounds = array<i64: 1, 16>}, {pipeline_mode = #tpu.pipeline_mode<synchronous>, transform_indices = @transform_8, window_bounds = array<i64: 1, 16>}]} {
    %get3A = arith.constant 0 : index
    %get3A_0 = arith.constant 0 : index
    %get3A_1 = vector.load %arg1[%get3A, %get3A_0] : memref<1024x128xf32, #tpu.memory_space<vmem>>, vector<1024x128xf32>
    %get3A_2 = arith.constant 0 : index
    %get3A_3 = arith.constant 0 : index
    %get3A_4 = vector.load %arg2[%get3A_2, %get3A_3] : memref<128x128xf32, #tpu.memory_space<vmem>>, vector<128x128xf32>
    %dot_general3A = arith.constant dense<0.000000e+00> : vector<1024x128xf32>
    %dot_general3A_5 = tpu.matmul %get3A_1, %get3A_4, %dot_general3A {dimension_numbers = #tpu.dot_dimension_numbers<[1], [0], [0], [1], [0, 0, 1, 1], [], []>, precision = #tpu.contract_precision<fp32>, transpose_lhs_hint = false} : vector<1024x128xf32>, vector<128x128xf32>, vector<1024x128xf32> -> vector<1024x128xf32>
    %swap3A = arith.constant 0 : index
    %swap3A_6 = arith.constant 0 : index
    %swap3A_7 = vector.load %arg5[%swap3A, %swap3A_6] : memref<1024x128xf32, #tpu.memory_space<vmem>>, vector<1024x128xf32>
    tpu.vector_store %arg5[%swap3A, %swap3A_6], %dot_general3A_5 {strides = array<i32>} : memref<1024x128xf32, #tpu.memory_space<vmem>>, vector<1024x128xf32>,
    %get3A_8 = arith.constant 0 : index
    %get3A_9 = arith.constant 0 : index
    %get3A_10 = vector.load %arg3[%get3A_8, %get3A_9] : memref<128x16xf32, #tpu.memory_space<vmem>>, vector<128x16xf32>
    %dot_general3A_11 = arith.constant dense<0.000000e+00> : vector<1024x16xf32>
    %dot_general3A_12 = tpu.matmul %dot_general3A_5, %get3A_10, %dot_general3A_11 {dimension_numbers = #tpu.dot_dimension_numbers<[1], [0], [0], [1], [0, 0, 1, 1], [], []>, precision = #tpu.contract_precision<fp32>, transpose_lhs_hint = false} : vector<1024x128xf32>, vector<128x16xf32>, vector<1024x16xf32> -> vector<1024x16xf32>
    %get3A_13 = arith.constant 0 : index
    %get3A_14 = arith.constant 0 : index
    %get3A_15 = vector.load %arg4[%get3A_13, %get3A_14] : memref<128x16xf32, #tpu.memory_space<vmem>>, vector<128x16xf32>
    %dot_general3A_16 = arith.constant dense<0.000000e+00> : vector<1024x16xf32>
    %dot_general3A_17 = tpu.matmul %dot_general3A_5, %get3A_15, %dot_general3A_16 {dimension_numbers = #tpu.dot_dimension_numbers<[1], [0], [0], [1], [0, 0, 1, 1], [], []>, precision = #tpu.contract_precision<fp32>, transpose_lhs_hint = false} : vector<1024x128xf32>, vector<128x16xf32>, vector<1024x16xf32> -> vector<1024x16xf32>
    %swap3A_18 = arith.constant 0 : index
    %swap3A_19 = arith.constant 0 : index
    %swap3A_20 = vector.load %arg6[%swap3A_18, %swap3A_19] : memref<1024x16xf32, #tpu.memory_space<vmem>>, vector<1024x16xf32>
    tpu.vector_store %arg6[%swap3A_18, %swap3A_19], %dot_general3A_12 {strides = array<i32>} : memref<1024x16xf32, #tpu.memory_space<vmem>>, vector<1024x16xf32>,
    %swap3A_21 = arith.constant 0 : index
    %swap3A_22 = arith.constant 0 : index
    %swap3A_23 = vector.load %arg7[%swap3A_21, %swap3A_22] : memref<1024x16xf32, #tpu.memory_space<vmem>>, vector<1024x16xf32>
    tpu.vector_store %arg7[%swap3A_21, %swap3A_22], %dot_general3A_17 {strides = array<i32>} : memref<1024x16xf32, #tpu.memory_space<vmem>>, vector<1024x16xf32>,
    %eq3A = arith.constant 0 : i32
    %eq3A_24 = arith.cmpi eq, %arg0, %eq3A : i32
    %convert_element_type3A = arith.extui %eq3A_24 : i1 to i32
    %cond3A = arith.constant 0 : i32
    %cond3A_25 = arith.cmpi ne, %convert_element_type3A, %cond3A : i32
    scf.if %cond3A_25 {
      %broadcast_in_dim3A_43 = arith.constant -1.000000e+30 : f32
      %broadcast_in_dim3A_44 = vector.broadcast %broadcast_in_dim3A_43 : f32 to vector<1x16xf32>
      %swap3A_45 = arith.constant 0 : index
      %swap3A_46 = arith.constant 0 : index
      %swap3A_47 = vector.load %arg8[%swap3A_45, %swap3A_46] : memref<1x16xf32, #tpu.memory_space<vmem>>, vector<1x16xf32>
      tpu.vector_store %arg8[%swap3A_45, %swap3A_46], %broadcast_in_dim3A_44 {strides = array<i32>} : memref<1x16xf32, #tpu.memory_space<vmem>>, vector<1x16xf32>,
      %broadcast_in_dim3A_48 = arith.constant -1.000000e+30 : f32
      %broadcast_in_dim3A_49 = vector.broadcast %broadcast_in_dim3A_48 : f32 to vector<1x16xf32>
      %swap3A_50 = arith.constant 0 : index
      %swap3A_51 = arith.constant 0 : index
      %swap3A_52 = vector.load %arg9[%swap3A_50, %swap3A_51] : memref<1x16xf32, #tpu.memory_space<vmem>>, vector<1x16xf32>
      tpu.vector_store %arg9[%swap3A_50, %swap3A_51], %broadcast_in_dim3A_49 {strides = array<i32>} : memref<1x16xf32, #tpu.memory_space<vmem>>, vector<1x16xf32>,
    } else {
    }
    %get3A_26 = arith.constant 0 : index
    %get3A_27 = arith.constant 0 : index
    %get3A_28 = vector.load %arg8[%get3A_26, %get3A_27] : memref<1x16xf32, #tpu.memory_space<vmem>>, vector<1x16xf32>
    %reduce_max3A = arith.constant dense<0xFF800000> : vector<16xf32>
    %reduce_max3A_29 = vector.multi_reduction <maximumf>, %dot_general3A_12, %reduce_max3A [0] : vector<1024x16xf32> to vector<16xf32>
    %broadcast_in_dim3A = vector.shape_cast %reduce_max3A_29 : vector<16xf32> to vector<1x16xf32>
    %max3A = arith.maximumf %get3A_28, %broadcast_in_dim3A : vector<1x16xf32>
    %swap3A_30 = arith.constant 0 : index
    %swap3A_31 = arith.constant 0 : index
    %swap3A_32 = vector.load %arg8[%swap3A_30, %swap3A_31] : memref<1x16xf32, #tpu.memory_space<vmem>>, vector<1x16xf32>
    tpu.vector_store %arg8[%swap3A_30, %swap3A_31], %max3A {strides = array<i32>} : memref<1x16xf32, #tpu.memory_space<vmem>>, vector<1x16xf32>,
    %get3A_33 = arith.constant 0 : index
    %get3A_34 = arith.constant 0 : index
    %get3A_35 = vector.load %arg9[%get3A_33, %get3A_34] : memref<1x16xf32, #tpu.memory_space<vmem>>, vector<1x16xf32>
    %reduce_max3A_36 = arith.constant dense<0xFF800000> : vector<16xf32>
    %reduce_max3A_37 = vector.multi_reduction <maximumf>, %dot_general3A_17, %reduce_max3A_36 [0] : vector<1024x16xf32> to vector<16xf32>
    %broadcast_in_dim3A_38 = vector.shape_cast %reduce_max3A_37 : vector<16xf32> to vector<1x16xf32>
    %max3A_39 = arith.maximumf %get3A_35, %broadcast_in_dim3A_38 : vector<1x16xf32>
    %swap3A_40 = arith.constant 0 : index
    %swap3A_41 = arith.constant 0 : index
    %swap3A_42 = vector.load %arg9[%swap3A_40, %swap3A_41] : memref<1x16xf32, #tpu.memory_space<vmem>>, vector<1x16xf32>
    tpu.vector_store %arg9[%swap3A_40, %swap3A_41], %max3A_39 {strides = array<i32>} : memref<1x16xf32, #tpu.memory_space<vmem>>, vector<1x16xf32>,
    return
  }
  func.func @transform_0(%arg0: i32) -> (i32, i32) {
    %c0_i32 = arith.constant 0 : i32
    %c0_i32_0 = arith.constant 0 : i32
    return %arg0, %c0_i32 : i32, i32
  }
  func.func @transform_1(%arg0: i32) -> (i32, i32) {
    %c0_i32 = arith.constant 0 : i32
    %c0_i32_0 = arith.constant 0 : i32
    %c0_i32_1 = arith.constant 0 : i32
    return %c0_i32, %c0_i32_0 : i32, i32
  }
  func.func @transform_2(%arg0: i32) -> (i32, i32) {
    %c0_i32 = arith.constant 0 : i32
    %c0_i32_0 = arith.constant 0 : i32
    %c0_i32_1 = arith.constant 0 : i32
    return %c0_i32, %c0_i32_0 : i32, i32
  }
  func.func @transform_3(%arg0: i32) -> (i32, i32) {
    %c0_i32 = arith.constant 0 : i32
    %c0_i32_0 = arith.constant 0 : i32
    %c0_i32_1 = arith.constant 0 : i32
    return %c0_i32, %c0_i32_0 : i32, i32
  }
  func.func @transform_4(%arg0: i32) -> (i32, i32) {
    %c0_i32 = arith.constant 0 : i32
    %c0_i32_0 = arith.constant 0 : i32
    return %arg0, %c0_i32 : i32, i32
  }
  func.func @transform_5(%arg0: i32) -> (i32, i32) {
    %c0_i32 = arith.constant 0 : i32
    %c0_i32_0 = arith.constant 0 : i32
    return %arg0, %c0_i32 : i32, i32
  }
  func.func @transform_6(%arg0: i32) -> (i32, i32) {
    %c0_i32 = arith.constant 0 : i32
    %c0_i32_0 = arith.constant 0 : i32
    return %arg0, %c0_i32 : i32, i32
  }
  func.func @transform_7(%arg0: i32) -> (i32, i32) {
    %c0_i32 = arith.constant 0 : i32
    %c0_i32_0 = arith.constant 0 : i32
    %c0_i32_1 = arith.constant 0 : i32
    return %c0_i32, %c0_i32_0 : i32, i32
  }
  func.func @transform_8(%arg0: i32) -> (i32, i32) {
    %c0_i32 = arith.constant 0 : i32
    %c0_i32_0 = arith.constant 0 : i32
    %c0_i32_1 = arith.constant 0 : i32
    return %c0_i32, %c0_i32_0 : i32, i32
  }
}

module attributes {stable_mosaic.version = 14 : i64} {
  func.func @_dense2_body(%arg0: i32, %arg1: memref<1024x128xf32, #tpu.memory_space<vmem>>, %arg2: memref<1024x128xf32, #tpu.memory_space<vmem>>, %arg3: memref<1024x16xf32, #tpu.memory_space<vmem>>, %arg4: memref<1024x16xf32, #tpu.memory_space<vmem>>, %arg5: memref<16x128xf32, #tpu.memory_space<vmem>>, %arg6: memref<1x128xf32, #tpu.memory_space<vmem>>, %arg7: memref<128x128xf32, #tpu.memory_space<vmem>>, %arg8: memref<128x16xf32, #tpu.memory_space<vmem>>, %arg9: memref<128x16xf32, #tpu.memory_space<vmem>>, %arg10: memref<1024x128xf32, #tpu.memory_space<vmem>>, %arg11: memref<1024x16xf32, #tpu.memory_space<vmem>>, %arg12: memref<1024x16xf32, #tpu.memory_space<vmem>>, %arg13: memref<1x16xf32, #tpu.memory_space<vmem>>, %arg14: memref<1x16xf32, #tpu.memory_space<vmem>>) attributes {dimension_semantics = [#tpu.dimension_semantics<arbitrary>], iteration_bounds = array<i64: 10>, scalar_prefetch = 0 : i64, scratch_operands = 0 : i64, tpu.core_type = #tpu.core_type<tc>, window_params = [{transform_indices = @transform_0, window_bounds = array<i64: 1024, 128>}, {transform_indices = @transform_1, window_bounds = array<i64: 1024, 128>}, {transform_indices = @transform_2, window_bounds = array<i64: 1024, 16>}, {transform_indices = @transform_3, window_bounds = array<i64: 1024, 16>}, {pipeline_mode = #tpu.pipeline_mode<synchronous>, transform_indices = @transform_4, window_bounds = array<i64: 16, 128>}, {pipeline_mode = #tpu.pipeline_mode<synchronous>, transform_indices = @transform_5, window_bounds = array<i64: 1, 128>}, {pipeline_mode = #tpu.pipeline_mode<synchronous>, transform_indices = @transform_6, window_bounds = array<i64: 128, 128>}, {pipeline_mode = #tpu.pipeline_mode<synchronous>, transform_indices = @transform_7, window_bounds = array<i64: 128, 16>}, {pipeline_mode = #tpu.pipeline_mode<synchronous>, transform_indices = @transform_8, window_bounds = array<i64: 128, 16>}, {transform_indices = @transform_9, window_bounds = array<i64: 1024, 128>}, {transform_indices = @transform_10, window_bounds = array<i64: 1024, 16>}, {transform_indices = @transform_11, window_bounds = array<i64: 1024, 16>}, {pipeline_mode = #tpu.pipeline_mode<synchronous>, transform_indices = @transform_12, window_bounds = array<i64: 1, 16>}, {pipeline_mode = #tpu.pipeline_mode<synchronous>, transform_indices = @transform_13, window_bounds = array<i64: 1, 16>}]} {
    %get3A = arith.constant 0 : index
    %get3A_0 = arith.constant 0 : index
    %get3A_1 = vector.load %arg3[%get3A, %get3A_0] : memref<1024x16xf32, #tpu.memory_space<vmem>>, vector<1024x16xf32>
    %get3A_2 = arith.constant 0 : index
    %get3A_3 = arith.constant 0 : index
    %get3A_4 = vector.load %arg4[%get3A_2, %get3A_3] : memref<1024x16xf32, #tpu.memory_space<vmem>>, vector<1024x16xf32>
    %add3A = arith.addf %get3A_1, %get3A_4 : vector<1024x16xf32>
    %max3A = arith.constant 9.99999971E-10 : f32
    %max3A_5 = vector.broadcast %max3A : f32 to vector<1024x16xf32>
    %max3A_6 = arith.maximumf %add3A, %max3A_5 : vector<1024x16xf32>
    %div3A = arith.constant 1.000000e+00 : f32
    %div3A_7 = vector.broadcast %div3A : f32 to vector<1024x16xf32>
    %div3A_8 = arith.divf %div3A_7, %max3A_6 : vector<1024x16xf32>
    %get3A_9 = arith.constant 0 : index
    %get3A_10 = arith.constant 0 : index
    %get3A_11 = vector.load %arg5[%get3A_9, %get3A_10] : memref<16x128xf32, #tpu.memory_space<vmem>>, vector<16x128xf32>
    %dot_general3A = arith.constant dense<0.000000e+00> : vector<1024x128xf32>
    %dot_general3A_12 = tpu.matmul %div3A_8, %get3A_11, %dot_general3A {dimension_numbers = #tpu.dot_dimension_numbers<[1], [0], [0], [1], [0, 0, 1, 1], [], []>, precision = #tpu.contract_precision<fp32>, transpose_lhs_hint = false} : vector<1024x16xf32>, vector<16x128xf32>, vector<1024x128xf32> -> vector<1024x128xf32>
    %get3A_13 = arith.constant 0 : index
    %get3A_14 = arith.constant 0 : index
    %get3A_15 = vector.load %arg1[%get3A_13, %get3A_14] : memref<1024x128xf32, #tpu.memory_space<vmem>>, vector<1024x128xf32>
    %get3A_16 = arith.constant 0 : index
    %get3A_17 = arith.constant 0 : index
    %get3A_18 = vector.load %arg2[%get3A_16, %get3A_17] : memref<1024x128xf32, #tpu.memory_space<vmem>>, vector<1024x128xf32>
    %add3A_19 = arith.addf %get3A_15, %get3A_18 : vector<1024x128xf32>
    %mul3A = arith.mulf %add3A_19, %dot_general3A_12 : vector<1024x128xf32>
    %get3A_20 = arith.constant 0 : index
    %get3A_21 = arith.constant 0 : index
    %get3A_22 = vector.load %arg6[%get3A_20, %get3A_21] : memref<1x128xf32, #tpu.memory_space<vmem>>, vector<1x128xf32>
    %add3A_23 = vector.broadcast %get3A_22 : vector<1x128xf32> to vector<1024x128xf32>
    %add3A_24 = arith.addf %mul3A, %add3A_23 : vector<1024x128xf32>
    %max3A_25 = arith.constant 0.000000e+00 : f32
    %max3A_26 = vector.broadcast %max3A_25 : f32 to vector<1024x128xf32>
    %max3A_27 = arith.maximumf %add3A_24, %max3A_26 : vector<1024x128xf32>
    %get3A_28 = arith.constant 0 : index
    %get3A_29 = arith.constant 0 : index
    %get3A_30 = vector.load %arg7[%get3A_28, %get3A_29] : memref<128x128xf32, #tpu.memory_space<vmem>>, vector<128x128xf32>
    %dot_general3A_31 = arith.constant dense<0.000000e+00> : vector<1024x128xf32>
    %dot_general3A_32 = tpu.matmul %max3A_27, %get3A_30, %dot_general3A_31 {dimension_numbers = #tpu.dot_dimension_numbers<[1], [0], [0], [1], [0, 0, 1, 1], [], []>, precision = #tpu.contract_precision<fp32>, transpose_lhs_hint = false} : vector<1024x128xf32>, vector<128x128xf32>, vector<1024x128xf32> -> vector<1024x128xf32>
    %swap3A = arith.constant 0 : index
    %swap3A_33 = arith.constant 0 : index
    %swap3A_34 = vector.load %arg10[%swap3A, %swap3A_33] : memref<1024x128xf32, #tpu.memory_space<vmem>>, vector<1024x128xf32>
    tpu.vector_store %arg10[%swap3A, %swap3A_33], %dot_general3A_32 {strides = array<i32>} : memref<1024x128xf32, #tpu.memory_space<vmem>>, vector<1024x128xf32>,
    %get3A_35 = arith.constant 0 : index
    %get3A_36 = arith.constant 0 : index
    %get3A_37 = vector.load %arg8[%get3A_35, %get3A_36] : memref<128x16xf32, #tpu.memory_space<vmem>>, vector<128x16xf32>
    %dot_general3A_38 = arith.constant dense<0.000000e+00> : vector<1024x16xf32>
    %dot_general3A_39 = tpu.matmul %dot_general3A_32, %get3A_37, %dot_general3A_38 {dimension_numbers = #tpu.dot_dimension_numbers<[1], [0], [0], [1], [0, 0, 1, 1], [], []>, precision = #tpu.contract_precision<fp32>, transpose_lhs_hint = false} : vector<1024x128xf32>, vector<128x16xf32>, vector<1024x16xf32> -> vector<1024x16xf32>
    %get3A_40 = arith.constant 0 : index
    %get3A_41 = arith.constant 0 : index
    %get3A_42 = vector.load %arg9[%get3A_40, %get3A_41] : memref<128x16xf32, #tpu.memory_space<vmem>>, vector<128x16xf32>
    %dot_general3A_43 = arith.constant dense<0.000000e+00> : vector<1024x16xf32>
    %dot_general3A_44 = tpu.matmul %dot_general3A_32, %get3A_42, %dot_general3A_43 {dimension_numbers = #tpu.dot_dimension_numbers<[1], [0], [0], [1], [0, 0, 1, 1], [], []>, precision = #tpu.contract_precision<fp32>, transpose_lhs_hint = false} : vector<1024x128xf32>, vector<128x16xf32>, vector<1024x16xf32> -> vector<1024x16xf32>
    %swap3A_45 = arith.constant 0 : index
    %swap3A_46 = arith.constant 0 : index
    %swap3A_47 = vector.load %arg11[%swap3A_45, %swap3A_46] : memref<1024x16xf32, #tpu.memory_space<vmem>>, vector<1024x16xf32>
    tpu.vector_store %arg11[%swap3A_45, %swap3A_46], %dot_general3A_39 {strides = array<i32>} : memref<1024x16xf32, #tpu.memory_space<vmem>>, vector<1024x16xf32>,
    %swap3A_48 = arith.constant 0 : index
    %swap3A_49 = arith.constant 0 : index
    %swap3A_50 = vector.load %arg12[%swap3A_48, %swap3A_49] : memref<1024x16xf32, #tpu.memory_space<vmem>>, vector<1024x16xf32>
    tpu.vector_store %arg12[%swap3A_48, %swap3A_49], %dot_general3A_44 {strides = array<i32>} : memref<1024x16xf32, #tpu.memory_space<vmem>>, vector<1024x16xf32>,
    %eq3A = arith.constant 0 : i32
    %eq3A_51 = arith.cmpi eq, %arg0, %eq3A : i32
    %convert_element_type3A = arith.extui %eq3A_51 : i1 to i32
    %cond3A = arith.constant 0 : i32
    %cond3A_52 = arith.cmpi ne, %convert_element_type3A, %cond3A : i32
    scf.if %cond3A_52 {
      %broadcast_in_dim3A_71 = arith.constant -1.000000e+30 : f32
      %broadcast_in_dim3A_72 = vector.broadcast %broadcast_in_dim3A_71 : f32 to vector<1x16xf32>
      %swap3A_73 = arith.constant 0 : index
      %swap3A_74 = arith.constant 0 : index
      %swap3A_75 = vector.load %arg13[%swap3A_73, %swap3A_74] : memref<1x16xf32, #tpu.memory_space<vmem>>, vector<1x16xf32>
      tpu.vector_store %arg13[%swap3A_73, %swap3A_74], %broadcast_in_dim3A_72 {strides = array<i32>} : memref<1x16xf32, #tpu.memory_space<vmem>>, vector<1x16xf32>,
      %broadcast_in_dim3A_76 = arith.constant -1.000000e+30 : f32
      %broadcast_in_dim3A_77 = vector.broadcast %broadcast_in_dim3A_76 : f32 to vector<1x16xf32>
      %swap3A_78 = arith.constant 0 : index
      %swap3A_79 = arith.constant 0 : index
      %swap3A_80 = vector.load %arg14[%swap3A_78, %swap3A_79] : memref<1x16xf32, #tpu.memory_space<vmem>>, vector<1x16xf32>
      tpu.vector_store %arg14[%swap3A_78, %swap3A_79], %broadcast_in_dim3A_77 {strides = array<i32>} : memref<1x16xf32, #tpu.memory_space<vmem>>, vector<1x16xf32>,
    } else {
    }
    %get3A_53 = arith.constant 0 : index
    %get3A_54 = arith.constant 0 : index
    %get3A_55 = vector.load %arg13[%get3A_53, %get3A_54] : memref<1x16xf32, #tpu.memory_space<vmem>>, vector<1x16xf32>
    %reduce_max3A = arith.constant dense<0xFF800000> : vector<16xf32>
    %reduce_max3A_56 = vector.multi_reduction <maximumf>, %dot_general3A_39, %reduce_max3A [0] : vector<1024x16xf32> to vector<16xf32>
    %broadcast_in_dim3A = vector.shape_cast %reduce_max3A_56 : vector<16xf32> to vector<1x16xf32>
    %max3A_57 = arith.maximumf %get3A_55, %broadcast_in_dim3A : vector<1x16xf32>
    %swap3A_58 = arith.constant 0 : index
    %swap3A_59 = arith.constant 0 : index
    %swap3A_60 = vector.load %arg13[%swap3A_58, %swap3A_59] : memref<1x16xf32, #tpu.memory_space<vmem>>, vector<1x16xf32>
    tpu.vector_store %arg13[%swap3A_58, %swap3A_59], %max3A_57 {strides = array<i32>} : memref<1x16xf32, #tpu.memory_space<vmem>>, vector<1x16xf32>,
    %get3A_61 = arith.constant 0 : index
    %get3A_62 = arith.constant 0 : index
    %get3A_63 = vector.load %arg14[%get3A_61, %get3A_62] : memref<1x16xf32, #tpu.memory_space<vmem>>, vector<1x16xf32>
    %reduce_max3A_64 = arith.constant dense<0xFF800000> : vector<16xf32>
    %reduce_max3A_65 = vector.multi_reduction <maximumf>, %dot_general3A_44, %reduce_max3A_64 [0] : vector<1024x16xf32> to vector<16xf32>
    %broadcast_in_dim3A_66 = vector.shape_cast %reduce_max3A_65 : vector<16xf32> to vector<1x16xf32>
    %max3A_67 = arith.maximumf %get3A_63, %broadcast_in_dim3A_66 : vector<1x16xf32>
    %swap3A_68 = arith.constant 0 : index
    %swap3A_69 = arith.constant 0 : index
    %swap3A_70 = vector.load %arg14[%swap3A_68, %swap3A_69] : memref<1x16xf32, #tpu.memory_space<vmem>>, vector<1x16xf32>
    tpu.vector_store %arg14[%swap3A_68, %swap3A_69], %max3A_67 {strides = array<i32>} : memref<1x16xf32, #tpu.memory_space<vmem>>, vector<1x16xf32>,
    return
  }
  func.func @transform_0(%arg0: i32) -> (i32, i32) {
    %c0_i32 = arith.constant 0 : i32
    %c0_i32_0 = arith.constant 0 : i32
    return %arg0, %c0_i32 : i32, i32
  }
  func.func @transform_1(%arg0: i32) -> (i32, i32) {
    %c0_i32 = arith.constant 0 : i32
    %c0_i32_0 = arith.constant 0 : i32
    return %arg0, %c0_i32 : i32, i32
  }
  func.func @transform_2(%arg0: i32) -> (i32, i32) {
    %c0_i32 = arith.constant 0 : i32
    %c0_i32_0 = arith.constant 0 : i32
    return %arg0, %c0_i32 : i32, i32
  }
  func.func @transform_3(%arg0: i32) -> (i32, i32) {
    %c0_i32 = arith.constant 0 : i32
    %c0_i32_0 = arith.constant 0 : i32
    return %arg0, %c0_i32 : i32, i32
  }
  func.func @transform_4(%arg0: i32) -> (i32, i32) {
    %c0_i32 = arith.constant 0 : i32
    %c0_i32_0 = arith.constant 0 : i32
    %c0_i32_1 = arith.constant 0 : i32
    return %c0_i32, %c0_i32_0 : i32, i32
  }
  func.func @transform_5(%arg0: i32) -> (i32, i32) {
    %c0_i32 = arith.constant 0 : i32
    %c0_i32_0 = arith.constant 0 : i32
    %c0_i32_1 = arith.constant 0 : i32
    return %c0_i32, %c0_i32_0 : i32, i32
  }
  func.func @transform_6(%arg0: i32) -> (i32, i32) {
    %c0_i32 = arith.constant 0 : i32
    %c0_i32_0 = arith.constant 0 : i32
    %c0_i32_1 = arith.constant 0 : i32
    return %c0_i32, %c0_i32_0 : i32, i32
  }
  func.func @transform_7(%arg0: i32) -> (i32, i32) {
    %c0_i32 = arith.constant 0 : i32
    %c0_i32_0 = arith.constant 0 : i32
    %c0_i32_1 = arith.constant 0 : i32
    return %c0_i32, %c0_i32_0 : i32, i32
  }
  func.func @transform_8(%arg0: i32) -> (i32, i32) {
    %c0_i32 = arith.constant 0 : i32
    %c0_i32_0 = arith.constant 0 : i32
    %c0_i32_1 = arith.constant 0 : i32
    return %c0_i32, %c0_i32_0 : i32, i32
  }
  func.func @transform_9(%arg0: i32) -> (i32, i32) {
    %c0_i32 = arith.constant 0 : i32
    %c0_i32_0 = arith.constant 0 : i32
    return %arg0, %c0_i32 : i32, i32
  }
  func.func @transform_10(%arg0: i32) -> (i32, i32) {
    %c0_i32 = arith.constant 0 : i32
    %c0_i32_0 = arith.constant 0 : i32
    return %arg0, %c0_i32 : i32, i32
  }
  func.func @transform_11(%arg0: i32) -> (i32, i32) {
    %c0_i32 = arith.constant 0 : i32
    %c0_i32_0 = arith.constant 0 : i32
    return %arg0, %c0_i32 : i32, i32
  }
  func.func @transform_12(%arg0: i32) -> (i32, i32) {
    %c0_i32 = arith.constant 0 : i32
    %c0_i32_0 = arith.constant 0 : i32
    %c0_i32_1 = arith.constant 0 : i32
    return %c0_i32, %c0_i32_0 : i32, i32
  }
  func.func @transform_13(%arg0: i32) -> (i32, i32) {
    %c0_i32 = arith.constant 0 : i32
    %c0_i32_0 = arith.constant 0 : i32
    %c0_i32_1 = arith.constant 0 : i32
    return %c0_i32, %c0_i32_0 : i32, i32
  }
}

module attributes {stable_mosaic.version = 14 : i64} {
  func.func @_final_body(%arg0: memref<10240x16xf32, #tpu.memory_space<vmem>>, %arg1: memref<10240x16xf32, #tpu.memory_space<vmem>>, %arg2: memref<10240x128xf32, #tpu.memory_space<vmem>>, %arg3: memref<16x128xf32, #tpu.memory_space<vmem>>, %arg4: memref<1x128xf32, #tpu.memory_space<vmem>>, %arg5: memref<128x16xf32, #tpu.memory_space<vmem>>, %arg6: memref<1x16xf32, #tpu.memory_space<vmem>>, %arg7: memref<1x16xf32, #tpu.memory_space<vmem>>) attributes {dimension_semantics = [], scalar_prefetch = 0 : i64, scratch_operands = 0 : i64, tpu.core_type = #tpu.core_type<tc>} {
    %get3A = arith.constant 0 : index
    %get3A_0 = arith.constant 0 : index
    %get3A_1 = vector.load %arg0[%get3A, %get3A_0] : memref<10240x16xf32, #tpu.memory_space<vmem>>, vector<10240x16xf32>
    %get3A_2 = arith.constant 0 : index
    %get3A_3 = arith.constant 0 : index
    %get3A_4 = vector.load %arg1[%get3A_2, %get3A_3] : memref<10240x16xf32, #tpu.memory_space<vmem>>, vector<10240x16xf32>
    %add3A = arith.addf %get3A_1, %get3A_4 : vector<10240x16xf32>
    %iota3A = tpu.iota {dimensions = array<i32: 0>} : vector<10240x1xi32>
    %lt3A = arith.constant 10000 : i32
    %lt3A_5 = vector.broadcast %lt3A : i32 to vector<10240x1xi32>
    %lt3A_6 = arith.cmpi slt, %iota3A, %lt3A_5 : vector<10240x1xi32>
    %jit3A = arith.constant 0.000000e+00 : f32
    %broadcast_in_dim3A = vector.shape_cast %lt3A_6 : vector<10240x1xi1> to vector<10240x1xi1>
    %broadcast_in_dim3A_7 = vector.broadcast %broadcast_in_dim3A : vector<10240x1xi1> to vector<10240x16xi1>
    %broadcast_in_dim3A_8 = vector.broadcast %jit3A : f32 to vector<10240x16xf32>
    %select_n3A = arith.select %broadcast_in_dim3A_7, %add3A, %broadcast_in_dim3A_8 : vector<10240x16xi1>, vector<10240x16xf32>
    %get3A_9 = arith.constant 0 : index
    %get3A_10 = arith.constant 0 : index
    %get3A_11 = vector.load %arg3[%get3A_9, %get3A_10] : memref<16x128xf32, #tpu.memory_space<vmem>>, vector<16x128xf32>
    %dot_general3A = arith.constant dense<0.000000e+00> : vector<10240x128xf32>
    %dot_general3A_12 = tpu.matmul %select_n3A, %get3A_11, %dot_general3A {dimension_numbers = #tpu.dot_dimension_numbers<[1], [0], [0], [1], [0, 0, 1, 1], [], []>, precision = #tpu.contract_precision<fp32>, transpose_lhs_hint = false} : vector<10240x16xf32>, vector<16x128xf32>, vector<10240x128xf32> -> vector<10240x128xf32>
    %get3A_13 = arith.constant 0 : index
    %get3A_14 = arith.constant 0 : index
    %get3A_15 = vector.load %arg2[%get3A_13, %get3A_14] : memref<10240x128xf32, #tpu.memory_space<vmem>>, vector<10240x128xf32>
    %mul3A = arith.mulf %dot_general3A_12, %get3A_15 : vector<10240x128xf32>
    %reduce_sum3A = arith.constant dense<0.000000e+00> : vector<128xf32>
    %reduce_sum3A_16 = vector.multi_reduction <add>, %mul3A, %reduce_sum3A [0] : vector<10240x128xf32> to vector<128xf32>
    %broadcast_in_dim3A_17 = vector.shape_cast %reduce_sum3A_16 : vector<128xf32> to vector<1x128xf32>
    %mul3A_18 = arith.constant 9.99999974E-5 : f32
    %mul3A_19 = vector.broadcast %mul3A_18 : f32 to vector<1x128xf32>
    %mul3A_20 = arith.mulf %broadcast_in_dim3A_17, %mul3A_19 : vector<1x128xf32>
    %get3A_21 = arith.constant 0 : index
    %get3A_22 = arith.constant 0 : index
    %get3A_23 = vector.load %arg4[%get3A_21, %get3A_22] : memref<1x128xf32, #tpu.memory_space<vmem>>, vector<1x128xf32>
    %add3A_24 = arith.addf %mul3A_20, %get3A_23 : vector<1x128xf32>
    %get3A_25 = arith.constant 0 : index
    %get3A_26 = arith.constant 0 : index
    %get3A_27 = vector.load %arg5[%get3A_25, %get3A_26] : memref<128x16xf32, #tpu.memory_space<vmem>>, vector<128x16xf32>
    %dot_general3A_28 = arith.constant dense<0.000000e+00> : vector<1x16xf32>
    %dot_general3A_29 = tpu.matmul %add3A_24, %get3A_27, %dot_general3A_28 {dimension_numbers = #tpu.dot_dimension_numbers<[1], [0], [0], [1], [0, 0, 1, 1], [], []>, precision = #tpu.contract_precision<fp32>, transpose_lhs_hint = false} : vector<1x128xf32>, vector<128x16xf32>, vector<1x16xf32> -> vector<1x16xf32>
    %get3A_30 = arith.constant 0 : index
    %get3A_31 = arith.constant 0 : index
    %get3A_32 = vector.load %arg6[%get3A_30, %get3A_31] : memref<1x16xf32, #tpu.memory_space<vmem>>, vector<1x16xf32>
    %add3A_33 = arith.addf %dot_general3A_29, %get3A_32 : vector<1x16xf32>
    %swap3A = arith.constant 0 : index
    %swap3A_34 = arith.constant 0 : index
    %swap3A_35 = vector.load %arg7[%swap3A, %swap3A_34] : memref<1x16xf32, #tpu.memory_space<vmem>>, vector<1x16xf32>
    tpu.vector_store %arg7[%swap3A, %swap3A_34], %add3A_33 {strides = array<i32>} : memref<1x16xf32, #tpu.memory_space<vmem>>, vector<1x16xf32>,
    return
  }
}

</mosaic_0001>

<sc_bundles>
// kernel: kernel.12.cloned.1.call-start
scs
__scs_entry_jumppad:
0x0: {  	(pc) =	sbr.rel $0x88, $3  }
0x1: {  	(tag) =	ssettag $0x0;
	lr =	simm.s32 $0x1  }
0x2: {  	[smem:$0x3F95] =	sst lr;
	_ =	strace $0xD0000000  }
0x3: {  	_ = 	snop  }
0x4: {  	_ = 	snop  }
0x5: {  	_ = 	snop  }
0x6: {  	_ = 	snop  }
0x7: {  	_ = 	snop  }
__scs_overlays_trampoline_lowered:
0x8: {  	[smem:$0x3FA4] =	sst s0  }
0x9: {  	[smem:$0x3FA5] =	sst s1  }
0xa: {  	[smem:$0x3FA6] =	sst s2  }
0xb: {  	[smem:$0x3FA7] =	sst s3  }
0xc: {  	[smem:$0x3FA8] =	sst s4  }
0xd: {  	[smem:$0x3FA9] =	sst s5  }
0xe: {  	[smem:$0x3FAA] =	sst s6  }
0xf: {  	[smem:$0x3FAB] =	sst s7  }
0x10: {  	[smem:$0x3FAC] =	sst s8  }
0x11: {  	[smem:$0x3FAD] =	sst s9;
	s0 =	simm.s32 @!p0 $0x0  }
0x12: {  	s1 =	sld [smem:$0x3F93];
	s0 =	simm.s32 @p0 $0x1  }
0x13: {  	[smem:$0x3FAE] =	sst s0;
	s0 =	simm.s32 @!p1 $0x0  }
0x14: {  	s2 =	sld [smem:$0x3F92];
	s0 =	simm.s32 @p1 $0x1  }
0x15: {  	[smem:$0x3FAF] =	sst s0;
	s0 =	simm.s32 @!p2 $0x0  }
0x16: {  	s3 =	sld [smem:$0x3FDB];
	s0 =	simm.s32 @p2 $0x1  }
0x17: {  	s4 =	simm.s32 $0x1BF5;
	[smem:$0x3FB1] =	sst s0  }
0x18: {  	s0 =	sld [smem:$0x3F94];
	_ =	swait.ge [sflag:s4], $0x0  }
0x19: {  	s7 =	sld [smem:$0x3F95]  }
0x1a: {  	s8 =	sadd.s32 $0xFFFFE003, lr  }
0x1b: {  	s9 =	sadd.s32 $0xFFFFFEF7, lr;
	s5 =	simm.s32 $0xFFFFFFFF;
	p2 =	slt.u32 s8, $0xFFFFF086  }
0x1c: {  	p1 =	slt.u32 s9, $0xF7A;
	s5 =	simm.s32 @!p2 $0x0  }
0x1d: {  	s5 =	simm.s32 @p1 $0x1;
	p0 =	seq.s32 s7, s2  }
0x1e: {  	s7 =	smul.u32 @!p0 $0xF7A, s2;
	p2 =	seq.s32 @!p0 s5, $0x0  }
0x1f: {  	s9 =	smul.u32 $0xF7A, s1;
	s8 =	simm.s32 @!p0 $0x1BF5;
	p2 =	por !p2, p0  }
0x20: {  	[sflag:s8] =	ssyncset.s32 @!p0 $0xFFFFF086;
	s6 =	sadd.s32 @!p0 s3, s7;
	s7 =	simm.s32 @!p0 $0x108  }
0x21: {  	s3 =	sadd.s32 s3, s9;
	s6 =	sadd.s32 @!p0 $0x88, s6;
	s7 =	simm.s32 @p2 $0x1082  }
0x22: {  	[simem:s7], [sflag:s8] =	dma.local @!p0 [hbm:s6], $0xF7A  }
0x23: {  	s9 =	sor.u32 $0xD0000000, s2;
	s6 =	simm.s32 $0x108;
	_ =	swait.ge @!p0 [sflag:s8], $0x0  }
0x24: {  	s3 =	sadd.s32 $0x88, s3;
	s6 =	simm.s32 @!p1 $0x1082;
	[sflag:s4] =	ssyncset.s32 $0xFFFFF086  }
0x25: {  	[simem:s6], [sflag:s4] =	dma.local [hbm:s3], $0xF7A  }
0x26: {  	[smem:$0x3F95] =	sst s1;
	(tag) =	ssettag s2;
	_ =	strace s9  }
0x27: {  	s1 =	sld [smem:$0x3FA5]  }
0x28: {  	s2 =	sld [smem:$0x3FA6]  }
0x29: {  	s4 =	sld [smem:$0x3FA8]  }
0x2a: {  	p0 =	seq.s32 s5, $0x0;
	s5 =	sld [smem:$0x3FA9]  }
0x2b: {  	s6 =	sld [smem:$0x3FAA]  }
0x2c: {  	s7 =	sld [smem:$0x3FAB]  }
0x2d: {  	s3 =	simm.s32 $0x108;
	s8 =	sld [smem:$0x3FAC]  }
0x2e: {  	s3 =	simm.s32 @!p0 $0x1082;
	s9 =	sld [smem:$0x3FAD]  }
0x2f: {  	lr =	sadd.s32 s0, s3;
	s0 =	sld [smem:$0x3FA4]  }
0x30: {  	s3 =	sld [smem:$0x3FA7]  }
0x31: {  	[smem:$0x3FB0] =	sst s10  }
0x32: {  	s10 =	sld [smem:$0x3FAE];
	_ =	sdelay $0x3  }
0x33: {  	p0 =	seq.s32 s10, $0x1;
	s10 =	sld [smem:$0x3FB0];
	_ =	sdelay $0x3  }
0x34: {  	[smem:$0x3FB0] =	sst s10  }
0x35: {  	s10 =	sld [smem:$0x3FAF];
	_ =	sdelay $0x3  }
0x36: {  	p1 =	seq.s32 s10, $0x1;
	s10 =	sld [smem:$0x3FB0];
	_ =	sdelay $0x3  }
0x37: {  	[smem:$0x3FB0] =	sst s10  }
0x38: {  	s10 =	sld [smem:$0x3FB1]  }
0x39: {  	_ = 	snop;
	(pc) =	sbr.ind lr, $3  }
0x3a: {  	_ = 	snop  }
0x3b: {  	_ = 	snop  }
0x3c: {  	p2 =	seq.s32 s10, $0x1;
	s10 =	sld [smem:$0x3FB0]  }
0x3d: {  	_ =	shalt  }
0x3e: {  	_ =	shalt  }
0x3f: {  	_ =	shalt  }
0x40: {  	_ =	shalt  }
0x41: {  	_ =	shalt  }
0x42: {  	_ =	shalt  }
0x43: {  	_ =	shalt  }
0x44: {  	_ =	shalt  }
0x45: {  	_ =	shalt  }
0x46: {  	_ =	shalt  }
0x47: {  	_ =	shalt  }
0x48: {  	_ =	shalt  }
0x49: {  	_ =	shalt  }
0x4a: {  	_ =	shalt  }
0x4b: {  	_ =	shalt  }
0x4c: {  	_ =	shalt  }
0x4d: {  	_ =	shalt  }
0x4e: {  	_ =	shalt  }
0x4f: {  	_ =	shalt  }
0x50: {  	_ =	shalt  }
0x51: {  	_ =	shalt  }
0x52: {  	_ =	shalt  }
0x53: {  	_ =	shalt  }
0x54: {  	_ =	shalt  }
0x55: {  	_ =	shalt  }
0x56: {  	_ =	shalt  }
0x57: {  	_ =	shalt  }
0x58: {  	_ =	shalt  }
0x59: {  	_ =	shalt  }
0x5a: {  	_ =	shalt  }
0x5b: {  	_ =	shalt  }
0x5c: {  	_ =	shalt  }
0x5d: {  	_ =	shalt  }
0x5e: {  	_ =	shalt  }
0x5f: {  	_ =	shalt  }
0x60: {  	_ =	shalt  }
0x61: {  	_ =	shalt  }
0x62: {  	_ =	shalt  }
0x63: {  	_ =	shalt  }
0x64: {  	_ =	shalt  }
0x65: {  	_ =	shalt  }
0x66: {  	_ =	shalt  }
0x67: {  	_ =	shalt  }
0x68: {  	_ =	shalt  }
0x69: {  	_ =	shalt  }
0x6a: {  	_ =	shalt  }
0x6b: {  	_ =	shalt  }
0x6c: {  	_ =	shalt  }
0x6d: {  	_ =	shalt  }
0x6e: {  	_ =	shalt  }
0x6f: {  	_ =	shalt  }
0x70: {  	_ =	shalt  }
0x71: {  	_ =	shalt  }
0x72: {  	_ =	shalt  }
0x73: {  	_ =	shalt  }
0x74: {  	_ =	shalt  }
0x75: {  	_ =	shalt  }
0x76: {  	_ =	shalt  }
0x77: {  	_ =	shalt  }
0x78: {  	_ =	shalt  }
0x79: {  	_ =	shalt  }
0x7a: {  	_ =	shalt  }
0x7b: {  	_ =	shalt  }
0x7c: {  	_ =	shalt  }
0x7d: {  	_ =	shalt  }
0x7e: {  	_ =	shalt  }
0x7f: {  	_ =	shalt  }
0x80: {  	_ =	shalt  }
0x81: {  	_ =	shalt  }
0x82: {  	_ =	shalt  }
0x83: {  	_ =	shalt  }
0x84: {  	_ =	shalt  }
0x85: {  	_ =	shalt  }
0x86: {  	_ =	shalt  }
0x87: {  	_ =	shalt  }
.Lfunc_end0:
.L_simem_size_0:
called_computation.1_lowered:
.L_overlay_start_0:
0x88: {  	s2 =	sld [smem:$0x3FD9]  }
0x89: {  	s3 =	sld [smem:$0x3FFE];
	_ =	sdelay $0x1  }
0x8a: {  	s1 =	srdreg.scid  }
0x8b: {  	s0 =	sand.u32 $0x1, s1  }
0x8c: {  	s16 =	sshll.u32 s0, $0xA;
	s2 =	sadd.s32 s3, s2  }
0x8d: {  	s2 =	sadd.s32 s2, s16  }
0x8e: {  	[smem:$0x3FBC] =	sst s2  }
0x8f: {  	_ = 	snop  }
0x90: {  	(tm) =	ssettm $0x1  }
0x91: {  	s17 =	sld [smem:$0x3FFB];
	_ =	sdelay $0x3  }
0x92: {  	_ =	strace s17  }
0x93: {  	s2 =	sld [smem:$0x3FFC];
	_ =	sdelay $0x3  }
0x94: {  	_ =	strace s2  }
0x95: {  	s2 =	sld [smem:$0x3FFD];
	_ =	sdelay $0x3  }
0x96: {  	_ =	strace s2  }
0x97: {  	_ =	strace $0x8FFFFFFF  }
0x98: {  	s18 =	sld [smem:$0x3FDB];
	_ =	sdelay $0x1  }
0x99: {  	s19 =	simm.s32 $_scs_section_size  }
0x9a: {  	s4 =	simm.s32 $_size__tile_overlayer_lowered;
	s5 =	simm.s32 $_tile_overlayer_lowered  }
0x9b: {  	s22 =	simm.s32 $0x1BFF;
	s21 =	sshll.u32 s5, $0x1;
	s2 =	sadd.s32 s19, s18  }
0x9c: {  	s6 =	simm.s32 $0x0;
	s20 =	sshll.u32 s4, $0x1;
	s4 =	sadd.s32 s21, s2  }
0x9d: {  	[timem:s6], [sflag:s22] =	dma.local [hbm:s4], s20  }
0x9e: {  	_ =	swait.ge [sflag:s22], s20  }
0x9f: {  	s3 =	ssub.s32 $0x0, s20;
	[sflag:s22] =	ssyncset.done $0x0  }
0xa0: {  	[sflag:s22] =	ssyncadd.s32 s3;
	_ =	sdelay $0x1  }
0xa1: {  	s23 =	simm.s32 $0x1B8B  }
0xa2: {  	_ =	swait.ge [sflag:s23], $0x1  }
0xa3: {  	[sflag:s23] =	ssyncset.done $0x0  }
0xa4: {  	s25 =	simm.s32 $0x1B8E;
	s24 =	sld [smem:$0x3FFE];
	[sflag:s23] =	ssyncadd.s32 $0xFFFFFFFF  }
0xa5: {  	s26 =	simm.s32 $execute0_lowered;
	[smem:$0x3FD2] =	sst s25  }
0xa6: {  	s4 =	sshll.u32 s26, $0x1;
	_ =	strace $0x80000049;
	[dreg:$0x1] =	wrdreg $0xFFFFFFFF  }
0xa7: {  	s28 =	simm.s32 $_size_execute0_lowered;
	s2 =	sadd.s32 s2, s4;
	[dreg:$0x0] =	wrdreg $0x0  }
0xa8: {  	s4 =	sshll.u32 s28, $0x1;
	[dreg:$0x2] =	wrdreg s2  }
0xa9: {  	[dreg:$0x3] =	wrdreg s4  }
0xaa: {  	[dreg:$0x4] =	wrdreg $0xC0  }
0xab: {  	_ =	task [dreg:s6], $0x5FFFF  }
0xac: {  	[dreg:$0x1] =	wrdreg $0xFFFFFFFF  }
0xad: {  	[dreg:$0x0] =	wrdreg $0x60  }
0xae: {  	[dreg:$0x2] =	wrdreg s24  }
0xaf: {  	[dreg:$0x3] =	wrdreg $0x49000  }
0xb0: {  	[dreg:$0x4] =	wrdreg $0x9  }
0xb1: {  	_ =	task.clear_ibuf [dreg:s6], $0x5FFFF;
	_ =	strace $0x90000049  }
0xb2: {  	s29 =	simm.s32 $0x9;
	_ =	strace $0x8000004B  }
0xb3: {  	_ =	swait.ge [sflag:s29], $0x1  }
0xb4: {  	[sflag:s29] =	ssyncadd.s32 $0xFFFFFFFF  }
0xb5: {  	_ =	strace $0x9000004B  }
0xb6: {  	_ =	sfence  }
0xb7: {  	s30 =	sld [smem:$0x0];
	_ =	sdelay $0x2  }
0xb8: {  	s31 =	sshll.u32 s1, $0xD;
	s1 =	sshrl.u32 s1, $0x2  }
0xb9: {  	s3 =	sand.u32 $0x4000, s31;
	s1 =	sadd.s32 s1, s30  }
0xba: {  	s0 =	sor.u32 s3, s0;
	s1 =	sshll.u32 s1, $0x11  }
0xbb: {  	s0 =	sor.u32 s1, s0  }
0xbc: {  	s0 =	sadd.s32 $0x8F2B, s0  }
0xbd: {  	[sflag:s0] =	ssyncadd.remote.s32 $0x1  }
0xbe: {  	_ =	sfence.sel $0xFFFF  }
0xbf: {  	[dreg:$0x0] =	wrdreg $0xFFFFFFFF;
	(pc) =	sbr.abs _section_cstart, $3  }
0xc0: {  	[dreg:$0x1] =	wrdreg $0xFFFFFFFF  }
0xc1: {  	_ =	task.clear_ibuf [dreg:s6], $0x2FFFF;
	_ =	strace $0x9FFFFFFF  }
0xc2: {  	(tm) =	ssettm $0x7FFFFFFF  }
0xc3: {  	_ =	shalt  }
tec
execute0_lowered:
.L_overlay_start_1:
0x0: {  	(tag) =	ssettag $0x1  }
0x1: {  	s0 =	rddreg [dreg:$0x0]  }
0x2: {  	s1 =	rddreg [dreg:$0x1];
	s2 =	simm.s32 $0x0;
	s14 =	srdreg.scid  }
0x3: {  	s12 =	stileid.u32;
	s28 =	simm.s32 $0x1;
	s29 =	simm.s32 $0x2  }
0x4: {  	s30 =	simm.s32 $0x100;
	s31 =	simm.s32 $0x0;
	[smem:$0x7FF] =	sst s2  }
0x5: {  	s3 =	sadd.s32 $0x3D200, s0;
	s5 =	sadd.s32 $0x33200, s0;
	s6 =	sadd.s32 $0x51200, s0  }
0x6: {  	s2 =	sand.u32 $0x1, s14;
	s7 =	sadd.s32 $0x1200, s0;
	s10 =	smul.u32 $0x280, s12  }
0x7: {  	s0 =	sadd.s32 $0xF1200, s0;
	s11 =	sshll.u32 s12, $0x1;
	s12 =	smul.u32 $0x50000, s12  }
0x8: {  	_ =	strace $0x8000004A;
	s4 =	smul.u32 $0x2800, s2;
	s8 =	ssub.s32 $0x2, s2  }
0x9: {  	s2 =	sor.u32 s2, s11;
	s9 =	sshrl.u32 s8, $0x1;
	s16 =	sshrl.u32 s12, $0x2  }
0xa: {  	s21 =	sadd.s32 $0x80, s10;
	s23 =	sadd.s32 $0x100, s10;
	s25 =	sadd.s32 $0x180, s10  }
0xb: {  	s13 =	ssub.s32 s8, s9;
	s15 =	sadd.s32 s4, s10;
	s8 =	smul.u32 $0x2800, s2  }
0xc: {  	s9 =	sadd.s32 s16, s1;
	s22 =	sadd.s32 s4, s21;
	s2 =	sshll.u32 s21, $0x7  }
0xd: {  	s12 =	sshll.u32 s23, $0x7;
	s10 =	sadd.s32 $0x200, s10;
	s21 =	simm.s32 $0x3  }
0xe: {  	s17 =	sshll.u32 s15, $0x4;
	s19 =	smax.u32 s13, $0x1;
	s20 =	sadd.s32 $0x4000, s9  }
0xf: {  	s13 =	sadd.s32 $0x8000, s9;
	s14 =	sadd.s32 $0xC000, s9;
	s15 =	sadd.s32 $0x10000, s9  }
0x10: {  	s11 =	sshll.u32 s22, $0x4;
	s2 =	sadd.s32 s2, s1;
	s12 =	sadd.s32 s12, s1  }
0x11: {  	s26 =	sshll.u32 s10, $0x7;
	s18 =	sadd.s32 s0, s17;
	[dreg:$0x4] =	wrdreg s19  }
0x12: {  	[dreg:$0x5] =	wrdreg s20;
	s17 =	sadd.s32 s4, s23;
	s16 =	sadd.s32 s0, s11  }
0x13: {  	s11 =	sshll.u32 s25, $0x7;
	s20 =	simm.s32 $0x900;
	s22 =	sshrl.u32 s2, $0x3  }
0x14: {  	s23 =	sshrl.u32 s12, $0x3;
	[dreg:$0x3] =	wrdreg s18;
	s24 =	sshll.u32 s17, $0x4  }
0x15: {  	s18 =	sadd.s32 s4, s25;
	s4 =	sadd.s32 s4, s10;
	s11 =	sadd.s32 s11, s1  }
0x16: {  	s17 =	sadd.s32 s0, s24;
	s18 =	sshll.u32 s18, $0x4;
	s4 =	sshll.u32 s4, $0x4  }
0x17: {  	s18 =	sadd.s32 s0, s18;
	s19 =	sadd.s32 s0, s4;
	s0 =	sadd.s32 s26, s1  }
0x18: {  	v0 =	vimm.f32 $0.0e+00;
	s24 =	sshrl.u32 s11, $0x3;
	s26 =	simm.s32 $0x80;
	s25 =	sshrl.u32 s0, $0x3  }
.LBB2_1:
0x19: {  	s2 =	simm.s32 $0x0  }
0x1a: {  	s0 =	sand.u32 $0xFE00, s2  }
0x1b: {  	s2 =	sand.u32 $0x70, s2;
	s4 =	sshrl.u32 s0, $0x2  }
0x1c: {  	s0 =	simm.s32 $0x40;
	s4 =	sor.u32 s2, s4;
	s2 =	simm.s32 $0x0  }
.LBB2_2:
0x1d: {  	p0 =	sne.s32 s0, $0xFFC0  }
0x1e: {  	[tilespmem:s4+$0x900] =	vst v0;
	s2 =	sadd.s32 $0x10, s2;
	s4 =	smov.u32 s0;
	s0 =	sadd.s32 $0x40, s0  }
.Ltmp0:
0x1f: {  	(pc) =	sbr.rel @p0 .LBB2_2-.Ltmp0, $4  }
0x20: {  	_ = 	snop  }
0x21: {  	s4 =	sand.u32 $0xFE00, s4  }
0x22: {  	s10 =	sand.u32 $0x70, s2;
	s4 =	sshrl.u32 s4, $0x2  }
0x23: {  	s4 =	sor.u32 s10, s4  }
0x24: {  	[tilespmem:s4+$0x900] =	vst v0  }
0x25: {  	[spmem:s9] =	stream.linear.scatter [tilespmem:s20], [sflag:$0x3], $0x4000, $0x38;
	[tilespmem:$0x18900] =	vst v63  }
0x26: {  	_ =	swait.ge [sflag:s21], $0x4000  }
0x27: {  	[sflag:s21] =	ssyncset.done $0x0  }
0x28: {  	s0 =	rddreg [dreg:$0x5];
	[sflag:s21] =	ssyncadd.s32 $0xFFFFC000  }
0x29: {  	[spmem:s0] =	stream.linear.scatter [tilespmem:s20], [sflag:$0x3], $0x4000, $0x38;
	[tilespmem:$0x18900] =	vst v63  }
0x2a: {  	_ =	swait.ge [sflag:s21], $0x4000  }
0x2b: {  	[sflag:s21] =	ssyncset.done $0x0  }
0x2c: {  	[sflag:s21] =	ssyncadd.s32 $0xFFFFC000  }
0x2d: {  	[spmem:s13] =	stream.linear.scatter [tilespmem:s20], [sflag:$0x3], $0x4000, $0x38;
	[tilespmem:$0x18900] =	vst v63  }
0x2e: {  	_ =	swait.ge [sflag:s21], $0x4000  }
0x2f: {  	[sflag:s21] =	ssyncset.done $0x0  }
0x30: {  	[sflag:s21] =	ssyncadd.s32 $0xFFFFC000  }
0x31: {  	[spmem:s14] =	stream.linear.scatter [tilespmem:s20], [sflag:$0x3], $0x4000, $0x38;
	[tilespmem:$0x18900] =	vst v63  }
0x32: {  	_ =	swait.ge [sflag:s21], $0x4000  }
0x33: {  	[sflag:s21] =	ssyncset.done $0x0  }
0x34: {  	[sflag:s21] =	ssyncadd.s32 $0xFFFFC000  }
0x35: {  	[spmem:s15] =	stream.linear.scatter [tilespmem:s20], [sflag:$0x3], $0x4000, $0x38;
	[tilespmem:$0x18900] =	vst v63  }
0x36: {  	_ =	swait.ge [sflag:s21], $0x4000  }
0x37: {  	[sflag:s21] =	ssyncset.done $0x0  }
0x38: {  	[sflag:s21] =	ssyncadd.s32 $0xFFFFC000  }
0x39: {  	s4 =	simm.s32 $0x0;
	s0 =	simm.s32 $0x0;
	[bflag:$0x0] =	sbarrier.arrive $0xFFFF  }
.LBB2_4:
0x3a: {  	s2 =	sshll.u32 s4, $0x7  }
0x3b: {  	s2 =	sadd.s32 s8, s2  }
0x3c: {  	s10 =	sshrl.u32 s2, $0x3  }
0x3d: {  	s11 =	sadd.s32 s3, s10  }
0x3e: {  	[tilespmem:s0], [sflag:$0x1] =	stream.linear.gather [hbm4b:s11+s0], $0x80, $0x38;
	[tilespmem:$0x18900] =	vst v63  }
0x3f: {  	s10 =	sadd.s32 s5, s10  }
0x40: {  	[tilespmem:s26], [sflag:$0x2] =	stream.linear.gather [hbm4b:s10+s0], $0x80, $0x38;
	[tilespmem:$0x18900] =	vst v63  }
0x41: {  	_ =	swait.ge [sflag:s28], $0x80  }
0x42: {  	[sflag:s28] =	ssyncset.done $0x0  }
0x43: {  	[sflag:s28] =	ssyncadd.s32 $0xFFFFFF80  }
0x44: {  	_ =	swait.ge [sflag:s29], $0x80  }
0x45: {  	[sflag:s29] =	ssyncset.done $0x0  }
0x46: {  	s2 =	sshll.u32 s2, $0x1;
	[sflag:s29] =	ssyncadd.s32 $0xFFFFFF80  }
0x47: {  	[tilespmem:s20], [sflag:$0x1] =	stream.indirect.gather [hbm4b:s7+s26], $0x80, s0, s26, $0xb8;
	[tilespmem:$0x18900] =	vst v63  }
0x48: {  	s2 =	sadd.s32 s6, s2  }
0x49: {  	[tilespmem:s30], [sflag:$0x2] =	stream.linear.gather [hbm4b:s2+s0], $0x800, $0x38;
	[tilespmem:$0x18900] =	vst v63  }
0x4a: {  	_ =	swait.ge [sflag:s29], $0x800  }
0x4b: {  	[sflag:s29] =	ssyncset.done $0x0  }
0x4c: {  	[sflag:s29] =	ssyncadd.s32 $0xFFFFF800  }
0x4d: {  	_ =	swait.ge [sflag:s28], $0x4000  }
0x4e: {  	[sflag:s28] =	ssyncset.done $0x0  }
0x4f: {  	s2 =	simm.s32 $0x940;
	[sflag:s28] =	ssyncadd.s32 $0xFFFFC000  }
0x50: {  	s12 =	simm.s32 $0x0;
	s11 =	simm.s32 $0x40;
	s10 =	simm.s32 $0x940;
	v1 =	vld [tilespmem:s2+$0xFFFFFFF0]  }
.LBB2_5:
0x51: {  	p0 =	sne.s32 s11, $0x1FC0;
	v2 =	vld [tilespmem:s12+$0x100]  }
0x52: {  	v3 =	vld [tilespmem:s2+$0xFFFFFFD0]  }
0x53: {  	v4 =	vld [tilespmem:s2+$0xFFFFFFC0]  }
0x54: {  	v5 =	vld [tilespmem:s2+$0xFFFFFFE0]  }
0x55: {  	v6 =	vld [tilespmem:s2+$0x30]  }
0x56: {  	v7 =	vbroadcast v2, $0x0;
	v8 =	vbroadcast v2, $0x1;
	v9 =	vld [tilespmem:s2+$0x10]  }
0x57: {  	v10 =	vbroadcast v2, $0x2;
	v11 =	vbroadcast v2, $0x3;
	v12 =	vld [tilespmem:s2+$0x0]  }
0x58: {  	v4 =	vmul.f32 v7, v4;
	v3 =	vmul.f32 v3, v8;
	v7 =	vld [tilespmem:s2+$0x20]  }
0x59: {  	v1 =	vmul.f32 v1, v11;
	v5 =	vmul.f32 v5, v10  }
0x5a: {  	v8 =	vbroadcast v2, $0x5;
	[tilespmem:s2+$0xFFFFFFC0] =	vst v4;
	v4 =	vbroadcast v2, $0x4  }
0x5b: {  	[tilespmem:s2+$0xFFFFFFD0] =	vst v3;
	v3 =	vbroadcast v2, $0x6;
	v2 =	vbroadcast v2, $0x7  }
0x5c: {  	[tilespmem:s2+$0xFFFFFFE0] =	vst v5;
	v4 =	vmul.f32 v12, v4;
	v5 =	vmul.f32 v9, v8  }
.Ltmp1:
0x5d: {  	[tilespmem:s2+$0xFFFFFFF0] =	vst v1;
	v1 =	vmul.f32 v7, v3;
	v2 =	vmul.f32 v6, v2;
	(pc) =	sbr.rel @p0 .LBB2_5-.Ltmp1, $4  }
0x5e: {  	[tilespmem:s2+$0x0] =	vst v4  }
0x5f: {  	[tilespmem:s2+$0x10] =	vst v5  }
0x60: {  	s2 =	sadd.s32 $0x80, s2;
	[tilespmem:s10+$0x20] =	vst v1  }
0x61: {  	s12 =	sshra.s32 s11, $0x2;
	s11 =	sadd.s32 $0x40, s11;
	v1 =	vld [tilespmem:s2+$0xFFFFFFF0];
	[tilespmem:s10+$0x30] =	vst v2;
	s10 =	smov.u32 s2  }
0x62: {  	v2 =	vld [tilespmem:s12+$0x100];
	_ =	sdelay $0x1  }
0x63: {  	v3 =	vld [tilespmem:s2+$0xFFFFFFC0]  }
0x64: {  	v4 =	vld [tilespmem:s2+$0xFFFFFFD0]  }
0x65: {  	v5 =	vld [tilespmem:s2+$0xFFFFFFE0]  }
0x66: {  	v6 =	vbroadcast v2, $0x0  }
0x67: {  	v9 =	vld [tilespmem:s2+$0x10];
	v7 =	vbroadcast v2, $0x1  }
0x68: {  	v8 =	vld [tilespmem:s2+$0x0];
	v10 =	vbroadcast v2, $0x2;
	v3 =	vmul.f32 v6, v3  }
0x69: {  	v60 =	vld [tilespmem:s2+$0x20];
	v59 =	vbroadcast v2, $0x3;
	v4 =	vmul.f32 v4, v7  }
0x6a: {  	v11 =	vld [tilespmem:s2+$0x30];
	v61 =	vbroadcast v2, $0x5;
	v5 =	vmul.f32 v5, v10;
	[tilespmem:s2+$0xFFFFFFC0] =	vst v3  }
0x6b: {  	v1 =	vmul.f32 v1, v59;
	v3 =	vbroadcast v2, $0x4;
	[tilespmem:s2+$0xFFFFFFD0] =	vst v4  }
0x6c: {  	v62 =	vbroadcast v2, $0x6;
	v63 =	vmul.f32 v9, v61;
	[tilespmem:s2+$0xFFFFFFE0] =	vst v5  }
0x6d: {  	v2 =	vbroadcast v2, $0x7;
	[tilespmem:s2+$0xFFFFFFF0] =	vst v1;
	v3 =	vmul.f32 v8, v3  }
0x6e: {  	v1 =	vmul.f32 v60, v62;
	[tilespmem:s2+$0x10] =	vst v63  }
0x6f: {  	s4 =	sadd.s32 $0x1, s4;
	v2 =	vmul.f32 v11, v2;
	[tilespmem:s2+$0x0] =	vst v3  }
0x70: {  	p0 =	sne.s32 s4, $0x50;
	[tilespmem:s10+$0x20] =	vst v1  }
.Ltmp2:
0x71: {  	[tilespmem:s10+$0x30] =	vst v2;
	(pc) =	sbr.rel @p0 .LBB2_4-.Ltmp2, $4  }
0x72: {  	[spmem:s1] =	stream.indirect.scatter.add.f32 [tilespmem:s20], [sflag:$0x3], $0x80, s26, s26, $0xb8;
	[tilespmem:$0x18900] =	vst v63  }
0x73: {  	_ =	swait.ge [sflag:s21], $0x4000  }
0x74: {  	[sflag:s21] =	ssyncset.done $0x0  }
0x75: {  	[sflag:s21] =	ssyncadd.s32 $0xFFFFC000  }
0x76: {  	s0 =	stileid.u32  }
0x77: {  	[bflag:$0x0] =	sbarrier.arrive $0xFFFF;
	s0 =	sshll.u32 s0, $0x6  }
0x78: {  	s2 =	sshrl.u32 s9, $0x3;
	s4 =	rddreg [dreg:$0x3];
	s0 =	sor.u32 $0x1C03, s0  }
0x79: {  	[hbm:s4], [sflag:s0] =	dma.local [spmem:s2], $0x800  }
0x7a: {  	_ =	swait.ge [sflag:s21], $0x800  }
0x7b: {  	[sflag:s21] =	ssyncset.done $0x0  }
0x7c: {  	[sflag:s21] =	ssyncadd.s32 $0xFFFFF800  }
0x7d: {  	[hbm:s16], [sflag:s0] =	dma.local [spmem:s22], $0x800  }
0x7e: {  	_ =	swait.ge [sflag:s21], $0x800  }
0x7f: {  	[sflag:s21] =	ssyncset.done $0x0  }
0x80: {  	[sflag:s21] =	ssyncadd.s32 $0xFFFFF800  }
0x81: {  	[hbm:s17], [sflag:s0] =	dma.local [spmem:s23], $0x800  }
0x82: {  	_ =	swait.ge [sflag:s21], $0x800  }
0x83: {  	[sflag:s21] =	ssyncset.done $0x0  }
0x84: {  	[sflag:s21] =	ssyncadd.s32 $0xFFFFF800  }
0x85: {  	[hbm:s18], [sflag:s0] =	dma.local [spmem:s24], $0x800  }
0x86: {  	_ =	swait.ge [sflag:s21], $0x800  }
0x87: {  	[sflag:s21] =	ssyncset.done $0x0  }
0x88: {  	[sflag:s21] =	ssyncadd.s32 $0xFFFFF800  }
0x89: {  	[hbm:s19], [sflag:s0] =	dma.local [spmem:s25], $0x800  }
0x8a: {  	_ =	swait.ge [sflag:s21], $0x800  }
0x8b: {  	s31 =	sadd.s32 $0x1, s31;
	s12 =	rddreg [dreg:$0x4]  }
0x8c: {  	p0 =	sne.s32 s31, s12  }
.Ltmp3:
0x8d: {  	_ = 	snop;
	(pc) =	sbr.rel @p0 .LBB2_1-.Ltmp3, $3  }
0x8e: {  	_ =	sdelay $0x1  }
0x8f: {  	[sflag:s21] =	ssyncset.done $0x0  }
0x90: {  	[sflag:s21] =	ssyncadd.s32 $0xFFFFF800  }
0x91: {  	_ =	sfence.sel $0x180000  }
0x92: {  	[bflag:$0x0] =	sbarrier.arrive $0xFFFF  }
0x93: {  	_ =	strace $0x9000004A  }
0x94: {  	s0 =	stileid.u32;
	[bflag:$0x2] =	sbarrier.arrive $0xFFFF  }
0x95: {  	p0 =	sne.s32 s0, $0x0;
	s0 =	rddreg [dreg:$0x2]  }
0x96: {  	s0 =	sadd.s32 @!p0 $0x100000, s0  }
0x97: {  	[sflag:s0] =	ssyncadd.tile.s32 @!p0 $0x1;
	_ =	shalt  }
.Lfunc_end2:
_tile_overlayer_lowered:
.L_overlay_start_2:
0x98: {  	(tag) =	ssettag $0x2  }
0x99: {  	s0 =	rddreg [dreg:$0x0];
	s2 =	stileid.u32  }
0x9a: {  	s1 =	rddreg [dreg:$0x1];
	p0 =	sne.s32 s2, $0x0  }
0x9b: {  	s3 =	rddreg [dreg:$0x2];
	[bflag:$0x3] =	sbarrier.arrive $0xFFFF;
	s2 =	simm.s32 @!p0 $0x1C03  }
0x9c: {  	[timem:s3], [sflag:s2] =	dma.local @!p0 [hbm:s0], s1  }
0x9d: {  	s0 =	simm.s32 @!p0 $0x3  }
0x9e: {  	_ =	swait.ge @!p0 [sflag:s0], s1  }
0x9f: {  	s1 =	ssub.s32 @!p0 $0x0, s1;
	[sflag:s0] =	ssyncset.done @!p0 $0x0  }
0xa0: {  	[sflag:s0] =	ssyncadd.s32 @!p0 s1  }
0xa1: {  	[bflag:$0x3] =	sbarrier.arrive $0xFFFF  }
0xa2: {  	_ =	shalt  }

// kernel: kernel.15.cloned.1.call-start
scs
__scs_entry_jumppad:
0x0: {  	(pc) =	sbr.rel $0x88, $3  }
0x1: {  	(tag) =	ssettag $0x0;
	lr =	simm.s32 $0x1  }
0x2: {  	[smem:$0x3F95] =	sst lr;
	_ =	strace $0xD0000000  }
0x3: {  	_ = 	snop  }
0x4: {  	_ = 	snop  }
0x5: {  	_ = 	snop  }
0x6: {  	_ = 	snop  }
0x7: {  	_ = 	snop  }
__scs_overlays_trampoline_lowered:
0x8: {  	[smem:$0x3FA4] =	sst s0  }
0x9: {  	[smem:$0x3FA5] =	sst s1  }
0xa: {  	[smem:$0x3FA6] =	sst s2  }
0xb: {  	[smem:$0x3FA7] =	sst s3  }
0xc: {  	[smem:$0x3FA8] =	sst s4  }
0xd: {  	[smem:$0x3FA9] =	sst s5  }
0xe: {  	[smem:$0x3FAA] =	sst s6  }
0xf: {  	[smem:$0x3FAB] =	sst s7  }
0x10: {  	[smem:$0x3FAC] =	sst s8  }
0x11: {  	[smem:$0x3FAD] =	sst s9;
	s0 =	simm.s32 @!p0 $0x0  }
0x12: {  	s1 =	sld [smem:$0x3F93];
	s0 =	simm.s32 @p0 $0x1  }
0x13: {  	[smem:$0x3FAE] =	sst s0;
	s0 =	simm.s32 @!p1 $0x0  }
0x14: {  	s2 =	sld [smem:$0x3F92];
	s0 =	simm.s32 @p1 $0x1  }
0x15: {  	[smem:$0x3FAF] =	sst s0;
	s0 =	simm.s32 @!p2 $0x0  }
0x16: {  	s3 =	sld [smem:$0x3FDB];
	s0 =	simm.s32 @p2 $0x1  }
0x17: {  	s4 =	simm.s32 $0x1BF5;
	[smem:$0x3FB1] =	sst s0  }
0x18: {  	s0 =	sld [smem:$0x3F94];
	_ =	swait.ge [sflag:s4], $0x0  }
0x19: {  	s7 =	sld [smem:$0x3F95]  }
0x1a: {  	s8 =	sadd.s32 $0xFFFFE003, lr  }
0x1b: {  	s9 =	sadd.s32 $0xFFFFFEF7, lr;
	s5 =	simm.s32 $0xFFFFFFFF;
	p2 =	slt.u32 s8, $0xFFFFF086  }
0x1c: {  	p1 =	slt.u32 s9, $0xF7A;
	s5 =	simm.s32 @!p2 $0x0  }
0x1d: {  	s5 =	simm.s32 @p1 $0x1;
	p0 =	seq.s32 s7, s2  }
0x1e: {  	s7 =	smul.u32 @!p0 $0xF7A, s2;
	p2 =	seq.s32 @!p0 s5, $0x0  }
0x1f: {  	s9 =	smul.u32 $0xF7A, s1;
	s8 =	simm.s32 @!p0 $0x1BF5;
	p2 =	por !p2, p0  }
0x20: {  	[sflag:s8] =	ssyncset.s32 @!p0 $0xFFFFF086;
	s6 =	sadd.s32 @!p0 s3, s7;
	s7 =	simm.s32 @!p0 $0x108  }
0x21: {  	s3 =	sadd.s32 s3, s9;
	s6 =	sadd.s32 @!p0 $0x88, s6;
	s7 =	simm.s32 @p2 $0x1082  }
0x22: {  	[simem:s7], [sflag:s8] =	dma.local @!p0 [hbm:s6], $0xF7A  }
0x23: {  	s9 =	sor.u32 $0xD0000000, s2;
	s6 =	simm.s32 $0x108;
	_ =	swait.ge @!p0 [sflag:s8], $0x0  }
0x24: {  	s3 =	sadd.s32 $0x88, s3;
	s6 =	simm.s32 @!p1 $0x1082;
	[sflag:s4] =	ssyncset.s32 $0xFFFFF086  }
0x25: {  	[simem:s6], [sflag:s4] =	dma.local [hbm:s3], $0xF7A  }
0x26: {  	[smem:$0x3F95] =	sst s1;
	(tag) =	ssettag s2;
	_ =	strace s9  }
0x27: {  	s1 =	sld [smem:$0x3FA5]  }
0x28: {  	s2 =	sld [smem:$0x3FA6]  }
0x29: {  	s4 =	sld [smem:$0x3FA8]  }
0x2a: {  	p0 =	seq.s32 s5, $0x0;
	s5 =	sld [smem:$0x3FA9]  }
0x2b: {  	s6 =	sld [smem:$0x3FAA]  }
0x2c: {  	s7 =	sld [smem:$0x3FAB]  }
0x2d: {  	s3 =	simm.s32 $0x108;
	s8 =	sld [smem:$0x3FAC]  }
0x2e: {  	s3 =	simm.s32 @!p0 $0x1082;
	s9 =	sld [smem:$0x3FAD]  }
0x2f: {  	lr =	sadd.s32 s0, s3;
	s0 =	sld [smem:$0x3FA4]  }
0x30: {  	s3 =	sld [smem:$0x3FA7]  }
0x31: {  	[smem:$0x3FB0] =	sst s10  }
0x32: {  	s10 =	sld [smem:$0x3FAE];
	_ =	sdelay $0x3  }
0x33: {  	p0 =	seq.s32 s10, $0x1;
	s10 =	sld [smem:$0x3FB0];
	_ =	sdelay $0x3  }
0x34: {  	[smem:$0x3FB0] =	sst s10  }
0x35: {  	s10 =	sld [smem:$0x3FAF];
	_ =	sdelay $0x3  }
0x36: {  	p1 =	seq.s32 s10, $0x1;
	s10 =	sld [smem:$0x3FB0];
	_ =	sdelay $0x3  }
0x37: {  	[smem:$0x3FB0] =	sst s10  }
0x38: {  	s10 =	sld [smem:$0x3FB1]  }
0x39: {  	_ = 	snop;
	(pc) =	sbr.ind lr, $3  }
0x3a: {  	_ = 	snop  }
0x3b: {  	_ = 	snop  }
0x3c: {  	p2 =	seq.s32 s10, $0x1;
	s10 =	sld [smem:$0x3FB0]  }
0x3d: {  	_ =	shalt  }
0x3e: {  	_ =	shalt  }
0x3f: {  	_ =	shalt  }
0x40: {  	_ =	shalt  }
0x41: {  	_ =	shalt  }
0x42: {  	_ =	shalt  }
0x43: {  	_ =	shalt  }
0x44: {  	_ =	shalt  }
0x45: {  	_ =	shalt  }
0x46: {  	_ =	shalt  }
0x47: {  	_ =	shalt  }
0x48: {  	_ =	shalt  }
0x49: {  	_ =	shalt  }
0x4a: {  	_ =	shalt  }
0x4b: {  	_ =	shalt  }
0x4c: {  	_ =	shalt  }
0x4d: {  	_ =	shalt  }
0x4e: {  	_ =	shalt  }
0x4f: {  	_ =	shalt  }
0x50: {  	_ =	shalt  }
0x51: {  	_ =	shalt  }
0x52: {  	_ =	shalt  }
0x53: {  	_ =	shalt  }
0x54: {  	_ =	shalt  }
0x55: {  	_ =	shalt  }
0x56: {  	_ =	shalt  }
0x57: {  	_ =	shalt  }
0x58: {  	_ =	shalt  }
0x59: {  	_ =	shalt  }
0x5a: {  	_ =	shalt  }
0x5b: {  	_ =	shalt  }
0x5c: {  	_ =	shalt  }
0x5d: {  	_ =	shalt  }
0x5e: {  	_ =	shalt  }
0x5f: {  	_ =	shalt  }
0x60: {  	_ =	shalt  }
0x61: {  	_ =	shalt  }
0x62: {  	_ =	shalt  }
0x63: {  	_ =	shalt  }
0x64: {  	_ =	shalt  }
0x65: {  	_ =	shalt  }
0x66: {  	_ =	shalt  }
0x67: {  	_ =	shalt  }
0x68: {  	_ =	shalt  }
0x69: {  	_ =	shalt  }
0x6a: {  	_ =	shalt  }
0x6b: {  	_ =	shalt  }
0x6c: {  	_ =	shalt  }
0x6d: {  	_ =	shalt  }
0x6e: {  	_ =	shalt  }
0x6f: {  	_ =	shalt  }
0x70: {  	_ =	shalt  }
0x71: {  	_ =	shalt  }
0x72: {  	_ =	shalt  }
0x73: {  	_ =	shalt  }
0x74: {  	_ =	shalt  }
0x75: {  	_ =	shalt  }
0x76: {  	_ =	shalt  }
0x77: {  	_ =	shalt  }
0x78: {  	_ =	shalt  }
0x79: {  	_ =	shalt  }
0x7a: {  	_ =	shalt  }
0x7b: {  	_ =	shalt  }
0x7c: {  	_ =	shalt  }
0x7d: {  	_ =	shalt  }
0x7e: {  	_ =	shalt  }
0x7f: {  	_ =	shalt  }
0x80: {  	_ =	shalt  }
0x81: {  	_ =	shalt  }
0x82: {  	_ =	shalt  }
0x83: {  	_ =	shalt  }
0x84: {  	_ =	shalt  }
0x85: {  	_ =	shalt  }
0x86: {  	_ =	shalt  }
0x87: {  	_ =	shalt  }
.Lfunc_end0:
.L_simem_size_0:
called_computation.2_lowered:
.L_overlay_start_0:
0x88: {  	s2 =	sld [smem:$0x3FD9]  }
0x89: {  	s3 =	sld [smem:$0x3FFE];
	_ =	sdelay $0x1  }
0x8a: {  	s1 =	srdreg.scid  }
0x8b: {  	s0 =	sand.u32 $0x1, s1  }
0x8c: {  	s17 =	sshll.u32 s0, $0xA;
	s2 =	sadd.s32 s3, s2  }
0x8d: {  	s2 =	sadd.s32 s2, s17  }
0x8e: {  	[smem:$0x3FBC] =	sst s2  }
0x8f: {  	_ = 	snop  }
0x90: {  	s2 =	sld [smem:$0x3FD0];
	(tm) =	ssettm $0x1  }
0x91: {  	s18 =	sld [smem:$0x3FFB];
	_ =	sdelay $0x3  }
0x92: {  	_ =	strace s18  }
0x93: {  	s3 =	sld [smem:$0x3FFC];
	_ =	sdelay $0x3  }
0x94: {  	_ =	strace s3  }
0x95: {  	s3 =	sld [smem:$0x3FFD];
	_ =	sdelay $0x3  }
0x96: {  	_ =	strace s3  }
0x97: {  	_ =	strace $0x8FFFFFFF  }
0x98: {  	s19 =	sld [smem:$0x3FDB];
	_ =	sdelay $0x1  }
0x99: {  	s4 =	simm.s32 $_scs_section_size  }
0x9a: {  	s5 =	simm.s32 $_size__tile_overlayer_lowered;
	s6 =	simm.s32 $_tile_overlayer_lowered  }
0x9b: {  	s22 =	simm.s32 $0x1BFF;
	s21 =	sshll.u32 s6, $0x1;
	s3 =	sadd.s32 s4, s19  }
0x9c: {  	s7 =	simm.s32 $0x0;
	s20 =	sshll.u32 s5, $0x1;
	s5 =	sadd.s32 s21, s3  }
0x9d: {  	[timem:s7], [sflag:s22] =	dma.local [hbm:s5], s20  }
0x9e: {  	_ =	swait.ge [sflag:s22], s20  }
0x9f: {  	s4 =	ssub.s32 $0x0, s20;
	[sflag:s22] =	ssyncset.done $0x0  }
0xa0: {  	[sflag:s22] =	ssyncadd.s32 s4;
	_ =	sdelay $0x1  }
0xa1: {  	s23 =	simm.s32 $0x1B8B  }
0xa2: {  	_ =	swait.ge [sflag:s23], $0x1  }
0xa3: {  	[sflag:s23] =	ssyncset.done $0x0  }
0xa4: {  	s25 =	simm.s32 $0x1B8E;
	s24 =	sld [smem:$0x3FFE];
	[sflag:s23] =	ssyncadd.s32 $0xFFFFFFFF  }
0xa5: {  	s26 =	simm.s32 $execute0_lowered;
	[smem:$0x3FD2] =	sst s25  }
0xa6: {  	s5 =	sshll.u32 s26, $0x1;
	_ =	strace $0x8000004C;
	[dreg:$0x1] =	wrdreg $0xFFFFFFFF  }
0xa7: {  	s28 =	simm.s32 $_size_execute0_lowered;
	s3 =	sadd.s32 s3, s5;
	[dreg:$0x0] =	wrdreg $0x0  }
0xa8: {  	s5 =	sshll.u32 s28, $0x1;
	[dreg:$0x2] =	wrdreg s3  }
0xa9: {  	[dreg:$0x3] =	wrdreg s5  }
0xaa: {  	[dreg:$0x4] =	wrdreg $0xC0  }
0xab: {  	_ =	task [dreg:s7], $0x5FFFF  }
0xac: {  	[dreg:$0x1] =	wrdreg $0xFFFFFFFF  }
0xad: {  	[dreg:$0x0] =	wrdreg $0x60  }
0xae: {  	[dreg:$0x2] =	wrdreg s24  }
0xaf: {  	[dreg:$0x3] =	wrdreg s2  }
0xb0: {  	[dreg:$0x4] =	wrdreg $0x69100  }
0xb1: {  	[dreg:$0x5] =	wrdreg $0x91100  }
0xb2: {  	[dreg:$0x6] =	wrdreg $0x41100  }
0xb3: {  	[dreg:$0x7] =	wrdreg $0x9  }
0xb4: {  	_ =	task.clear_ibuf [dreg:s7], $0x8FFFF;
	_ =	strace $0x9000004C  }
0xb5: {  	s29 =	simm.s32 $0x9;
	_ =	strace $0x8000004E  }
0xb6: {  	_ =	swait.ge [sflag:s29], $0x1  }
0xb7: {  	[sflag:s29] =	ssyncadd.s32 $0xFFFFFFFF  }
0xb8: {  	_ =	strace $0x9000004E  }
0xb9: {  	_ =	sfence  }
0xba: {  	s30 =	sld [smem:$0x0];
	_ =	sdelay $0x2  }
0xbb: {  	s31 =	sshll.u32 s1, $0xD;
	s1 =	sshrl.u32 s1, $0x2  }
0xbc: {  	s3 =	sand.u32 $0x4000, s31;
	s1 =	sadd.s32 s1, s30  }
0xbd: {  	s0 =	sor.u32 s3, s0;
	s1 =	sshll.u32 s1, $0x11  }
0xbe: {  	s0 =	sor.u32 s1, s0  }
0xbf: {  	s0 =	sadd.s32 $0x8F2B, s0  }
0xc0: {  	[sflag:s0] =	ssyncadd.remote.s32 $0x1  }
0xc1: {  	_ =	sfence.sel $0xFFFF  }
0xc2: {  	[dreg:$0x0] =	wrdreg $0xFFFFFFFF;
	(pc) =	sbr.abs _section_cstart, $3  }
0xc3: {  	[dreg:$0x1] =	wrdreg $0xFFFFFFFF  }
0xc4: {  	_ =	task.clear_ibuf [dreg:s7], $0x2FFFF;
	_ =	strace $0x9FFFFFFF  }
0xc5: {  	(tm) =	ssettm $0x7FFFFFFF  }
tec
execute0_lowered:
.L_overlay_start_1:
0x0: {  	(tag) =	ssettag $0x1  }
0x1: {  	s0 =	rddreg [dreg:$0x0]  }
0x2: {  	s2 =	rddreg [dreg:$0x2]  }
0x3: {  	s4 =	rddreg [dreg:$0x3]  }
0x4: {  	s5 =	rddreg [dreg:$0x4];
	s6 =	simm.s32 $0x0;
	s17 =	stileid.u32  }
0x5: {  	s3 =	srdreg.scid;
	s22 =	simm.s32 $0x80;
	s23 =	simm.s32 $0x1  }
0x6: {  	s28 =	simm.s32 $0x1100;
	s29 =	simm.s32 $0x0;
	s30 =	simm.s32 $0x0  }
0x7: {  	[smem:$0x7FF] =	sst s6;
	s1 =	smul.u32 $0x2800, s17;
	s7 =	sadd.s32 $0x3D200, s0  }
0x8: {  	s3 =	sand.u32 $0x1, s3;
	s10 =	smul.u32 $0x500, s17;
	s8 =	sadd.s32 $0x33200, s0  }
0x9: {  	s14 =	sshll.u32 s17, $0x1;
	s31 =	sshll.u32 s17, $0x6;
	s17 =	simm.s32 $0x3  }
0xa: {  	_ =	strace $0x8000004D;
	s12 =	smul.u32 $0x5000, s3;
	s13 =	ssub.s32 $0x2, s3  }
0xb: {  	s3 =	sor.u32 s3, s14;
	s18 =	sor.u32 $0x1C03, s31;
	s9 =	sshrl.u32 s1, $0x3  }
0xc: {  	s24 =	sshrl.u32 s13, $0x1;
	s25 =	sadd.s32 s1, s2;
	s16 =	sadd.s32 s1, s4  }
0xd: {  	s11 =	sadd.s32 s9, s0;
	s9 =	sadd.s32 $0x47200, s0;
	s10 =	sadd.s32 s10, s12  }
0xe: {  	s15 =	ssub.s32 s13, s24;
	s13 =	sadd.s32 s1, s5;
	s19 =	sshrl.u32 s25, $0x3  }
0xf: {  	s20 =	sshrl.u32 s16, $0x3;
	s24 =	simm.s32 $0x2;
	s25 =	simm.s32 $0x100  }
0x10: {  	s0 =	sadd.s32 s10, s0;
	s10 =	smul.u32 $0x2800, s3;
	s26 =	sadd.s32 $0x6200, s11  }
0x11: {  	s11 =	sadd.s32 $0x1200, s11;
	s15 =	smax.u32 s15, $0x1;
	[dreg:$0x6] =	wrdreg s26  }
0x12: {  	v0 =	vimm.f32 $0.0e+00;
	[dreg:$0x7] =	wrdreg s11;
	s14 =	sadd.s32 $0xB200, s0;
	s26 =	simm.s32 $0x900  }
.LBB2_1:
0x13: {  	s0 =	rddreg [dreg:$0x1];
	s1 =	simm.s32 $0x1900  }
0x14: {  	[tilespmem:s1], [sflag:$0x3] =	stream.linear.gather [hbm4b:s0+s6], $0x10, $0x38;
	[tilespmem:$0xB910] =	vst v63  }
0x15: {  	_ =	swait.ge [sflag:s17], $0x10  }
0x16: {  	[sflag:s17] =	ssyncset.done $0x0  }
0x17: {  	s21 =	rddreg [dreg:$0x6];
	[sflag:s17] =	ssyncadd.s32 $0xFFFFFFF0  }
0x18: {  	[spmem:s19], [sflag:s18] =	dma.local [hbm:s21], $0x500  }
0x19: {  	_ =	swait.ge [sflag:s17], $0x500  }
0x1a: {  	[sflag:s17] =	ssyncset.done $0x0  }
0x1b: {  	s31 =	rddreg [dreg:$0x7];
	[sflag:s17] =	ssyncadd.s32 $0xFFFFFB00  }
0x1c: {  	[spmem:s20], [sflag:s18] =	dma.local [hbm:s31], $0x500  }
0x1d: {  	_ =	swait.ge [sflag:s17], $0x500  }
0x1e: {  	[sflag:s17] =	ssyncset.done $0x0  }
0x1f: {  	s0 =	simm.s32 $0x40;
	s1 =	simm.s32 $0x0;
	[sflag:s17] =	ssyncadd.s32 $0xFFFFFB00  }
.LBB2_2:
0x20: {  	p0 =	sne.s32 s0, $0x9FC0;
	[tilespmem:s1+$0x1910] =	vst v0;
	s1 =	smov.u32 s0;
	s0 =	sadd.s32 $0x40, s0  }
.Ltmp0:
0x21: {  	(pc) =	sbr.rel @p0 .LBB2_2-.Ltmp0, $2  }
0x22: {  	_ =	sdelay $0x2  }
0x23: {  	s1 =	sshra.s32 s1, $0x2  }
0x24: {  	[tilespmem:s1+$0x1910] =	vst v0;
	s0 =	simm.s32 $0x1910  }
0x25: {  	[spmem:s13] =	stream.linear.scatter [tilespmem:s0], [sflag:$0x3], $0x2800, $0x38;
	[tilespmem:$0xB910] =	vst v63  }
0x26: {  	_ =	swait.ge [sflag:s17], $0x2800  }
0x27: {  	[sflag:s17] =	ssyncset.done $0x0  }
0x28: {  	[sflag:s17] =	ssyncadd.s32 $0xFFFFD800  }
0x29: {  	[bflag:$0x0] =	sbarrier.arrive $0xFFFF  }
0x2a: {  	v1 =	vld [tilespmem:$0x1900];
	_ =	sdelay $0x3  }
0x2b: {  	s31 =	simm.s32 $0x0  }
.LBB2_4:
0x2c: {  	s0 =	sshll.u32 s31, $0x7  }
0x2d: {  	s0 =	sadd.s32 s10, s0  }
0x2e: {  	s1 =	sshrl.u32 s0, $0x3  }
0x2f: {  	s3 =	sadd.s32 s7, s1  }
0x30: {  	[tilespmem:s30], [sflag:$0x1] =	stream.linear.gather [hbm4b:s3+s30], $0x80, $0x38;
	[tilespmem:$0xB910] =	vst v63  }
0x31: {  	s1 =	sadd.s32 s8, s1  }
0x32: {  	[tilespmem:s22], [sflag:$0x2] =	stream.linear.gather [hbm4b:s1+s30], $0x80, $0x38;
	[tilespmem:$0xB910] =	vst v63  }
0x33: {  	_ =	swait.ge [sflag:s23], $0x80  }
0x34: {  	[sflag:s23] =	ssyncset.done $0x0  }
0x35: {  	[sflag:s23] =	ssyncadd.s32 $0xFFFFFF80  }
0x36: {  	_ =	swait.ge [sflag:s24], $0x80  }
0x37: {  	[sflag:s24] =	ssyncset.done $0x0  }
0x38: {  	[sflag:s24] =	ssyncadd.s32 $0xFFFFFF80  }
0x39: {  	[tilespmem:s25], [sflag:$0x1] =	stream.indirect.gather [spmem:s2], $0x10, s30, s22, $0xb8;
	[tilespmem:$0xB910] =	vst v63  }
0x3a: {  	_ = 	snop  }
0x3b: {  	[tilespmem:s26], [sflag:$0x2] =	stream.indirect.gather [spmem:s4], $0x10, s22, s22, $0xb8;
	[tilespmem:$0xB910] =	vst v63  }
0x3c: {  	_ =	swait.ge [sflag:s23], $0x800  }
0x3d: {  	[sflag:s23] =	ssyncset.done $0x0  }
0x3e: {  	[sflag:s23] =	ssyncadd.s32 $0xFFFFF800  }
0x3f: {  	_ =	swait.ge [sflag:s24], $0x800  }
0x40: {  	[sflag:s24] =	ssyncset.done $0x0  }
0x41: {  	s3 =	simm.s32 $0x0;
	[sflag:s24] =	ssyncadd.s32 $0xFFFFF800  }
0x42: {  	v2 =	vld [tilespmem:s3+$0x100]  }
0x43: {  	v3 =	vld [tilespmem:s3+$0x900];
	_ =	sdelay $0x1  }
0x44: {  	s1 =	simm.s32 $0x10  }
0x45: {  	v4 =	vld [tilespmem:s1+$0x100]  }
0x46: {  	v5 =	vld [tilespmem:s1+$0x900]  }
0x47: {  	v2 =	vadd.f32 v3, v2;
	_ =	sdelay $0x1  }
0x48: {  	v6 =	vmul.f32 $2.000000030e-01, v2;
	_ =	sdelay $0x1  }
0x49: {  	v4 =	vadd.f32 v5, v4;
	v2 =	vmax.f32 v2, v6  }
0x4a: {  	s16 =	simm.s32 $0x20;
	v2 =	vsub.f32 v2, v1  }
0x4b: {  	v3 =	vld [tilespmem:s16+$0x100];
	v7 =	vmul.f32 $2.000000030e-01, v4  }
0x4c: {  	v5 =	vld [tilespmem:s16+$0x900];
	v2 =	vmul.f32 $1.442695020e+00, v2  }
0x4d: {  	v4 =	vmax.f32 v4, v7  }
0x4e: {  	v4 =	vsub.f32 v4, v1;
	(erf) = vpow2.f32 v2;
	_ =	sdelay $0x1  }
0x4f: {  	s21 =	simm.s32 $0x30;
	v4 =	vmul.f32 $1.442695020e+00, v4  }
0x50: {  	v5 =	vadd.f32 v5, v3;
	v3 =	vld [tilespmem:s21+$0x900]  }
0x51: {  	v2 =	vld [tilespmem:s21+$0x100];
	(erf) = vpow2.f32 v4  }
0x52: {  	v6 =	vmul.f32 $2.000000030e-01, v5;
	_ =	sdelay $0x1  }
0x53: {  	s11 =	simm.s32 $0x100;
	v4 =	vmax.f32 v5, v6  }
.LBB2_5:
0x54: {  	s12 =	sshra.s32 s11, $0x2;
	v4 =	vsub.f32 v4, v1;
	p0 =	sne.s32 s11, $0x1FC0  }
.Ltmp1:
0x55: {  	s11 =	sadd.s32 $0x40, s11;
	v5 =	vadd.f32 v3, v2;
	v2 =	vld [tilespmem:s12+$0x100];
	v6 =	vpop (erf);
	(pc) =	sbr.rel @p0 .LBB2_5-.Ltmp1, $4  }
0x56: {  	v3 =	vld [tilespmem:s12+$0x900];
	v4 =	vmul.f32 $1.442695020e+00, v4;
	[tilespmem:s3+$0x1100] =	vst v6;
	s3 =	smov.u32 s1;
	s1 =	smov.u32 s16;
	s16 =	smov.u32 s21  }
0x57: {  	s21 =	smov.u32 s12;
	v6 =	vmul.f32 $2.000000030e-01, v5  }
0x58: {  	(erf) = vpow2.f32 v4  }
0x59: {  	v4 =	vmax.f32 v5, v6  }
0x5a: {  	_ = 	snop  }
0x5b: {  	v2 =	vadd.f32 v3, v2;
	_ =	sdelay $0x1  }
0x5c: {  	v3 =	vmul.f32 $2.000000030e-01, v2;
	_ =	sdelay $0x1  }
0x5d: {  	v4 =	vsub.f32 v4, v1;
	v2 =	vmax.f32 v2, v3  }
0x5e: {  	v2 =	vsub.f32 v2, v1  }
0x5f: {  	v3 =	vmul.f32 $1.442695020e+00, v4  }
0x60: {  	v2 =	vmul.f32 $1.442695020e+00, v2  }
0x61: {  	(erf) = vpow2.f32 v3  }
0x62: {  	(erf) = vpow2.f32 v2;
	_ =	sdelay $0x5  }
0x63: {  	v2 =	vpop (erf)  }
0x64: {  	v3 =	vpop (erf);
	[tilespmem:s3+$0x1100] =	vst v2  }
0x65: {  	[tilespmem:s1+$0x1100] =	vst v3;
	v2 =	vpop (erf)  }
0x66: {  	s0 =	sshll.u32 s0, $0x1;
	[tilespmem:s16+$0x1100] =	vst v2;
	v2 =	vpop (erf)  }
0x67: {  	s0 =	sadd.s32 s9, s0;
	[tilespmem:s21+$0x1100] =	vst v2  }
0x68: {  	[hbm4b:s0+s6] =	stream.linear.scatter [tilespmem:s28], [sflag:$0x1], $0x800, $0x38;
	[tilespmem:$0xB910] =	vst v63  }
0x69: {  	s31 =	sadd.s32 $0x1, s31  }
0x6a: {  	[spmem:s5] =	stream.indirect.scatter.add.f32 [tilespmem:s28], [sflag:$0x3], $0x10, s22, s22, $0xb8;
	[tilespmem:$0xB910] =	vst v63  }
0x6b: {  	p0 =	sne.s32 s31, $0x50;
	_ =	swait.ge [sflag:s17], $0x800  }
.Ltmp2:
0x6c: {  	[sflag:s17] =	ssyncset.done $0x0;
	(pc) =	sbr.rel @p0 .LBB2_4-.Ltmp2, $4  }
0x6d: {  	[sflag:s17] =	ssyncadd.s32 $0xFFFFF800  }
0x6e: {  	_ =	swait.ge [sflag:s23], $0x800  }
0x6f: {  	[sflag:s23] =	ssyncset.done $0x0  }
0x70: {  	[sflag:s23] =	ssyncadd.s32 $0xFFFFF800  }
0x71: {  	s29 =	sadd.s32 $0x1, s29  }
0x72: {  	p0 =	sne.s32 s29, s15  }
.Ltmp3:
0x73: {  	[bflag:$0x0] =	sbarrier.arrive $0xFFFF;
	s0 =	sshrl.u32 s13, $0x3;
	(pc) =	sbr.rel @p0 .LBB2_1-.Ltmp3, $4  }
0x74: {  	[hbm:s14], [sflag:s18] =	dma.local [spmem:s0], $0x500  }
0x75: {  	_ =	swait.ge [sflag:s17], $0x500  }
0x76: {  	[sflag:s17] =	ssyncset.done $0x0  }
0x77: {  	[sflag:s17] =	ssyncadd.s32 $0xFFFFFB00  }
0x78: {  	_ =	sfence.sel $0x180000  }
0x79: {  	[bflag:$0x0] =	sbarrier.arrive $0xFFFF  }
0x7a: {  	_ =	strace $0x9000004D  }
0x7b: {  	s0 =	stileid.u32;
	[bflag:$0x2] =	sbarrier.arrive $0xFFFF  }
0x7c: {  	p0 =	sne.s32 s0, $0x0;
	s0 =	rddreg [dreg:$0x5]  }
0x7d: {  	s0 =	sadd.s32 @!p0 $0x100000, s0  }
0x7e: {  	[sflag:s0] =	ssyncadd.tile.s32 @!p0 $0x1;
	_ =	shalt  }
.Lfunc_end2:
_tile_overlayer_lowered:
.L_overlay_start_2:
0x7f: {  	(tag) =	ssettag $0x2  }
0x80: {  	s0 =	rddreg [dreg:$0x0];
	s2 =	stileid.u32  }
0x81: {  	s1 =	rddreg [dreg:$0x1];
	p0 =	sne.s32 s2, $0x0  }
0x82: {  	s3 =	rddreg [dreg:$0x2];
	[bflag:$0x3] =	sbarrier.arrive $0xFFFF;
	s2 =	simm.s32 @!p0 $0x1C03  }
0x83: {  	[timem:s3], [sflag:s2] =	dma.local @!p0 [hbm:s0], s1  }
0x84: {  	s0 =	simm.s32 @!p0 $0x3  }
0x85: {  	_ =	swait.ge @!p0 [sflag:s0], s1  }
0x86: {  	s1 =	ssub.s32 @!p0 $0x0, s1;
	[sflag:s0] =	ssyncset.done @!p0 $0x0  }
0x87: {  	[sflag:s0] =	ssyncadd.s32 @!p0 s1  }
0x88: {  	[bflag:$0x3] =	sbarrier.arrive $0xFFFF  }
0x89: {  	_ =	shalt  }

// kernel: kernel.18.cloned.1.call-start
scs
__scs_entry_jumppad:
0x0: {  	(pc) =	sbr.rel $0x88, $3  }
0x1: {  	(tag) =	ssettag $0x0;
	lr =	simm.s32 $0x1  }
0x2: {  	[smem:$0x3F95] =	sst lr;
	_ =	strace $0xD0000000  }
0x3: {  	_ = 	snop  }
0x4: {  	_ = 	snop  }
0x5: {  	_ = 	snop  }
0x6: {  	_ = 	snop  }
0x7: {  	_ = 	snop  }
__scs_overlays_trampoline_lowered:
0x8: {  	[smem:$0x3FA4] =	sst s0  }
0x9: {  	[smem:$0x3FA5] =	sst s1  }
0xa: {  	[smem:$0x3FA6] =	sst s2  }
0xb: {  	[smem:$0x3FA7] =	sst s3  }
0xc: {  	[smem:$0x3FA8] =	sst s4  }
0xd: {  	[smem:$0x3FA9] =	sst s5  }
0xe: {  	[smem:$0x3FAA] =	sst s6  }
0xf: {  	[smem:$0x3FAB] =	sst s7  }
0x10: {  	[smem:$0x3FAC] =	sst s8  }
0x11: {  	[smem:$0x3FAD] =	sst s9;
	s0 =	simm.s32 @!p0 $0x0  }
0x12: {  	s1 =	sld [smem:$0x3F93];
	s0 =	simm.s32 @p0 $0x1  }
0x13: {  	[smem:$0x3FAE] =	sst s0;
	s0 =	simm.s32 @!p1 $0x0  }
0x14: {  	s2 =	sld [smem:$0x3F92];
	s0 =	simm.s32 @p1 $0x1  }
0x15: {  	[smem:$0x3FAF] =	sst s0;
	s0 =	simm.s32 @!p2 $0x0  }
0x16: {  	s3 =	sld [smem:$0x3FDB];
	s0 =	simm.s32 @p2 $0x1  }
0x17: {  	s4 =	simm.s32 $0x1BF5;
	[smem:$0x3FB1] =	sst s0  }
0x18: {  	s0 =	sld [smem:$0x3F94];
	_ =	swait.ge [sflag:s4], $0x0  }
0x19: {  	s7 =	sld [smem:$0x3F95]  }
0x1a: {  	s8 =	sadd.s32 $0xFFFFE003, lr  }
0x1b: {  	s9 =	sadd.s32 $0xFFFFFEF7, lr;
	s5 =	simm.s32 $0xFFFFFFFF;
	p2 =	slt.u32 s8, $0xFFFFF086  }
0x1c: {  	p1 =	slt.u32 s9, $0xF7A;
	s5 =	simm.s32 @!p2 $0x0  }
0x1d: {  	s5 =	simm.s32 @p1 $0x1;
	p0 =	seq.s32 s7, s2  }
0x1e: {  	s7 =	smul.u32 @!p0 $0xF7A, s2;
	p2 =	seq.s32 @!p0 s5, $0x0  }
0x1f: {  	s9 =	smul.u32 $0xF7A, s1;
	s8 =	simm.s32 @!p0 $0x1BF5;
	p2 =	por !p2, p0  }
0x20: {  	[sflag:s8] =	ssyncset.s32 @!p0 $0xFFFFF086;
	s6 =	sadd.s32 @!p0 s3, s7;
	s7 =	simm.s32 @!p0 $0x108  }
0x21: {  	s3 =	sadd.s32 s3, s9;
	s6 =	sadd.s32 @!p0 $0x88, s6;
	s7 =	simm.s32 @p2 $0x1082  }
0x22: {  	[simem:s7], [sflag:s8] =	dma.local @!p0 [hbm:s6], $0xF7A  }
0x23: {  	s9 =	sor.u32 $0xD0000000, s2;
	s6 =	simm.s32 $0x108;
	_ =	swait.ge @!p0 [sflag:s8], $0x0  }
0x24: {  	s3 =	sadd.s32 $0x88, s3;
	s6 =	simm.s32 @!p1 $0x1082;
	[sflag:s4] =	ssyncset.s32 $0xFFFFF086  }
0x25: {  	[simem:s6], [sflag:s4] =	dma.local [hbm:s3], $0xF7A  }
0x26: {  	[smem:$0x3F95] =	sst s1;
	(tag) =	ssettag s2;
	_ =	strace s9  }
0x27: {  	s1 =	sld [smem:$0x3FA5]  }
0x28: {  	s2 =	sld [smem:$0x3FA6]  }
0x29: {  	s4 =	sld [smem:$0x3FA8]  }
0x2a: {  	p0 =	seq.s32 s5, $0x0;
	s5 =	sld [smem:$0x3FA9]  }
0x2b: {  	s6 =	sld [smem:$0x3FAA]  }
0x2c: {  	s7 =	sld [smem:$0x3FAB]  }
0x2d: {  	s3 =	simm.s32 $0x108;
	s8 =	sld [smem:$0x3FAC]  }
0x2e: {  	s3 =	simm.s32 @!p0 $0x1082;
	s9 =	sld [smem:$0x3FAD]  }
0x2f: {  	lr =	sadd.s32 s0, s3;
	s0 =	sld [smem:$0x3FA4]  }
0x30: {  	s3 =	sld [smem:$0x3FA7]  }
0x31: {  	[smem:$0x3FB0] =	sst s10  }
0x32: {  	s10 =	sld [smem:$0x3FAE];
	_ =	sdelay $0x3  }
0x33: {  	p0 =	seq.s32 s10, $0x1;
	s10 =	sld [smem:$0x3FB0];
	_ =	sdelay $0x3  }
0x34: {  	[smem:$0x3FB0] =	sst s10  }
0x35: {  	s10 =	sld [smem:$0x3FAF];
	_ =	sdelay $0x3  }
0x36: {  	p1 =	seq.s32 s10, $0x1;
	s10 =	sld [smem:$0x3FB0];
	_ =	sdelay $0x3  }
0x37: {  	[smem:$0x3FB0] =	sst s10  }
0x38: {  	s10 =	sld [smem:$0x3FB1]  }
0x39: {  	_ = 	snop;
	(pc) =	sbr.ind lr, $3  }
0x3a: {  	_ = 	snop  }
0x3b: {  	_ = 	snop  }
0x3c: {  	p2 =	seq.s32 s10, $0x1;
	s10 =	sld [smem:$0x3FB0]  }
0x3d: {  	_ =	shalt  }
0x3e: {  	_ =	shalt  }
0x3f: {  	_ =	shalt  }
0x40: {  	_ =	shalt  }
0x41: {  	_ =	shalt  }
0x42: {  	_ =	shalt  }
0x43: {  	_ =	shalt  }
0x44: {  	_ =	shalt  }
0x45: {  	_ =	shalt  }
0x46: {  	_ =	shalt  }
0x47: {  	_ =	shalt  }
0x48: {  	_ =	shalt  }
0x49: {  	_ =	shalt  }
0x4a: {  	_ =	shalt  }
0x4b: {  	_ =	shalt  }
0x4c: {  	_ =	shalt  }
0x4d: {  	_ =	shalt  }
0x4e: {  	_ =	shalt  }
0x4f: {  	_ =	shalt  }
0x50: {  	_ =	shalt  }
0x51: {  	_ =	shalt  }
0x52: {  	_ =	shalt  }
0x53: {  	_ =	shalt  }
0x54: {  	_ =	shalt  }
0x55: {  	_ =	shalt  }
0x56: {  	_ =	shalt  }
0x57: {  	_ =	shalt  }
0x58: {  	_ =	shalt  }
0x59: {  	_ =	shalt  }
0x5a: {  	_ =	shalt  }
0x5b: {  	_ =	shalt  }
0x5c: {  	_ =	shalt  }
0x5d: {  	_ =	shalt  }
0x5e: {  	_ =	shalt  }
0x5f: {  	_ =	shalt  }
0x60: {  	_ =	shalt  }
0x61: {  	_ =	shalt  }
0x62: {  	_ =	shalt  }
0x63: {  	_ =	shalt  }
0x64: {  	_ =	shalt  }
0x65: {  	_ =	shalt  }
0x66: {  	_ =	shalt  }
0x67: {  	_ =	shalt  }
0x68: {  	_ =	shalt  }
0x69: {  	_ =	shalt  }
0x6a: {  	_ =	shalt  }
0x6b: {  	_ =	shalt  }
0x6c: {  	_ =	shalt  }
0x6d: {  	_ =	shalt  }
0x6e: {  	_ =	shalt  }
0x6f: {  	_ =	shalt  }
0x70: {  	_ =	shalt  }
0x71: {  	_ =	shalt  }
0x72: {  	_ =	shalt  }
0x73: {  	_ =	shalt  }
0x74: {  	_ =	shalt  }
0x75: {  	_ =	shalt  }
0x76: {  	_ =	shalt  }
0x77: {  	_ =	shalt  }
0x78: {  	_ =	shalt  }
0x79: {  	_ =	shalt  }
0x7a: {  	_ =	shalt  }
0x7b: {  	_ =	shalt  }
0x7c: {  	_ =	shalt  }
0x7d: {  	_ =	shalt  }
0x7e: {  	_ =	shalt  }
0x7f: {  	_ =	shalt  }
0x80: {  	_ =	shalt  }
0x81: {  	_ =	shalt  }
0x82: {  	_ =	shalt  }
0x83: {  	_ =	shalt  }
0x84: {  	_ =	shalt  }
0x85: {  	_ =	shalt  }
0x86: {  	_ =	shalt  }
0x87: {  	_ =	shalt  }
.Lfunc_end0:
.L_simem_size_0:
called_computation.3_lowered:
.L_overlay_start_0:
0x88: {  	s2 =	sld [smem:$0x3FD9]  }
0x89: {  	s3 =	sld [smem:$0x3FFE];
	_ =	sdelay $0x1  }
0x8a: {  	s1 =	srdreg.scid  }
0x8b: {  	s0 =	sand.u32 $0x1, s1  }
0x8c: {  	s16 =	sshll.u32 s0, $0xA;
	s2 =	sadd.s32 s3, s2  }
0x8d: {  	s2 =	sadd.s32 s2, s16  }
0x8e: {  	[smem:$0x3FBC] =	sst s2  }
0x8f: {  	_ = 	snop  }
0x90: {  	(tm) =	ssettm $0x1  }
0x91: {  	s17 =	sld [smem:$0x3FFB];
	_ =	sdelay $0x3  }
0x92: {  	_ =	strace s17  }
0x93: {  	s2 =	sld [smem:$0x3FFC];
	_ =	sdelay $0x3  }
0x94: {  	_ =	strace s2  }
0x95: {  	s2 =	sld [smem:$0x3FFD];
	_ =	sdelay $0x3  }
0x96: {  	_ =	strace s2  }
0x97: {  	_ =	strace $0x8FFFFFFF  }
0x98: {  	s18 =	sld [smem:$0x3FDB];
	_ =	sdelay $0x1  }
0x99: {  	s19 =	simm.s32 $_scs_section_size  }
0x9a: {  	s4 =	simm.s32 $_size__tile_overlayer_lowered;
	s5 =	simm.s32 $_tile_overlayer_lowered  }
0x9b: {  	s22 =	simm.s32 $0x1BFF;
	s21 =	sshll.u32 s5, $0x1;
	s2 =	sadd.s32 s19, s18  }
0x9c: {  	s6 =	simm.s32 $0x0;
	s20 =	sshll.u32 s4, $0x1;
	s4 =	sadd.s32 s21, s2  }
0x9d: {  	[timem:s6], [sflag:s22] =	dma.local [hbm:s4], s20  }
0x9e: {  	_ =	swait.ge [sflag:s22], s20  }
0x9f: {  	s3 =	ssub.s32 $0x0, s20;
	[sflag:s22] =	ssyncset.done $0x0  }
0xa0: {  	[sflag:s22] =	ssyncadd.s32 s3;
	_ =	sdelay $0x1  }
0xa1: {  	s23 =	simm.s32 $0x1B8B  }
0xa2: {  	_ =	swait.ge [sflag:s23], $0x1  }
0xa3: {  	[sflag:s23] =	ssyncset.done $0x0  }
0xa4: {  	s25 =	simm.s32 $0x1B8E;
	s24 =	sld [smem:$0x3FFE];
	[sflag:s23] =	ssyncadd.s32 $0xFFFFFFFF  }
0xa5: {  	s26 =	simm.s32 $execute0_lowered;
	[smem:$0x3FD2] =	sst s25  }
0xa6: {  	s4 =	sshll.u32 s26, $0x1;
	_ =	strace $0x8000004F;
	[dreg:$0x1] =	wrdreg $0xFFFFFFFF  }
0xa7: {  	s28 =	simm.s32 $_size_execute0_lowered;
	s2 =	sadd.s32 s2, s4;
	[dreg:$0x0] =	wrdreg $0x0  }
0xa8: {  	s4 =	sshll.u32 s28, $0x1;
	[dreg:$0x2] =	wrdreg s2  }
0xa9: {  	[dreg:$0x3] =	wrdreg s4  }
0xaa: {  	[dreg:$0x4] =	wrdreg $0xC0  }
0xab: {  	_ =	task [dreg:s6], $0x5FFFF  }
0xac: {  	[dreg:$0x1] =	wrdreg $0xFFFFFFFF  }
0xad: {  	[dreg:$0x0] =	wrdreg $0x60  }
0xae: {  	[dreg:$0x2] =	wrdreg s24  }
0xaf: {  	[dreg:$0x3] =	wrdreg $0x61000  }
0xb0: {  	[dreg:$0x4] =	wrdreg $0x39000  }
0xb1: {  	[dreg:$0x5] =	wrdreg $0x9  }
0xb2: {  	_ =	task.clear_ibuf [dreg:s6], $0x6FFFF;
	_ =	strace $0x9000004F  }
0xb3: {  	s29 =	simm.s32 $0x9;
	_ =	strace $0x80000051  }
0xb4: {  	_ =	swait.ge [sflag:s29], $0x1  }
0xb5: {  	[sflag:s29] =	ssyncadd.s32 $0xFFFFFFFF  }
0xb6: {  	_ =	strace $0x90000051  }
0xb7: {  	_ =	sfence  }
0xb8: {  	s30 =	sld [smem:$0x0];
	_ =	sdelay $0x2  }
0xb9: {  	s31 =	sshll.u32 s1, $0xD;
	s1 =	sshrl.u32 s1, $0x2  }
0xba: {  	s3 =	sand.u32 $0x4000, s31;
	s1 =	sadd.s32 s1, s30  }
0xbb: {  	s0 =	sor.u32 s3, s0;
	s1 =	sshll.u32 s1, $0x11  }
0xbc: {  	s0 =	sor.u32 s1, s0  }
0xbd: {  	s0 =	sadd.s32 $0x8F2B, s0  }
0xbe: {  	[sflag:s0] =	ssyncadd.remote.s32 $0x1  }
0xbf: {  	_ =	sfence.sel $0xFFFF  }
0xc0: {  	[dreg:$0x0] =	wrdreg $0xFFFFFFFF;
	(pc) =	sbr.abs _section_cstart, $3  }
0xc1: {  	[dreg:$0x1] =	wrdreg $0xFFFFFFFF  }
0xc2: {  	_ =	task.clear_ibuf [dreg:s6], $0x2FFFF;
	_ =	strace $0x9FFFFFFF  }
0xc3: {  	(tm) =	ssettm $0x7FFFFFFF  }
tec
execute0_lowered:
.L_overlay_start_1:
0x0: {  	(tag) =	ssettag $0x1  }
0x1: {  	s11 =	rddreg [dreg:$0x0]  }
0x2: {  	s1 =	rddreg [dreg:$0x1]  }
0x3: {  	s3 =	rddreg [dreg:$0x2]  }
0x4: {  	s0 =	rddreg [dreg:$0x3];
	s4 =	simm.s32 $0x0;
	s5 =	srdreg.scid  }
0x5: {  	s2 =	stileid.u32;
	s16 =	simm.s32 $0x3;
	s17 =	simm.s32 $0x900  }
0x6: {  	s18 =	simm.s32 $0x1100;
	s19 =	simm.s32 $0x80;
	s20 =	simm.s32 $0x1  }
0x7: {  	s21 =	simm.s32 $0x2;
	s22 =	simm.s32 $0x0;
	[smem:$0x7FF] =	sst s4  }
0x8: {  	s9 =	sand.u32 $0x1, s5;
	s10 =	smul.u32 $0x500, s2;
	s5 =	sadd.s32 $0x3D200, s11  }
0x9: {  	s6 =	sadd.s32 $0x33200, s11;
	s7 =	sadd.s32 $0x47200, s11;
	s30 =	smul.u32 $0xA000, s2  }
0xa: {  	s8 =	sadd.s32 $0xB200, s11;
	s29 =	sshll.u32 s2, $0x1;
	s12 =	smul.u32 $0x5000, s9  }
0xb: {  	_ =	strace $0x80000050;
	s13 =	ssub.s32 $0x2, s9;
	s9 =	sor.u32 s9, s29  }
0xc: {  	s31 =	sshrl.u32 s13, $0x1;
	s9 =	smul.u32 $0x2800, s9;
	s10 =	sadd.s32 s10, s12  }
0xd: {  	s15 =	ssub.s32 s13, s31;
	s12 =	sshrl.u32 s30, $0x2;
	s14 =	sadd.s32 s10, s11  }
0xe: {  	s10 =	smul.u32 $0x280, s2;
	s11 =	sadd.s32 $0x10200, s11;
	s12 =	sadd.s32 s12, s3  }
0xf: {  	v0 =	vimm.f32 $0.0e+00;
	s13 =	sadd.s32 $0x1200, s14;
	s14 =	smax.u32 s15, $0x1;
	s15 =	simm.s32 $0x100  }
.LBB2_1:
0x10: {  	s23 =	simm.s32 $0x0  }
.LBB2_2:
0x11: {  	s24 =	sshll.u32 s23, $0x7  }
0x12: {  	s24 =	sadd.s32 s10, s24  }
0x13: {  	s25 =	sshll.u32 s24, $0x1  }
0x14: {  	s28 =	simm.s32 $0x0;
	s26 =	sadd.s32 s8, s25  }
0x15: {  	[tilespmem:s15], [sflag:$0x3] =	stream.linear.gather [hbm4b:s26+s28], $0x800, $0x38;
	[tilespmem:$0x8900] =	vst v63  }
0x16: {  	_ =	swait.ge [sflag:s16], $0x800  }
0x17: {  	[sflag:s16] =	ssyncset.done $0x0  }
0x18: {  	s25 =	sadd.s32 s25, s11;
	[sflag:s16] =	ssyncadd.s32 $0xFFFFF800  }
0x19: {  	[tilespmem:s17], [sflag:$0x3] =	stream.linear.gather [hbm4b:s25+s28], $0x800, $0x38;
	[tilespmem:$0x8900] =	vst v63  }
0x1a: {  	_ =	swait.ge [sflag:s16], $0x800  }
0x1b: {  	[sflag:s16] =	ssyncset.done $0x0  }
0x1c: {  	s25 =	simm.s32 $0x0;
	[sflag:s16] =	ssyncadd.s32 $0xFFFFF800  }
0x1d: {  	s26 =	simm.s32 $0x40;
	v1 =	vld [tilespmem:s25+$0x900]  }
.LBB2_3:
0x1e: {  	p0 =	sne.s32 s26, $0x1FC0;
	v2 =	vld [tilespmem:s25+$0x100];
	_ =	sdelay $0x4  }
0x1f: {  	v1 =	vadd.f32 v1, v2;
	_ =	sdelay $0x1  }
0x20: {  	v1 =	vmax.f32 v1, $9.999999710e-10  }
0x21: {  	(erf) = vrcp.f32 v1;
	_ =	sdelay $0x5  }
.Ltmp0:
0x22: {  	(pc) =	sbr.rel @p0 .LBB2_3-.Ltmp0, $3  }
0x23: {  	_ =	sdelay $0x1  }
0x24: {  	s28 =	sshra.s32 s26, $0x2;
	v2 =	vpop (erf)  }
0x25: {  	s26 =	sadd.s32 $0x40, s26;
	v1 =	vld [tilespmem:s28+$0x900];
	[tilespmem:s25+$0x100] =	vst v2;
	s25 =	smov.u32 s28  }
0x26: {  	v2 =	vld [tilespmem:s25+$0x100];
	_ =	sdelay $0x4  }
0x27: {  	v1 =	vadd.f32 v1, v2;
	_ =	sdelay $0x1  }
0x28: {  	v1 =	vmax.f32 v1, $9.999999710e-10  }
0x29: {  	(erf) = vrcp.f32 v1;
	_ =	sdelay $0x7  }
0x2a: {  	s24 =	sshll.u32 s24, $0x4;
	s23 =	sadd.s32 $0x1, s23  }
0x2b: {  	s24 =	sand.u32 $0x3FFFFFF0, s24;
	p0 =	sne.s32 s23, $0x5;
	v1 =	vpop (erf)  }
.Ltmp1:
0x2c: {  	s24 =	sadd.s32 s24, s1;
	[tilespmem:s25+$0x100] =	vst v1;
	(pc) =	sbr.rel @p0 .LBB2_2-.Ltmp1, $4  }
0x2d: {  	[spmem:s24] =	stream.linear.scatter [tilespmem:s15], [sflag:$0x3], $0x800, $0x38;
	[tilespmem:$0x8900] =	vst v63  }
0x2e: {  	_ =	swait.ge [sflag:s16], $0x800  }
0x2f: {  	[sflag:s16] =	ssyncset.done $0x0  }
0x30: {  	[sflag:s16] =	ssyncadd.s32 $0xFFFFF800  }
0x31: {  	s23 =	simm.s32 $0x40;
	s24 =	simm.s32 $0x0  }
.LBB2_6:
0x32: {  	p0 =	sne.s32 s23, $0x9FC0;
	[tilespmem:s24+$0x1100] =	vst v0;
	s24 =	smov.u32 s23;
	s23 =	sadd.s32 $0x40, s23  }
.Ltmp2:
0x33: {  	(pc) =	sbr.rel @p0 .LBB2_6-.Ltmp2, $2  }
0x34: {  	_ =	sdelay $0x2  }
0x35: {  	s24 =	sshra.s32 s24, $0x2  }
0x36: {  	[tilespmem:s24+$0x1100] =	vst v0  }
0x37: {  	[spmem:s12] =	stream.linear.scatter [tilespmem:s18], [sflag:$0x3], $0x2800, $0x38;
	[tilespmem:$0x8900] =	vst v63  }
0x38: {  	_ =	swait.ge [sflag:s16], $0x2800  }
0x39: {  	[sflag:s16] =	ssyncset.done $0x0  }
0x3a: {  	[sflag:s16] =	ssyncadd.s32 $0xFFFFD800  }
0x3b: {  	s23 =	simm.s32 $0x0;
	s24 =	simm.s32 $0x0;
	[bflag:$0x0] =	sbarrier.arrive $0xFFFF  }
.LBB2_8:
0x3c: {  	s25 =	sshll.u32 s24, $0x7  }
0x3d: {  	s25 =	sadd.s32 s9, s25  }
0x3e: {  	s26 =	sshrl.u32 s25, $0x3  }
0x3f: {  	s28 =	sadd.s32 s5, s26  }
0x40: {  	[tilespmem:s23], [sflag:$0x1] =	stream.linear.gather [hbm4b:s28+s23], $0x80, $0x38;
	[tilespmem:$0x8900] =	vst v63  }
0x41: {  	s26 =	sadd.s32 s6, s26  }
0x42: {  	[tilespmem:s19], [sflag:$0x2] =	stream.linear.gather [hbm4b:s26+s23], $0x80, $0x38;
	[tilespmem:$0x8900] =	vst v63  }
0x43: {  	_ =	swait.ge [sflag:s20], $0x80  }
0x44: {  	[sflag:s20] =	ssyncset.done $0x0  }
0x45: {  	[sflag:s20] =	ssyncadd.s32 $0xFFFFFF80  }
0x46: {  	_ =	swait.ge [sflag:s21], $0x80  }
0x47: {  	[sflag:s21] =	ssyncset.done $0x0  }
0x48: {  	s25 =	sshll.u32 s25, $0x1;
	[sflag:s21] =	ssyncadd.s32 $0xFFFFFF80  }
0x49: {  	[tilespmem:s17], [sflag:$0x1] =	stream.indirect.gather [spmem:s1], $0x10, s19, s19, $0xb8;
	[tilespmem:$0x8900] =	vst v63  }
0x4a: {  	s25 =	sadd.s32 s7, s25  }
0x4b: {  	[tilespmem:s15], [sflag:$0x2] =	stream.linear.gather [hbm4b:s25+s23], $0x800, $0x38;
	[tilespmem:$0x8900] =	vst v63  }
0x4c: {  	_ =	swait.ge [sflag:s21], $0x800  }
0x4d: {  	[sflag:s21] =	ssyncset.done $0x0  }
0x4e: {  	[sflag:s21] =	ssyncadd.s32 $0xFFFFF800  }
0x4f: {  	_ =	swait.ge [sflag:s20], $0x800  }
0x50: {  	[sflag:s20] =	ssyncset.done $0x0  }
0x51: {  	s25 =	simm.s32 $0x0;
	[sflag:s20] =	ssyncadd.s32 $0xFFFFF800  }
0x52: {  	s26 =	simm.s32 $0x40;
	v1 =	vld [tilespmem:s25+$0x900]  }
.LBB2_9:
0x53: {  	p0 =	sne.s32 s26, $0x1FC0;
	v2 =	vld [tilespmem:s25+$0x100];
	_ =	sdelay $0x2  }
.Ltmp3:
0x54: {  	(pc) =	sbr.rel @p0 .LBB2_9-.Ltmp3, $4  }
0x55: {  	_ = 	snop  }
0x56: {  	v2 =	vmul.f32 v1, v2  }
0x57: {  	s28 =	sshra.s32 s26, $0x2  }
0x58: {  	s26 =	sadd.s32 $0x40, s26;
	v1 =	vld [tilespmem:s28+$0x900];
	[tilespmem:s25+$0x100] =	vst v2;
	s25 =	smov.u32 s28  }
0x59: {  	v2 =	vld [tilespmem:s25+$0x100];
	_ =	sdelay $0x4  }
0x5a: {  	s24 =	sadd.s32 $0x1, s24;
	v1 =	vmul.f32 v1, v2  }
0x5b: {  	p0 =	sne.s32 s24, $0x50  }
.Ltmp4:
0x5c: {  	[tilespmem:s25+$0x100] =	vst v1;
	(pc) =	sbr.rel @p0 .LBB2_8-.Ltmp4, $4  }
0x5d: {  	[spmem:s3] =	stream.indirect.scatter.add.f32 [tilespmem:s15], [sflag:$0x3], $0x10, s4, s19, $0xb8;
	[tilespmem:$0x8900] =	vst v63  }
0x5e: {  	_ =	swait.ge [sflag:s16], $0x800  }
0x5f: {  	[sflag:s16] =	ssyncset.done $0x0  }
0x60: {  	[sflag:s16] =	ssyncadd.s32 $0xFFFFF800  }
0x61: {  	s22 =	sadd.s32 $0x1, s22  }
0x62: {  	s23 =	sshll.u32 s2, $0x6;
	[bflag:$0x0] =	sbarrier.arrive $0xFFFF;
	p0 =	sne.s32 s22, s14  }
.Ltmp5:
0x63: {  	s24 =	sshrl.u32 s12, $0x3;
	s23 =	sor.u32 $0x1C03, s23;
	(pc) =	sbr.rel @p0 .LBB2_1-.Ltmp5, $4  }
0x64: {  	[hbm:s13], [sflag:s23] =	dma.local [spmem:s24], $0x500  }
0x65: {  	_ =	swait.ge [sflag:s16], $0x500  }
0x66: {  	[sflag:s16] =	ssyncset.done $0x0  }
0x67: {  	[sflag:s16] =	ssyncadd.s32 $0xFFFFFB00  }
0x68: {  	_ =	sfence.sel $0x180000  }
0x69: {  	[bflag:$0x0] =	sbarrier.arrive $0xFFFF  }
0x6a: {  	p0 =	sne.s32 s2, $0x0;
	_ =	strace $0x90000050  }
0x6b: {  	s0 =	sadd.s32 @!p0 $0x100000, s0;
	[bflag:$0x2] =	sbarrier.arrive $0xFFFF  }
0x6c: {  	[sflag:s0] =	ssyncadd.tile.s32 @!p0 $0x1;
	_ =	shalt  }
.Lfunc_end2:
_tile_overlayer_lowered:
.L_overlay_start_2:
0x6d: {  	(tag) =	ssettag $0x2  }
0x6e: {  	s0 =	rddreg [dreg:$0x0];
	s2 =	stileid.u32  }
0x6f: {  	s1 =	rddreg [dreg:$0x1];
	p0 =	sne.s32 s2, $0x0  }
0x70: {  	s3 =	rddreg [dreg:$0x2];
	[bflag:$0x3] =	sbarrier.arrive $0xFFFF;
	s2 =	simm.s32 @!p0 $0x1C03  }
0x71: {  	[timem:s3], [sflag:s2] =	dma.local @!p0 [hbm:s0], s1  }
0x72: {  	s0 =	simm.s32 @!p0 $0x3  }
0x73: {  	_ =	swait.ge @!p0 [sflag:s0], s1  }
0x74: {  	s1 =	ssub.s32 @!p0 $0x0, s1;
	[sflag:s0] =	ssyncset.done @!p0 $0x0  }
0x75: {  	[sflag:s0] =	ssyncadd.s32 @!p0 s1  }
0x76: {  	[bflag:$0x3] =	sbarrier.arrive $0xFFFF  }
0x77: {  	_ =	shalt  }

// kernel: kernel.9.cloned.1.call-start
scs
__scs_entry_jumppad:
0x0: {  	(pc) =	sbr.rel $0x88, $3  }
0x1: {  	(tag) =	ssettag $0x0;
	lr =	simm.s32 $0x1  }
0x2: {  	[smem:$0x3F95] =	sst lr;
	_ =	strace $0xD0000000  }
0x3: {  	_ = 	snop  }
0x4: {  	_ = 	snop  }
0x5: {  	_ = 	snop  }
0x6: {  	_ = 	snop  }
0x7: {  	_ = 	snop  }
__scs_overlays_trampoline_lowered:
0x8: {  	[smem:$0x3FA4] =	sst s0  }
0x9: {  	[smem:$0x3FA5] =	sst s1  }
0xa: {  	[smem:$0x3FA6] =	sst s2  }
0xb: {  	[smem:$0x3FA7] =	sst s3  }
0xc: {  	[smem:$0x3FA8] =	sst s4  }
0xd: {  	[smem:$0x3FA9] =	sst s5  }
0xe: {  	[smem:$0x3FAA] =	sst s6  }
0xf: {  	[smem:$0x3FAB] =	sst s7  }
0x10: {  	[smem:$0x3FAC] =	sst s8  }
0x11: {  	[smem:$0x3FAD] =	sst s9;
	s0 =	simm.s32 @!p0 $0x0  }
0x12: {  	s1 =	sld [smem:$0x3F93];
	s0 =	simm.s32 @p0 $0x1  }
0x13: {  	[smem:$0x3FAE] =	sst s0;
	s0 =	simm.s32 @!p1 $0x0  }
0x14: {  	s2 =	sld [smem:$0x3F92];
	s0 =	simm.s32 @p1 $0x1  }
0x15: {  	[smem:$0x3FAF] =	sst s0;
	s0 =	simm.s32 @!p2 $0x0  }
0x16: {  	s3 =	sld [smem:$0x3FDB];
	s0 =	simm.s32 @p2 $0x1  }
0x17: {  	s4 =	simm.s32 $0x1BF5;
	[smem:$0x3FB1] =	sst s0  }
0x18: {  	s0 =	sld [smem:$0x3F94];
	_ =	swait.ge [sflag:s4], $0x0  }
0x19: {  	s7 =	sld [smem:$0x3F95]  }
0x1a: {  	s8 =	sadd.s32 $0xFFFFE003, lr  }
0x1b: {  	s9 =	sadd.s32 $0xFFFFFEF7, lr;
	s5 =	simm.s32 $0xFFFFFFFF;
	p2 =	slt.u32 s8, $0xFFFFF086  }
0x1c: {  	p1 =	slt.u32 s9, $0xF7A;
	s5 =	simm.s32 @!p2 $0x0  }
0x1d: {  	s5 =	simm.s32 @p1 $0x1;
	p0 =	seq.s32 s7, s2  }
0x1e: {  	s7 =	smul.u32 @!p0 $0xF7A, s2;
	p2 =	seq.s32 @!p0 s5, $0x0  }
0x1f: {  	s9 =	smul.u32 $0xF7A, s1;
	s8 =	simm.s32 @!p0 $0x1BF5;
	p2 =	por !p2, p0  }
0x20: {  	[sflag:s8] =	ssyncset.s32 @!p0 $0xFFFFF086;
	s6 =	sadd.s32 @!p0 s3, s7;
	s7 =	simm.s32 @!p0 $0x108  }
0x21: {  	s3 =	sadd.s32 s3, s9;
	s6 =	sadd.s32 @!p0 $0x88, s6;
	s7 =	simm.s32 @p2 $0x1082  }
0x22: {  	[simem:s7], [sflag:s8] =	dma.local @!p0 [hbm:s6], $0xF7A  }
0x23: {  	s9 =	sor.u32 $0xD0000000, s2;
	s6 =	simm.s32 $0x108;
	_ =	swait.ge @!p0 [sflag:s8], $0x0  }
0x24: {  	s3 =	sadd.s32 $0x88, s3;
	s6 =	simm.s32 @!p1 $0x1082;
	[sflag:s4] =	ssyncset.s32 $0xFFFFF086  }
0x25: {  	[simem:s6], [sflag:s4] =	dma.local [hbm:s3], $0xF7A  }
0x26: {  	[smem:$0x3F95] =	sst s1;
	(tag) =	ssettag s2;
	_ =	strace s9  }
0x27: {  	s1 =	sld [smem:$0x3FA5]  }
0x28: {  	s2 =	sld [smem:$0x3FA6]  }
0x29: {  	s4 =	sld [smem:$0x3FA8]  }
0x2a: {  	p0 =	seq.s32 s5, $0x0;
	s5 =	sld [smem:$0x3FA9]  }
0x2b: {  	s6 =	sld [smem:$0x3FAA]  }
0x2c: {  	s7 =	sld [smem:$0x3FAB]  }
0x2d: {  	s3 =	simm.s32 $0x108;
	s8 =	sld [smem:$0x3FAC]  }
0x2e: {  	s3 =	simm.s32 @!p0 $0x1082;
	s9 =	sld [smem:$0x3FAD]  }
0x2f: {  	lr =	sadd.s32 s0, s3;
	s0 =	sld [smem:$0x3FA4]  }
0x30: {  	s3 =	sld [smem:$0x3FA7]  }
0x31: {  	[smem:$0x3FB0] =	sst s10  }
0x32: {  	s10 =	sld [smem:$0x3FAE];
	_ =	sdelay $0x3  }
0x33: {  	p0 =	seq.s32 s10, $0x1;
	s10 =	sld [smem:$0x3FB0];
	_ =	sdelay $0x3  }
0x34: {  	[smem:$0x3FB0] =	sst s10  }
0x35: {  	s10 =	sld [smem:$0x3FAF];
	_ =	sdelay $0x3  }
0x36: {  	p1 =	seq.s32 s10, $0x1;
	s10 =	sld [smem:$0x3FB0];
	_ =	sdelay $0x3  }
0x37: {  	[smem:$0x3FB0] =	sst s10  }
0x38: {  	s10 =	sld [smem:$0x3FB1]  }
0x39: {  	_ = 	snop;
	(pc) =	sbr.ind lr, $3  }
0x3a: {  	_ = 	snop  }
0x3b: {  	_ = 	snop  }
0x3c: {  	p2 =	seq.s32 s10, $0x1;
	s10 =	sld [smem:$0x3FB0]  }
0x3d: {  	_ =	shalt  }
0x3e: {  	_ =	shalt  }
0x3f: {  	_ =	shalt  }
0x40: {  	_ =	shalt  }
0x41: {  	_ =	shalt  }
0x42: {  	_ =	shalt  }
0x43: {  	_ =	shalt  }
0x44: {  	_ =	shalt  }
0x45: {  	_ =	shalt  }
0x46: {  	_ =	shalt  }
0x47: {  	_ =	shalt  }
0x48: {  	_ =	shalt  }
0x49: {  	_ =	shalt  }
0x4a: {  	_ =	shalt  }
0x4b: {  	_ =	shalt  }
0x4c: {  	_ =	shalt  }
0x4d: {  	_ =	shalt  }
0x4e: {  	_ =	shalt  }
0x4f: {  	_ =	shalt  }
0x50: {  	_ =	shalt  }
0x51: {  	_ =	shalt  }
0x52: {  	_ =	shalt  }
0x53: {  	_ =	shalt  }
0x54: {  	_ =	shalt  }
0x55: {  	_ =	shalt  }
0x56: {  	_ =	shalt  }
0x57: {  	_ =	shalt  }
0x58: {  	_ =	shalt  }
0x59: {  	_ =	shalt  }
0x5a: {  	_ =	shalt  }
0x5b: {  	_ =	shalt  }
0x5c: {  	_ =	shalt  }
0x5d: {  	_ =	shalt  }
0x5e: {  	_ =	shalt  }
0x5f: {  	_ =	shalt  }
0x60: {  	_ =	shalt  }
0x61: {  	_ =	shalt  }
0x62: {  	_ =	shalt  }
0x63: {  	_ =	shalt  }
0x64: {  	_ =	shalt  }
0x65: {  	_ =	shalt  }
0x66: {  	_ =	shalt  }
0x67: {  	_ =	shalt  }
0x68: {  	_ =	shalt  }
0x69: {  	_ =	shalt  }
0x6a: {  	_ =	shalt  }
0x6b: {  	_ =	shalt  }
0x6c: {  	_ =	shalt  }
0x6d: {  	_ =	shalt  }
0x6e: {  	_ =	shalt  }
0x6f: {  	_ =	shalt  }
0x70: {  	_ =	shalt  }
0x71: {  	_ =	shalt  }
0x72: {  	_ =	shalt  }
0x73: {  	_ =	shalt  }
0x74: {  	_ =	shalt  }
0x75: {  	_ =	shalt  }
0x76: {  	_ =	shalt  }
0x77: {  	_ =	shalt  }
0x78: {  	_ =	shalt  }
0x79: {  	_ =	shalt  }
0x7a: {  	_ =	shalt  }
0x7b: {  	_ =	shalt  }
0x7c: {  	_ =	shalt  }
0x7d: {  	_ =	shalt  }
0x7e: {  	_ =	shalt  }
0x7f: {  	_ =	shalt  }
0x80: {  	_ =	shalt  }
0x81: {  	_ =	shalt  }
0x82: {  	_ =	shalt  }
0x83: {  	_ =	shalt  }
0x84: {  	_ =	shalt  }
0x85: {  	_ =	shalt  }
0x86: {  	_ =	shalt  }
0x87: {  	_ =	shalt  }
.Lfunc_end0:
.L_simem_size_0:
called_computation_lowered:
.L_overlay_start_0:
0x88: {  	s2 =	sld [smem:$0x3FD9]  }
0x89: {  	s3 =	sld [smem:$0x3FFE];
	_ =	sdelay $0x1  }
0x8a: {  	s1 =	srdreg.scid  }
0x8b: {  	s0 =	sand.u32 $0x1, s1  }
0x8c: {  	s17 =	sshll.u32 s0, $0xA;
	s2 =	sadd.s32 s3, s2  }
0x8d: {  	s2 =	sadd.s32 s2, s17  }
0x8e: {  	[smem:$0x3FBC] =	sst s2  }
0x8f: {  	_ = 	snop  }
0x90: {  	s2 =	sld [smem:$0x3FD0];
	(tm) =	ssettm $0x1  }
0x91: {  	s18 =	sld [smem:$0x3FFB];
	_ =	sdelay $0x3  }
0x92: {  	_ =	strace s18  }
0x93: {  	s3 =	sld [smem:$0x3FFC];
	_ =	sdelay $0x3  }
0x94: {  	_ =	strace s3  }
0x95: {  	s3 =	sld [smem:$0x3FFD];
	_ =	sdelay $0x3  }
0x96: {  	_ =	strace s3  }
0x97: {  	_ =	strace $0x8FFFFFFF  }
0x98: {  	s19 =	sld [smem:$0x3FDB];
	_ =	sdelay $0x1  }
0x99: {  	s4 =	simm.s32 $_scs_section_size  }
0x9a: {  	s5 =	simm.s32 $_size__tile_overlayer_lowered;
	s6 =	simm.s32 $_tile_overlayer_lowered  }
0x9b: {  	s22 =	simm.s32 $0x1BFF;
	s21 =	sshll.u32 s6, $0x1;
	s3 =	sadd.s32 s4, s19  }
0x9c: {  	s7 =	simm.s32 $0x0;
	s20 =	sshll.u32 s5, $0x1;
	s5 =	sadd.s32 s21, s3  }
0x9d: {  	[timem:s7], [sflag:s22] =	dma.local [hbm:s5], s20  }
0x9e: {  	_ =	swait.ge [sflag:s22], s20  }
0x9f: {  	s4 =	ssub.s32 $0x0, s20;
	[sflag:s22] =	ssyncset.done $0x0  }
0xa0: {  	[sflag:s22] =	ssyncadd.s32 s4;
	_ =	sdelay $0x1  }
0xa1: {  	s23 =	simm.s32 $0x1B8B  }
0xa2: {  	_ =	swait.ge [sflag:s23], $0x1  }
0xa3: {  	[sflag:s23] =	ssyncset.done $0x0  }
0xa4: {  	s25 =	simm.s32 $0x1B8E;
	s24 =	sld [smem:$0x3FFE];
	[sflag:s23] =	ssyncadd.s32 $0xFFFFFFFF  }
0xa5: {  	s26 =	simm.s32 $execute0_lowered;
	[smem:$0x3FD2] =	sst s25  }
0xa6: {  	s5 =	sshll.u32 s26, $0x1;
	_ =	strace $0x80000046;
	[dreg:$0x1] =	wrdreg $0xFFFFFFFF  }
0xa7: {  	s28 =	simm.s32 $_size_execute0_lowered;
	s3 =	sadd.s32 s3, s5;
	[dreg:$0x0] =	wrdreg $0x0  }
0xa8: {  	s5 =	sshll.u32 s28, $0x1;
	[dreg:$0x2] =	wrdreg s3  }
0xa9: {  	[dreg:$0x3] =	wrdreg s5  }
0xaa: {  	[dreg:$0x4] =	wrdreg $0xC0  }
0xab: {  	_ =	task [dreg:s7], $0x5FFFF  }
0xac: {  	[dreg:$0x1] =	wrdreg $0xFFFFFFFF  }
0xad: {  	[dreg:$0x0] =	wrdreg $0x60  }
0xae: {  	[dreg:$0x2] =	wrdreg s24  }
0xaf: {  	[dreg:$0x3] =	wrdreg s2  }
0xb0: {  	[dreg:$0x4] =	wrdreg $0x69100  }
0xb1: {  	[dreg:$0x5] =	wrdreg $0x91100  }
0xb2: {  	[dreg:$0x6] =	wrdreg $0x41100  }
0xb3: {  	[dreg:$0x7] =	wrdreg $0x9  }
0xb4: {  	_ =	task.clear_ibuf [dreg:s7], $0x8FFFF;
	_ =	strace $0x90000046  }
0xb5: {  	s29 =	simm.s32 $0x9;
	_ =	strace $0x80000048  }
0xb6: {  	_ =	swait.ge [sflag:s29], $0x1  }
0xb7: {  	[sflag:s29] =	ssyncadd.s32 $0xFFFFFFFF  }
0xb8: {  	_ =	strace $0x90000048  }
0xb9: {  	_ =	sfence  }
0xba: {  	s30 =	sld [smem:$0x0];
	_ =	sdelay $0x2  }
0xbb: {  	s31 =	sshll.u32 s1, $0xD;
	s1 =	sshrl.u32 s1, $0x2  }
0xbc: {  	s3 =	sand.u32 $0x4000, s31;
	s1 =	sadd.s32 s1, s30  }
0xbd: {  	s0 =	sor.u32 s3, s0;
	s1 =	sshll.u32 s1, $0x11  }
0xbe: {  	s0 =	sor.u32 s1, s0  }
0xbf: {  	s0 =	sadd.s32 $0x8F2B, s0  }
0xc0: {  	[sflag:s0] =	ssyncadd.remote.s32 $0x1  }
0xc1: {  	_ =	sfence.sel $0xFFFF  }
0xc2: {  	[dreg:$0x0] =	wrdreg $0xFFFFFFFF;
	(pc) =	sbr.abs _section_cstart, $3  }
0xc3: {  	[dreg:$0x1] =	wrdreg $0xFFFFFFFF  }
0xc4: {  	_ =	task.clear_ibuf [dreg:s7], $0x2FFFF;
	_ =	strace $0x9FFFFFFF  }
0xc5: {  	(tm) =	ssettm $0x7FFFFFFF  }
tec
execute0_lowered:
.L_overlay_start_1:
0x0: {  	(tag) =	ssettag $0x1  }
0x1: {  	s0 =	rddreg [dreg:$0x0]  }
0x2: {  	s2 =	rddreg [dreg:$0x2]  }
0x3: {  	s4 =	rddreg [dreg:$0x3]  }
0x4: {  	s5 =	rddreg [dreg:$0x4];
	s6 =	simm.s32 $0x0;
	s17 =	stileid.u32  }
0x5: {  	s3 =	srdreg.scid;
	s22 =	simm.s32 $0x80;
	s23 =	simm.s32 $0x1  }
0x6: {  	s28 =	simm.s32 $0x1100;
	s29 =	simm.s32 $0x0;
	s30 =	simm.s32 $0x0  }
0x7: {  	[smem:$0x7FF] =	sst s6;
	s1 =	smul.u32 $0x2800, s17;
	s7 =	sadd.s32 $0x3D200, s0  }
0x8: {  	s3 =	sand.u32 $0x1, s3;
	s10 =	smul.u32 $0x500, s17;
	s8 =	sadd.s32 $0x33200, s0  }
0x9: {  	s14 =	sshll.u32 s17, $0x1;
	s31 =	sshll.u32 s17, $0x6;
	s17 =	simm.s32 $0x3  }
0xa: {  	_ =	strace $0x80000047;
	s12 =	smul.u32 $0x5000, s3;
	s13 =	ssub.s32 $0x2, s3  }
0xb: {  	s3 =	sor.u32 s3, s14;
	s18 =	sor.u32 $0x1C03, s31;
	s9 =	sshrl.u32 s1, $0x3  }
0xc: {  	s24 =	sshrl.u32 s13, $0x1;
	s25 =	sadd.s32 s1, s2;
	s16 =	sadd.s32 s1, s4  }
0xd: {  	s11 =	sadd.s32 s9, s0;
	s9 =	sadd.s32 $0x51200, s0;
	s10 =	sadd.s32 s10, s12  }
0xe: {  	s15 =	ssub.s32 s13, s24;
	s13 =	sadd.s32 s1, s5;
	s19 =	sshrl.u32 s25, $0x3  }
0xf: {  	s20 =	sshrl.u32 s16, $0x3;
	s24 =	simm.s32 $0x2;
	s25 =	simm.s32 $0x100  }
0x10: {  	s0 =	sadd.s32 s10, s0;
	s10 =	smul.u32 $0x2800, s3;
	s26 =	sadd.s32 $0x2E200, s11  }
0x11: {  	s11 =	sadd.s32 $0x29200, s11;
	s15 =	smax.u32 s15, $0x1;
	[dreg:$0x6] =	wrdreg s26  }
0x12: {  	v0 =	vimm.f32 $0.0e+00;
	[dreg:$0x7] =	wrdreg s11;
	s14 =	sadd.s32 $0x47200, s0;
	s26 =	simm.s32 $0x900  }
.LBB2_1:
0x13: {  	s0 =	rddreg [dreg:$0x1];
	s1 =	simm.s32 $0x1900  }
0x14: {  	[tilespmem:s1], [sflag:$0x3] =	stream.linear.gather [hbm4b:s0+s6], $0x10, $0x38;
	[tilespmem:$0xB910] =	vst v63  }
0x15: {  	_ =	swait.ge [sflag:s17], $0x10  }
0x16: {  	[sflag:s17] =	ssyncset.done $0x0  }
0x17: {  	s21 =	rddreg [dreg:$0x6];
	[sflag:s17] =	ssyncadd.s32 $0xFFFFFFF0  }
0x18: {  	[spmem:s19], [sflag:s18] =	dma.local [hbm:s21], $0x500  }
0x19: {  	_ =	swait.ge [sflag:s17], $0x500  }
0x1a: {  	[sflag:s17] =	ssyncset.done $0x0  }
0x1b: {  	s31 =	rddreg [dreg:$0x7];
	[sflag:s17] =	ssyncadd.s32 $0xFFFFFB00  }
0x1c: {  	[spmem:s20], [sflag:s18] =	dma.local [hbm:s31], $0x500  }
0x1d: {  	_ =	swait.ge [sflag:s17], $0x500  }
0x1e: {  	[sflag:s17] =	ssyncset.done $0x0  }
0x1f: {  	s0 =	simm.s32 $0x40;
	s1 =	simm.s32 $0x0;
	[sflag:s17] =	ssyncadd.s32 $0xFFFFFB00  }
.LBB2_2:
0x20: {  	p0 =	sne.s32 s0, $0x9FC0;
	[tilespmem:s1+$0x1910] =	vst v0;
	s1 =	smov.u32 s0;
	s0 =	sadd.s32 $0x40, s0  }
.Ltmp0:
0x21: {  	(pc) =	sbr.rel @p0 .LBB2_2-.Ltmp0, $2  }
0x22: {  	_ =	sdelay $0x2  }
0x23: {  	s1 =	sshra.s32 s1, $0x2  }
0x24: {  	[tilespmem:s1+$0x1910] =	vst v0;
	s0 =	simm.s32 $0x1910  }
0x25: {  	[spmem:s13] =	stream.linear.scatter [tilespmem:s0], [sflag:$0x3], $0x2800, $0x38;
	[tilespmem:$0xB910] =	vst v63  }
0x26: {  	_ =	swait.ge [sflag:s17], $0x2800  }
0x27: {  	[sflag:s17] =	ssyncset.done $0x0  }
0x28: {  	[sflag:s17] =	ssyncadd.s32 $0xFFFFD800  }
0x29: {  	[bflag:$0x0] =	sbarrier.arrive $0xFFFF  }
0x2a: {  	v1 =	vld [tilespmem:$0x1900];
	_ =	sdelay $0x3  }
0x2b: {  	s31 =	simm.s32 $0x0  }
.LBB2_4:
0x2c: {  	s0 =	sshll.u32 s31, $0x7  }
0x2d: {  	s0 =	sadd.s32 s10, s0  }
0x2e: {  	s1 =	sshrl.u32 s0, $0x3  }
0x2f: {  	s3 =	sadd.s32 s7, s1  }
0x30: {  	[tilespmem:s30], [sflag:$0x1] =	stream.linear.gather [hbm4b:s3+s30], $0x80, $0x38;
	[tilespmem:$0xB910] =	vst v63  }
0x31: {  	s1 =	sadd.s32 s8, s1  }
0x32: {  	[tilespmem:s22], [sflag:$0x2] =	stream.linear.gather [hbm4b:s1+s30], $0x80, $0x38;
	[tilespmem:$0xB910] =	vst v63  }
0x33: {  	_ =	swait.ge [sflag:s23], $0x80  }
0x34: {  	[sflag:s23] =	ssyncset.done $0x0  }
0x35: {  	[sflag:s23] =	ssyncadd.s32 $0xFFFFFF80  }
0x36: {  	_ =	swait.ge [sflag:s24], $0x80  }
0x37: {  	[sflag:s24] =	ssyncset.done $0x0  }
0x38: {  	[sflag:s24] =	ssyncadd.s32 $0xFFFFFF80  }
0x39: {  	[tilespmem:s25], [sflag:$0x1] =	stream.indirect.gather [spmem:s2], $0x10, s30, s22, $0xb8;
	[tilespmem:$0xB910] =	vst v63  }
0x3a: {  	_ = 	snop  }
0x3b: {  	[tilespmem:s26], [sflag:$0x2] =	stream.indirect.gather [spmem:s4], $0x10, s22, s22, $0xb8;
	[tilespmem:$0xB910] =	vst v63  }
0x3c: {  	_ =	swait.ge [sflag:s23], $0x800  }
0x3d: {  	[sflag:s23] =	ssyncset.done $0x0  }
0x3e: {  	[sflag:s23] =	ssyncadd.s32 $0xFFFFF800  }
0x3f: {  	_ =	swait.ge [sflag:s24], $0x800  }
0x40: {  	[sflag:s24] =	ssyncset.done $0x0  }
0x41: {  	s3 =	simm.s32 $0x0;
	[sflag:s24] =	ssyncadd.s32 $0xFFFFF800  }
0x42: {  	v2 =	vld [tilespmem:s3+$0x100]  }
0x43: {  	v3 =	vld [tilespmem:s3+$0x900];
	_ =	sdelay $0x1  }
0x44: {  	s1 =	simm.s32 $0x10  }
0x45: {  	v4 =	vld [tilespmem:s1+$0x100]  }
0x46: {  	v5 =	vld [tilespmem:s1+$0x900]  }
0x47: {  	v2 =	vadd.f32 v3, v2;
	_ =	sdelay $0x1  }
0x48: {  	v6 =	vmul.f32 $2.000000030e-01, v2;
	_ =	sdelay $0x1  }
0x49: {  	v4 =	vadd.f32 v5, v4;
	v2 =	vmax.f32 v2, v6  }
0x4a: {  	s16 =	simm.s32 $0x20;
	v2 =	vsub.f32 v2, v1  }
0x4b: {  	v3 =	vld [tilespmem:s16+$0x100];
	v7 =	vmul.f32 $2.000000030e-01, v4  }
0x4c: {  	v5 =	vld [tilespmem:s16+$0x900];
	v2 =	vmul.f32 $1.442695020e+00, v2  }
0x4d: {  	v4 =	vmax.f32 v4, v7  }
0x4e: {  	v4 =	vsub.f32 v4, v1;
	(erf) = vpow2.f32 v2;
	_ =	sdelay $0x1  }
0x4f: {  	s21 =	simm.s32 $0x30;
	v4 =	vmul.f32 $1.442695020e+00, v4  }
0x50: {  	v5 =	vadd.f32 v5, v3;
	v3 =	vld [tilespmem:s21+$0x900]  }
0x51: {  	v2 =	vld [tilespmem:s21+$0x100];
	(erf) = vpow2.f32 v4  }
0x52: {  	v6 =	vmul.f32 $2.000000030e-01, v5;
	_ =	sdelay $0x1  }
0x53: {  	s11 =	simm.s32 $0x100;
	v4 =	vmax.f32 v5, v6  }
.LBB2_5:
0x54: {  	s12 =	sshra.s32 s11, $0x2;
	v4 =	vsub.f32 v4, v1;
	p0 =	sne.s32 s11, $0x1FC0  }
.Ltmp1:
0x55: {  	s11 =	sadd.s32 $0x40, s11;
	v5 =	vadd.f32 v3, v2;
	v2 =	vld [tilespmem:s12+$0x100];
	v6 =	vpop (erf);
	(pc) =	sbr.rel @p0 .LBB2_5-.Ltmp1, $4  }
0x56: {  	v3 =	vld [tilespmem:s12+$0x900];
	v4 =	vmul.f32 $1.442695020e+00, v4;
	[tilespmem:s3+$0x1100] =	vst v6;
	s3 =	smov.u32 s1;
	s1 =	smov.u32 s16;
	s16 =	smov.u32 s21  }
0x57: {  	s21 =	smov.u32 s12;
	v6 =	vmul.f32 $2.000000030e-01, v5  }
0x58: {  	(erf) = vpow2.f32 v4  }
0x59: {  	v4 =	vmax.f32 v5, v6  }
0x5a: {  	_ = 	snop  }
0x5b: {  	v2 =	vadd.f32 v3, v2;
	_ =	sdelay $0x1  }
0x5c: {  	v3 =	vmul.f32 $2.000000030e-01, v2;
	_ =	sdelay $0x1  }
0x5d: {  	v4 =	vsub.f32 v4, v1;
	v2 =	vmax.f32 v2, v3  }
0x5e: {  	v2 =	vsub.f32 v2, v1  }
0x5f: {  	v3 =	vmul.f32 $1.442695020e+00, v4  }
0x60: {  	v2 =	vmul.f32 $1.442695020e+00, v2  }
0x61: {  	(erf) = vpow2.f32 v3  }
0x62: {  	(erf) = vpow2.f32 v2;
	_ =	sdelay $0x5  }
0x63: {  	v2 =	vpop (erf)  }
0x64: {  	v3 =	vpop (erf);
	[tilespmem:s3+$0x1100] =	vst v2  }
0x65: {  	[tilespmem:s1+$0x1100] =	vst v3;
	v2 =	vpop (erf)  }
0x66: {  	s0 =	sshll.u32 s0, $0x1;
	[tilespmem:s16+$0x1100] =	vst v2;
	v2 =	vpop (erf)  }
0x67: {  	s0 =	sadd.s32 s9, s0;
	[tilespmem:s21+$0x1100] =	vst v2  }
0x68: {  	[hbm4b:s0+s6] =	stream.linear.scatter [tilespmem:s28], [sflag:$0x1], $0x800, $0x38;
	[tilespmem:$0xB910] =	vst v63  }
0x69: {  	s31 =	sadd.s32 $0x1, s31  }
0x6a: {  	[spmem:s5] =	stream.indirect.scatter.add.f32 [tilespmem:s28], [sflag:$0x3], $0x10, s22, s22, $0xb8;
	[tilespmem:$0xB910] =	vst v63  }
0x6b: {  	p0 =	sne.s32 s31, $0x50;
	_ =	swait.ge [sflag:s17], $0x800  }
.Ltmp2:
0x6c: {  	[sflag:s17] =	ssyncset.done $0x0;
	(pc) =	sbr.rel @p0 .LBB2_4-.Ltmp2, $4  }
0x6d: {  	[sflag:s17] =	ssyncadd.s32 $0xFFFFF800  }
0x6e: {  	_ =	swait.ge [sflag:s23], $0x800  }
0x6f: {  	[sflag:s23] =	ssyncset.done $0x0  }
0x70: {  	[sflag:s23] =	ssyncadd.s32 $0xFFFFF800  }
0x71: {  	s29 =	sadd.s32 $0x1, s29  }
0x72: {  	p0 =	sne.s32 s29, s15  }
.Ltmp3:
0x73: {  	[bflag:$0x0] =	sbarrier.arrive $0xFFFF;
	s0 =	sshrl.u32 s13, $0x3;
	(pc) =	sbr.rel @p0 .LBB2_1-.Ltmp3, $4  }
0x74: {  	[hbm:s14], [sflag:s18] =	dma.local [spmem:s0], $0x500  }
0x75: {  	_ =	swait.ge [sflag:s17], $0x500  }
0x76: {  	[sflag:s17] =	ssyncset.done $0x0  }
0x77: {  	[sflag:s17] =	ssyncadd.s32 $0xFFFFFB00  }
0x78: {  	_ =	sfence.sel $0x180000  }
0x79: {  	[bflag:$0x0] =	sbarrier.arrive $0xFFFF  }
0x7a: {  	_ =	strace $0x90000047  }
0x7b: {  	s0 =	stileid.u32;
	[bflag:$0x2] =	sbarrier.arrive $0xFFFF  }
0x7c: {  	p0 =	sne.s32 s0, $0x0;
	s0 =	rddreg [dreg:$0x5]  }
0x7d: {  	s0 =	sadd.s32 @!p0 $0x100000, s0  }
0x7e: {  	[sflag:s0] =	ssyncadd.tile.s32 @!p0 $0x1;
	_ =	shalt  }
.Lfunc_end2:
_tile_overlayer_lowered:
.L_overlay_start_2:
0x7f: {  	(tag) =	ssettag $0x2  }
0x80: {  	s0 =	rddreg [dreg:$0x0];
	s2 =	stileid.u32  }
0x81: {  	s1 =	rddreg [dreg:$0x1];
	p0 =	sne.s32 s2, $0x0  }
0x82: {  	s3 =	rddreg [dreg:$0x2];
	[bflag:$0x3] =	sbarrier.arrive $0xFFFF;
	s2 =	simm.s32 @!p0 $0x1C03  }
0x83: {  	[timem:s3], [sflag:s2] =	dma.local @!p0 [hbm:s0], s1  }
0x84: {  	s0 =	simm.s32 @!p0 $0x3  }
0x85: {  	_ =	swait.ge @!p0 [sflag:s0], s1  }
0x86: {  	s1 =	ssub.s32 @!p0 $0x0, s1;
	[sflag:s0] =	ssyncset.done @!p0 $0x0  }
0x87: {  	[sflag:s0] =	ssyncadd.s32 @!p0 s1  }
0x88: {  	[bflag:$0x3] =	sbarrier.arrive $0xFFFF  }
0x89: {  	_ =	shalt  }

</sc_bundles>
